<compile_context>
chip_gen: v7x
topology: tpu7x:2x2x1
jax: 0.10.2.dev20260603
libtpu: 0.0.44.dev20260713+nightly
codegen_flags: <defaults>
</compile_context>

<pallas_src>
import functools

import jax
import jax.numpy as jnp
from jax import lax
from jax.experimental import pallas as pl
from jax.experimental.pallas import tpu as pltpu
from jax.experimental.pallas import tpu_sc as plsc

NC = 2
NS = 16
NW = NC * NS
L = 16
C = 80
CB = 128


def _zero2d(ref, nrows, ncols):
    z = jnp.zeros((L,), jnp.float32)

    def body(r, carry):
        for jj in range(ncols // L):
            ref[r, pl.ds(jj * L, L)] = z
        return carry

    lax.fori_loop(0, nrows, body, 0)


def _mesh(nc=NC):
    return plsc.VectorSubcoreMesh(core_axis_name="c", subcore_axis_name="s",
                                  num_cores=nc)


def _pad_n(n):
    return ((n + NS * L - 1) // (NS * L)) * (NS * L)


def _make_deg_kernel(n, n_blk):
    np_ = _pad_n(n)
    rows_per_tile = np_ // NS
    blocks_per_w = n_blk // NW
    assert blocks_per_w % 2 == 0

    @functools.partial(
        pl.kernel,
        mesh=_mesh(),
        out_type=jax.ShapeDtypeStruct((NC * 4 * np_,), jnp.float32),
        scratch_types=[
            [pltpu.VMEM_SHARED((np_,), jnp.float32) for _ in range(4)],
            [pltpu.VMEM((2, CB), jnp.int32) for _ in range(2)],
            [pltpu.VMEM((CB,), jnp.float32) for _ in range(2)],
            pltpu.VMEM((CB,), jnp.float32),
            pltpu.VMEM((rows_per_tile,), jnp.float32),
            [pltpu.SemaphoreType.DMA for _ in range(2)],
        ],
        compiler_params=pltpu.CompilerParams(use_tc_tiling_on_sc=False),
    )
    def deg_kernel(eidx_h, ew_h, out_h, accs, idx, ewb, ones_v, zbuf, sem):
        c = lax.axis_index("c")
        s = lax.axis_index("s")
        wid = s * NC + c
        start = wid * blocks_per_w

        z = jnp.zeros((L,), jnp.float32)
        one = jnp.ones((L,), jnp.float32)

        def zb(r, carry):
            zbuf[pl.ds(r * L, L)] = z
            return carry

        lax.fori_loop(0, rows_per_tile // L, zb, 0)
        for i in range(CB // L):
            ones_v[pl.ds(i * L, L)] = one
        r0 = s * rows_per_tile
        for acc in accs:
            pltpu.sync_copy(zbuf, acc.at[pl.ds(r0, rows_per_tile)])

        plsc.subcore_barrier()

        def issue(blk, b):
            pltpu.async_copy(eidx_h.at[blk], idx[b], sem[b])
            pltpu.async_copy(ew_h.at[blk], ewb[b], sem[b])

        def process(b):
            pltpu.make_async_copy(eidx_h.at[0], idx[b], sem[b]).wait()
            pltpu.make_async_copy(ew_h.at[0], ewb[b], sem[b]).wait()
            pltpu.sync_copy(ewb[b], accs[0].at[idx[b].at[0]], add=True)
            pltpu.sync_copy(ones_v, accs[1].at[idx[b].at[0]], add=True)
            pltpu.sync_copy(ewb[b], accs[2].at[idx[b].at[1]], add=True)
            pltpu.sync_copy(ones_v, accs[3].at[idx[b].at[1]], add=True)

        issue(start, 0)
        issue(start + 1, 1)
        npairs = blocks_per_w // 2

        def pair(m, carry):
            process(0)

            @pl.when(m < npairs - 1)
            def _():
                issue(start + 2 * m + 2, 0)

            process(1)

            @pl.when(m < npairs - 1)
            def _():
                issue(start + 2 * m + 3, 1)
            return carry

        lax.fori_loop(0, npairs, pair, 0)
        plsc.subcore_barrier()

        for k, acc in enumerate(accs):
            pltpu.sync_copy(acc.at[pl.ds(r0, rows_per_tile)], zbuf)
            pltpu.sync_copy(
                zbuf, out_h.at[pl.ds((c * 4 + k) * np_ + r0, rows_per_tile)])

    return deg_kernel


def _make_mp_kernel(n, d, n_blk, weighted):
    np_ = _pad_n(n)
    rows_per_tile = np_ // NS
    base_cnt, rem = divmod(n_blk, NS)
    assert rem % 2 == 0
    nx = 2

    scratch = [
        pltpu.VMEM_SHARED((np_, d), jnp.float32),
        [pltpu.VMEM((2, CB), jnp.int32) for _ in range(2)],
        [pltpu.VMEM((CB, d), jnp.float32) for _ in range(2)],
        [pltpu.SemaphoreType.DMA for _ in range(2)],
    ]
    if weighted:
        scratch.append([pltpu.VMEM((CB + L,), jnp.float32) for _ in range(2)])

    @functools.partial(
        pl.kernel,
        mesh=_mesh(1),
        out_type=jax.ShapeDtypeStruct((np_, d), jnp.float32),
        scratch_types=scratch,
        compiler_params=pltpu.CompilerParams(use_tc_tiling_on_sc=False),
    )
    def mp_kernel(feat_h, eidx_h, *rest):
        if weighted:
            ew_h, out_h, agg, idx, rows, sem, ew_v = rest
        else:
            out_h, agg, idx, rows, sem = rest
        s = lax.axis_index("s")
        half = rem // nx
        cnt = jnp.where(s < half, base_cnt + nx, base_cnt)
        start = s * base_cnt + nx * jnp.minimum(s, half)

        _zero2d(rows[0], CB, d)
        r0 = s * rows_per_tile
        for q in range(rows_per_tile // CB):
            pltpu.sync_copy(rows[0], agg.at[pl.ds(r0 + q * CB, CB)])
        plsc.subcore_barrier()

        def issue(blk, b):
            pltpu.sync_copy(eidx_h.at[blk], idx[b])
            if weighted:
                pltpu.sync_copy(ew_h.at[blk], ew_v[b].at[pl.ds(0, CB)])
            return pltpu.async_copy(feat_h.at[idx[b].at[0]], rows[b], sem[b])

        def process(b):
            if weighted:
                @functools.partial(plsc.parallel_loop, 0, CB)
                def _(ei):
                    w = ew_v[b][pl.ds(ei, L)][0]
                    for jj in range(d // L):
                        sl = pl.ds(jj * L, L)
                        rows[b][ei, sl] = rows[b][ei, sl] * w
            pltpu.sync_copy(rows[b], agg.at[idx[b].at[1]], add=True)

        issue(start, 0)
        issue(start + 1, 1)

        npairs = cnt // 2

        def drain(b):
            pltpu.make_async_copy(feat_h.at[idx[b].at[0]], rows[b],
                                  sem[b]).wait()

        def pair(m, carry):
            drain(0)
            process(0)

            @pl.when(m < npairs - 1)
            def _():
                issue(start + 2 * m + 2, 0)

            drain(1)
            process(1)

            @pl.when(m < npairs - 1)
            def _():
                issue(start + 2 * m + 3, 1)
            return carry

        lax.fori_loop(0, npairs, pair, 0)
        plsc.subcore_barrier()

        for q in range(rows_per_tile // CB):
            pltpu.sync_copy(agg.at[pl.ds(r0 + q * CB, CB)], rows[0])
            pltpu.sync_copy(rows[0], out_h.at[pl.ds(r0 + q * CB, CB)])

    return mp_kernel


def _tc_norms_mm(deg_ref, x_ref, w1_ref, featn_ref, norms_ref):
    dsum = jnp.sum(deg_ref[...], axis=2)
    norms = jnp.where(dsum > 0, lax.rsqrt(jnp.maximum(dsum, 1e-12)), 0.0)
    norms_ref[...] = norms
    xw = jnp.dot(x_ref[...], w1_ref[...], preferred_element_type=jnp.float32)
    featn_ref[...] = xw * norms[:, 0:1]


def _tc_mid(agg_ref, norms_ref, b1_ref, out_ref):
    norms = norms_ref[...]
    h = agg_ref[...] * norms[:, 2:3] + b1_ref[...][None, :]
    h = jnp.maximum(h, 0.0)
    out_ref[...] = h * norms[:, 1:2]


def _tc_final(agg_ref, norms_ref, b2_ref, w2_ref, out_ref):
    f2 = jnp.dot(agg_ref[...], w2_ref[...], preferred_element_type=jnp.float32)
    z = f2 * norms_ref[...][:, 3:4] + b2_ref[...][None, :]
    m = jnp.max(z, axis=1, keepdims=True)
    ez = jnp.exp(z - m)
    out_ref[...] = ez / jnp.sum(ez, axis=1, keepdims=True)


def kernel(x, edge_index, edge_weight, W1, b1, W2, b2):
    n, d_in = x.shape
    e = edge_index.shape[1]
    d_hid = W1.shape[1]
    d_out = W2.shape[1]

    src = edge_index[0].astype(jnp.int32)
    dst = edge_index[1].astype(jnp.int32)

    np_ = _pad_n(n)
    n_blk = e // CB
    eidx = jnp.stack([src.reshape(n_blk, CB), dst.reshape(n_blk, CB)], axis=1)
    ew2d = edge_weight.reshape(n_blk, CB)

    n_blkp = ((n_blk + 2 * NW - 1) // (2 * NW)) * (2 * NW)
    e_pad = (n_blkp - n_blk) * CB
    pad_dst = (n + (jnp.arange(e_pad, dtype=jnp.int32) % (np_ - n))
               ).reshape(-1, CB)
    pad_idx = jnp.stack([jnp.zeros_like(pad_dst), pad_dst], axis=1)
    eidx_p = jnp.concatenate([eidx, pad_idx])
    ew2d_p = jnp.concatenate([ew2d, jnp.zeros((n_blkp - n_blk, CB),
                                              jnp.float32)])

    deg_part = _make_deg_kernel(n, n_blkp)(eidx_p, ew2d_p)
    deg = deg_part.reshape(NC, 4, np_)[:, :, :n].transpose(2, 1, 0)

    featn, norms = pl.pallas_call(
        _tc_norms_mm,
        out_shape=(
            jax.ShapeDtypeStruct((n, d_hid), jnp.float32),
            jax.ShapeDtypeStruct((n, 4), jnp.float32),
        ),
    )(deg, x, W1)

    agg1 = _make_mp_kernel(n, d_hid, n_blk, True)(featn, eidx, ew2d)[:n]

    hn = pl.pallas_call(
        _tc_mid,
        out_shape=jax.ShapeDtypeStruct((n, d_hid), jnp.float32),
    )(agg1, norms, b1)

    agg2 = _make_mp_kernel(n, d_hid, n_blk, False)(hn, eidx)[:n]

    return pl.pallas_call(
        _tc_final,
        out_shape=jax.ShapeDtypeStruct((n, d_out), jnp.float32),
    )(agg2, norms, b2, W2)

# --- scband reference (transcript-rebuilt; emitter-appended) ---
"""Pipeline reference for scband-simple-gnn-52536039965028 (READ-ONLY COPY).

The authoritative reference and input builder live on the scoring server;
editing this copy changes nothing except your own understanding.
"""

import jax, jax.numpy as jnp
import numpy as np

N = 10000
E = 320000
D_IN = 128
D_HID = 128
D_OUT = 64


def setup_inputs(seed: int = 0) -> dict:
    key = jax.random.key(seed)
    ks = jax.random.split(key, 8)
    x = jax.random.normal(ks[0], (N, D_IN), dtype=jnp.float32)
    edge_index = jax.random.randint(ks[1], (2, E), 0, N)
    edge_weight = jax.random.uniform(ks[2], (E,), dtype=jnp.float32)
    W1 = jax.random.normal(ks[3], (D_IN, D_HID), dtype=jnp.float32) * (1.0 / np.sqrt(D_IN))
    b1 = jnp.zeros((D_HID,), dtype=jnp.float32)
    W2 = jax.random.normal(ks[4], (D_HID, D_OUT), dtype=jnp.float32) * (1.0 / np.sqrt(D_HID))
    b2 = jnp.zeros((D_OUT,), dtype=jnp.float32)
    return {"x": x, "edge_index": edge_index, "edge_weight": edge_weight, "W1": W1, "b1": b1, "W2": W2, "b2": b2}


def _gcn_layer(x, src, dst, ew, W, b):
    # DGL GraphConv with norm='both': D^{-1/2} A D^{-1/2} (X W) + b
    n = x.shape[0]
    if ew is None:
        ew = jnp.ones(src.shape, dtype=x.dtype)
    deg_out = jax.ops.segment_sum(ew, src, num_segments=n)
    deg_in = jax.ops.segment_sum(ew, dst, num_segments=n)
    norm_out = jnp.where(deg_out > 0, jax.lax.rsqrt(jnp.maximum(deg_out, 1e-12)), 0.0)
    norm_in = jnp.where(deg_in > 0, jax.lax.rsqrt(jnp.maximum(deg_in, 1e-12)), 0.0)
    feat = x @ W
    feat = feat * norm_out[:, None]
    msg = feat[src] * ew[:, None]
    agg = jax.ops.segment_sum(msg, dst, num_segments=n)
    return agg * norm_in[:, None] + b


def reference(x, edge_index, edge_weight, W1, b1, W2, b2):
    src = edge_index[0]
    dst = edge_index[1]
    # backbone: GraphConvPlus (uses edge_weight) + ReLU
    h = _gcn_layer(x, src, dst, edge_weight, W1, b1)
    h = jax.nn.relu(h)
    # cls_head: plain GraphConv (no edge_weight)
    h = _gcn_layer(h, src, dst, None, W2, b2)
    # softmax over class dim (eval path; training loss branch not taken)
    return jax.nn.softmax(h, axis=1)

if __name__ == "__main__":
    import jax
    _d = setup_inputs()
    print(jax.jit(kernel)(*tuple(_d.values())))

</pallas_src>

<mosaic_0001>
#map = affine_map<(d0, d1) -> (0, 0)>
#map1 = affine_map<(d0, d1) -> (0, 0, 0)>
module attributes {stable_mosaic.version = 14 : i64} {
  func.func @mp_kernel(%arg0: i32, %arg1: i32, %arg2: memref<10000x128xf32, #tpu.memory_space<hbm>>, %arg3: memref<2500x2x128xi32, #tpu.memory_space<hbm>>, %arg4: memref<10240x128xf32, #tpu.memory_space<hbm>>, %arg5: memref<10240x128xf32, #tpu.memory_space<vmem_shared>>, %arg6: memref<2x128xi32, #tpu.memory_space<vmem>>, %arg7: memref<2x128xi32, #tpu.memory_space<vmem>>, %arg8: memref<128x128xf32, #tpu.memory_space<vmem>>, %arg9: memref<128x128xf32, #tpu.memory_space<vmem>>, %arg10: memref<!tpu.dma_semaphore, #tpu.memory_space<semaphore_mem>>, %arg11: memref<!tpu.dma_semaphore, #tpu.memory_space<semaphore_mem>>) attributes {dimension_semantics = [#tpu.dimension_semantics<core_parallel>, #tpu.dimension_semantics<subcore_parallel>], iteration_bounds = array<i64: 1, 16>, scalar_prefetch = 0 : i64, scratch_operands = 7 : i64, tpu.core_type = #tpu.core_type<sc_vector_subcore>, window_params = [{transform_indices = #map}, {transform_indices = #map1}, {transform_indices = #map}]} {
    %lt3A = arith.constant 2 : i32
    %lt3A_0 = arith.cmpi slt, %arg1, %lt3A : i32
    %jit3A = arith.constant 158 : i32
    %jit3A_1 = arith.constant 156 : i32
    %select_n3A = arith.select %lt3A_0, %jit3A, %jit3A_1 : i32
    %mul3A = arith.constant 156 : i32
    %mul3A_2 = arith.muli %arg1, %mul3A : i32
    %min3A = arith.constant 2 : i32
    %min3A_3 = arith.minsi %arg1, %min3A : i32
    %mul3A_4 = arith.constant 2 : i32
    %mul3A_5 = arith.muli %mul3A_4, %min3A_3 : i32
    %add3A = arith.addi %mul3A_2, %mul3A_5 : i32
    %broadcast_in_dim3A = arith.constant 0.000000e+00 : f32
    %broadcast_in_dim3A_6 = vector.broadcast %broadcast_in_dim3A : f32 to vector<16xf32>
    %scan3A = arith.constant 0 : i32
    %scan3A_7 = arith.constant 0 : i32
    %scan3A_8 = arith.constant 128 : i32
    %scan3A_9 = arith.addi %scan3A_7, %scan3A_8 : i32
    %scan3A_10 = arith.constant 1 : i32
    scf.for %scan3A_87 = %scan3A_7 to %scan3A_9 step %scan3A_10  : i32 {
      %swap3A = arith.index_cast %scan3A_87 : i32 to index
      %swap3A_88 = arith.constant 0 : index
      %swap3A_89 = tpu.vector_load %arg8[%swap3A, %swap3A_88] {strides = array<i32>} : memref<128x128xf32, #tpu.memory_space<vmem>>, vector<1x16xf32>,
      %swap3A_90 = vector.shape_cast %swap3A_89 : vector<1x16xf32> to vector<16xf32>
      %swap3A_91 = vector.shape_cast %broadcast_in_dim3A_6 : vector<16xf32> to vector<1x16xf32>
      tpu.vector_store %arg8[%swap3A, %swap3A_88], %swap3A_91 {strides = array<i32>} : memref<128x128xf32, #tpu.memory_space<vmem>>, vector<1x16xf32>,
      %swap3A_92 = arith.index_cast %scan3A_87 : i32 to index
      %swap3A_93 = arith.constant 16 : index
      %swap3A_94 = tpu.vector_load %arg8[%swap3A_92, %swap3A_93] {strides = array<i32>} : memref<128x128xf32, #tpu.memory_space<vmem>>, vector<1x16xf32>,
      %swap3A_95 = vector.shape_cast %swap3A_94 : vector<1x16xf32> to vector<16xf32>
      %swap3A_96 = vector.shape_cast %broadcast_in_dim3A_6 : vector<16xf32> to vector<1x16xf32>
      tpu.vector_store %arg8[%swap3A_92, %swap3A_93], %swap3A_96 {strides = array<i32>} : memref<128x128xf32, #tpu.memory_space<vmem>>, vector<1x16xf32>,
      %swap3A_97 = arith.index_cast %scan3A_87 : i32 to index
      %swap3A_98 = arith.constant 32 : index
      %swap3A_99 = tpu.vector_load %arg8[%swap3A_97, %swap3A_98] {strides = array<i32>} : memref<128x128xf32, #tpu.memory_space<vmem>>, vector<1x16xf32>,
      %swap3A_100 = vector.shape_cast %swap3A_99 : vector<1x16xf32> to vector<16xf32>
      %swap3A_101 = vector.shape_cast %broadcast_in_dim3A_6 : vector<16xf32> to vector<1x16xf32>
      tpu.vector_store %arg8[%swap3A_97, %swap3A_98], %swap3A_101 {strides = array<i32>} : memref<128x128xf32, #tpu.memory_space<vmem>>, vector<1x16xf32>,
      %swap3A_102 = arith.index_cast %scan3A_87 : i32 to index
      %swap3A_103 = arith.constant 48 : index
      %swap3A_104 = tpu.vector_load %arg8[%swap3A_102, %swap3A_103] {strides = array<i32>} : memref<128x128xf32, #tpu.memory_space<vmem>>, vector<1x16xf32>,
      %swap3A_105 = vector.shape_cast %swap3A_104 : vector<1x16xf32> to vector<16xf32>
      %swap3A_106 = vector.shape_cast %broadcast_in_dim3A_6 : vector<16xf32> to vector<1x16xf32>
      tpu.vector_store %arg8[%swap3A_102, %swap3A_103], %swap3A_106 {strides = array<i32>} : memref<128x128xf32, #tpu.memory_space<vmem>>, vector<1x16xf32>,
      %swap3A_107 = arith.index_cast %scan3A_87 : i32 to index
      %swap3A_108 = arith.constant 64 : index
      %swap3A_109 = tpu.vector_load %arg8[%swap3A_107, %swap3A_108] {strides = array<i32>} : memref<128x128xf32, #tpu.memory_space<vmem>>, vector<1x16xf32>,
      %swap3A_110 = vector.shape_cast %swap3A_109 : vector<1x16xf32> to vector<16xf32>
      %swap3A_111 = vector.shape_cast %broadcast_in_dim3A_6 : vector<16xf32> to vector<1x16xf32>
      tpu.vector_store %arg8[%swap3A_107, %swap3A_108], %swap3A_111 {strides = array<i32>} : memref<128x128xf32, #tpu.memory_space<vmem>>, vector<1x16xf32>,
      %swap3A_112 = arith.index_cast %scan3A_87 : i32 to index
      %swap3A_113 = arith.constant 80 : index
      %swap3A_114 = tpu.vector_load %arg8[%swap3A_112, %swap3A_113] {strides = array<i32>} : memref<128x128xf32, #tpu.memory_space<vmem>>, vector<1x16xf32>,
      %swap3A_115 = vector.shape_cast %swap3A_114 : vector<1x16xf32> to vector<16xf32>
      %swap3A_116 = vector.shape_cast %broadcast_in_dim3A_6 : vector<16xf32> to vector<1x16xf32>
      tpu.vector_store %arg8[%swap3A_112, %swap3A_113], %swap3A_116 {strides = array<i32>} : memref<128x128xf32, #tpu.memory_space<vmem>>, vector<1x16xf32>,
      %swap3A_117 = arith.index_cast %scan3A_87 : i32 to index
      %swap3A_118 = arith.constant 96 : index
      %swap3A_119 = tpu.vector_load %arg8[%swap3A_117, %swap3A_118] {strides = array<i32>} : memref<128x128xf32, #tpu.memory_space<vmem>>, vector<1x16xf32>,
      %swap3A_120 = vector.shape_cast %swap3A_119 : vector<1x16xf32> to vector<16xf32>
      %swap3A_121 = vector.shape_cast %broadcast_in_dim3A_6 : vector<16xf32> to vector<1x16xf32>
      tpu.vector_store %arg8[%swap3A_117, %swap3A_118], %swap3A_121 {strides = array<i32>} : memref<128x128xf32, #tpu.memory_space<vmem>>, vector<1x16xf32>,
      %swap3A_122 = arith.index_cast %scan3A_87 : i32 to index
      %swap3A_123 = arith.constant 112 : index
      %swap3A_124 = tpu.vector_load %arg8[%swap3A_122, %swap3A_123] {strides = array<i32>} : memref<128x128xf32, #tpu.memory_space<vmem>>, vector<1x16xf32>,
      %swap3A_125 = vector.shape_cast %swap3A_124 : vector<1x16xf32> to vector<16xf32>
      %swap3A_126 = vector.shape_cast %broadcast_in_dim3A_6 : vector<16xf32> to vector<1x16xf32>
      tpu.vector_store %arg8[%swap3A_122, %swap3A_123], %swap3A_126 {strides = array<i32>} : memref<128x128xf32, #tpu.memory_space<vmem>>, vector<1x16xf32>,
    }
    %scan3A_11 = arith.constant 128 : i32
    %mul3A_12 = arith.constant 640 : i32
    %mul3A_13 = arith.muli %arg1, %mul3A_12 : i32
    %add3A_14 = arith.constant 0 : i32
    %add3A_15 = arith.addi %mul3A_13, %add3A_14 : i32
    "tpu.region"() ({
      %run_scoped3A = tpu.sem_alloc : memref<!tpu.dma_semaphore, #tpu.memory_space<semaphore_mem>>
      %dma_start3A_87 = arith.constant 0 : i32
      %dma_start3A_88 = tpu.memref_slice %arg5[%add3A_15, %dma_start3A_87] : memref<10240x128xf32, #tpu.memory_space<vmem_shared>> -> memref<128x128xf32, #tpu.memory_space<vmem_shared>>
      %dma_start3A_89 = arith.constant 0 : i32
      %dma_start3A_90 = tpu.memref_slice %arg5[%add3A_15, %dma_start3A_89] : memref<10240x128xf32, #tpu.memory_space<vmem_shared>> -> memref<128x128xf32, #tpu.memory_space<vmem_shared>>
      tpu.enqueue_dma source(%arg8 : memref<128x128xf32, #tpu.memory_space<vmem>>) target(%dma_start3A_90 : memref<128x128xf32, #tpu.memory_space<vmem_shared>>) target_semaphore(%run_scoped3A : memref<!tpu.dma_semaphore, #tpu.memory_space<semaphore_mem>>)
      %dma_wait3A = arith.constant 0 : i32
      %dma_wait3A_91 = tpu.memref_slice %arg5[%add3A_15, %dma_wait3A] : memref<10240x128xf32, #tpu.memory_space<vmem_shared>> -> memref<128x128xf32, #tpu.memory_space<vmem_shared>>
      %dma_wait3A_92 = arith.constant 0 : i32
      %dma_wait3A_93 = tpu.memref_slice %arg5[%add3A_15, %dma_wait3A_92] : memref<10240x128xf32, #tpu.memory_space<vmem_shared>> -> memref<128x128xf32, #tpu.memory_space<vmem_shared>>
      tpu.wait_dma2 semaphore(%run_scoped3A : memref<!tpu.dma_semaphore, #tpu.memory_space<semaphore_mem>>) src(%arg8 : memref<128x128xf32, #tpu.memory_space<vmem>>) dst(%dma_wait3A_93 : memref<128x128xf32, #tpu.memory_space<vmem_shared>>)
      tpu.yield
    }) : () -> ()
    %add3A_16 = arith.constant 128 : i32
    %add3A_17 = arith.addi %mul3A_13, %add3A_16 : i32
    "tpu.region"() ({
      %run_scoped3A = tpu.sem_alloc : memref<!tpu.dma_semaphore, #tpu.memory_space<semaphore_mem>>
      %dma_start3A_87 = arith.constant 0 : i32
      %dma_start3A_88 = tpu.memref_slice %arg5[%add3A_17, %dma_start3A_87] : memref<10240x128xf32, #tpu.memory_space<vmem_shared>> -> memref<128x128xf32, #tpu.memory_space<vmem_shared>>
      %dma_start3A_89 = arith.constant 0 : i32
      %dma_start3A_90 = tpu.memref_slice %arg5[%add3A_17, %dma_start3A_89] : memref<10240x128xf32, #tpu.memory_space<vmem_shared>> -> memref<128x128xf32, #tpu.memory_space<vmem_shared>>
      tpu.enqueue_dma source(%arg8 : memref<128x128xf32, #tpu.memory_space<vmem>>) target(%dma_start3A_90 : memref<128x128xf32, #tpu.memory_space<vmem_shared>>) target_semaphore(%run_scoped3A : memref<!tpu.dma_semaphore, #tpu.memory_space<semaphore_mem>>)
      %dma_wait3A = arith.constant 0 : i32
      %dma_wait3A_91 = tpu.memref_slice %arg5[%add3A_17, %dma_wait3A] : memref<10240x128xf32, #tpu.memory_space<vmem_shared>> -> memref<128x128xf32, #tpu.memory_space<vmem_shared>>
      %dma_wait3A_92 = arith.constant 0 : i32
      %dma_wait3A_93 = tpu.memref_slice %arg5[%add3A_17, %dma_wait3A_92] : memref<10240x128xf32, #tpu.memory_space<vmem_shared>> -> memref<128x128xf32, #tpu.memory_space<vmem_shared>>
      tpu.wait_dma2 semaphore(%run_scoped3A : memref<!tpu.dma_semaphore, #tpu.memory_space<semaphore_mem>>) src(%arg8 : memref<128x128xf32, #tpu.memory_space<vmem>>) dst(%dma_wait3A_93 : memref<128x128xf32, #tpu.memory_space<vmem_shared>>)
      tpu.yield
    }) : () -> ()
    %add3A_18 = arith.constant 256 : i32
    %add3A_19 = arith.addi %mul3A_13, %add3A_18 : i32
    "tpu.region"() ({
      %run_scoped3A = tpu.sem_alloc : memref<!tpu.dma_semaphore, #tpu.memory_space<semaphore_mem>>
      %dma_start3A_87 = arith.constant 0 : i32
      %dma_start3A_88 = tpu.memref_slice %arg5[%add3A_19, %dma_start3A_87] : memref<10240x128xf32, #tpu.memory_space<vmem_shared>> -> memref<128x128xf32, #tpu.memory_space<vmem_shared>>
      %dma_start3A_89 = arith.constant 0 : i32
      %dma_start3A_90 = tpu.memref_slice %arg5[%add3A_19, %dma_start3A_89] : memref<10240x128xf32, #tpu.memory_space<vmem_shared>> -> memref<128x128xf32, #tpu.memory_space<vmem_shared>>
      tpu.enqueue_dma source(%arg8 : memref<128x128xf32, #tpu.memory_space<vmem>>) target(%dma_start3A_90 : memref<128x128xf32, #tpu.memory_space<vmem_shared>>) target_semaphore(%run_scoped3A : memref<!tpu.dma_semaphore, #tpu.memory_space<semaphore_mem>>)
      %dma_wait3A = arith.constant 0 : i32
      %dma_wait3A_91 = tpu.memref_slice %arg5[%add3A_19, %dma_wait3A] : memref<10240x128xf32, #tpu.memory_space<vmem_shared>> -> memref<128x128xf32, #tpu.memory_space<vmem_shared>>
      %dma_wait3A_92 = arith.constant 0 : i32
      %dma_wait3A_93 = tpu.memref_slice %arg5[%add3A_19, %dma_wait3A_92] : memref<10240x128xf32, #tpu.memory_space<vmem_shared>> -> memref<128x128xf32, #tpu.memory_space<vmem_shared>>
      tpu.wait_dma2 semaphore(%run_scoped3A : memref<!tpu.dma_semaphore, #tpu.memory_space<semaphore_mem>>) src(%arg8 : memref<128x128xf32, #tpu.memory_space<vmem>>) dst(%dma_wait3A_93 : memref<128x128xf32, #tpu.memory_space<vmem_shared>>)
      tpu.yield
    }) : () -> ()
    %add3A_20 = arith.constant 384 : i32
    %add3A_21 = arith.addi %mul3A_13, %add3A_20 : i32
    "tpu.region"() ({
      %run_scoped3A = tpu.sem_alloc : memref<!tpu.dma_semaphore, #tpu.memory_space<semaphore_mem>>
      %dma_start3A_87 = arith.constant 0 : i32
      %dma_start3A_88 = tpu.memref_slice %arg5[%add3A_21, %dma_start3A_87] : memref<10240x128xf32, #tpu.memory_space<vmem_shared>> -> memref<128x128xf32, #tpu.memory_space<vmem_shared>>
      %dma_start3A_89 = arith.constant 0 : i32
      %dma_start3A_90 = tpu.memref_slice %arg5[%add3A_21, %dma_start3A_89] : memref<10240x128xf32, #tpu.memory_space<vmem_shared>> -> memref<128x128xf32, #tpu.memory_space<vmem_shared>>
      tpu.enqueue_dma source(%arg8 : memref<128x128xf32, #tpu.memory_space<vmem>>) target(%dma_start3A_90 : memref<128x128xf32, #tpu.memory_space<vmem_shared>>) target_semaphore(%run_scoped3A : memref<!tpu.dma_semaphore, #tpu.memory_space<semaphore_mem>>)
      %dma_wait3A = arith.constant 0 : i32
      %dma_wait3A_91 = tpu.memref_slice %arg5[%add3A_21, %dma_wait3A] : memref<10240x128xf32, #tpu.memory_space<vmem_shared>> -> memref<128x128xf32, #tpu.memory_space<vmem_shared>>
      %dma_wait3A_92 = arith.constant 0 : i32
      %dma_wait3A_93 = tpu.memref_slice %arg5[%add3A_21, %dma_wait3A_92] : memref<10240x128xf32, #tpu.memory_space<vmem_shared>> -> memref<128x128xf32, #tpu.memory_space<vmem_shared>>
      tpu.wait_dma2 semaphore(%run_scoped3A : memref<!tpu.dma_semaphore, #tpu.memory_space<semaphore_mem>>) src(%arg8 : memref<128x128xf32, #tpu.memory_space<vmem>>) dst(%dma_wait3A_93 : memref<128x128xf32, #tpu.memory_space<vmem_shared>>)
      tpu.yield
    }) : () -> ()
    %add3A_22 = arith.constant 512 : i32
    %add3A_23 = arith.addi %mul3A_13, %add3A_22 : i32
    "tpu.region"() ({
      %run_scoped3A = tpu.sem_alloc : memref<!tpu.dma_semaphore, #tpu.memory_space<semaphore_mem>>
      %dma_start3A_87 = arith.constant 0 : i32
      %dma_start3A_88 = tpu.memref_slice %arg5[%add3A_23, %dma_start3A_87] : memref<10240x128xf32, #tpu.memory_space<vmem_shared>> -> memref<128x128xf32, #tpu.memory_space<vmem_shared>>
      %dma_start3A_89 = arith.constant 0 : i32
      %dma_start3A_90 = tpu.memref_slice %arg5[%add3A_23, %dma_start3A_89] : memref<10240x128xf32, #tpu.memory_space<vmem_shared>> -> memref<128x128xf32, #tpu.memory_space<vmem_shared>>
      tpu.enqueue_dma source(%arg8 : memref<128x128xf32, #tpu.memory_space<vmem>>) target(%dma_start3A_90 : memref<128x128xf32, #tpu.memory_space<vmem_shared>>) target_semaphore(%run_scoped3A : memref<!tpu.dma_semaphore, #tpu.memory_space<semaphore_mem>>)
      %dma_wait3A = arith.constant 0 : i32
      %dma_wait3A_91 = tpu.memref_slice %arg5[%add3A_23, %dma_wait3A] : memref<10240x128xf32, #tpu.memory_space<vmem_shared>> -> memref<128x128xf32, #tpu.memory_space<vmem_shared>>
      %dma_wait3A_92 = arith.constant 0 : i32
      %dma_wait3A_93 = tpu.memref_slice %arg5[%add3A_23, %dma_wait3A_92] : memref<10240x128xf32, #tpu.memory_space<vmem_shared>> -> memref<128x128xf32, #tpu.memory_space<vmem_shared>>
      tpu.wait_dma2 semaphore(%run_scoped3A : memref<!tpu.dma_semaphore, #tpu.memory_space<semaphore_mem>>) src(%arg8 : memref<128x128xf32, #tpu.memory_space<vmem>>) dst(%dma_wait3A_93 : memref<128x128xf32, #tpu.memory_space<vmem_shared>>)
      tpu.yield
    }) : () -> ()
    %barrier3A = arith.constant 0 : index
    tpu.barrier barrier_id(%barrier3A)
    "tpu.region"() ({
      %run_scoped3A = tpu.sem_alloc : memref<!tpu.dma_semaphore, #tpu.memory_space<semaphore_mem>>
      %dma_start3A_87 = arith.constant 0 : i32
      %dma_start3A_88 = arith.constant 0 : i32
      %dma_start3A_89 = tpu.memref_slice %arg3[%add3A, %dma_start3A_87, %dma_start3A_88] : memref<2500x2x128xi32, #tpu.memory_space<hbm>> -> memref<1x2x128xi32, #tpu.memory_space<hbm>>
      %dma_start3A_90 = tpu.memref_squeeze %dma_start3A_89 : memref<1x2x128xi32, #tpu.memory_space<hbm>> -> memref<2x128xi32, #tpu.memory_space<hbm>>
      %dma_start3A_91 = arith.constant 0 : i32
      %dma_start3A_92 = arith.constant 0 : i32
      %dma_start3A_93 = tpu.memref_slice %arg3[%add3A, %dma_start3A_91, %dma_start3A_92] : memref<2500x2x128xi32, #tpu.memory_space<hbm>> -> memref<1x2x128xi32, #tpu.memory_space<hbm>>
      %dma_start3A_94 = tpu.memref_squeeze %dma_start3A_93 : memref<1x2x128xi32, #tpu.memory_space<hbm>> -> memref<2x128xi32, #tpu.memory_space<hbm>>
      tpu.enqueue_dma source(%dma_start3A_94 : memref<2x128xi32, #tpu.memory_space<hbm>>) target(%arg6 : memref<2x128xi32, #tpu.memory_space<vmem>>) target_semaphore(%run_scoped3A : memref<!tpu.dma_semaphore, #tpu.memory_space<semaphore_mem>>)
      %dma_wait3A = arith.constant 0 : i32
      %dma_wait3A_95 = arith.constant 0 : i32
      %dma_wait3A_96 = tpu.memref_slice %arg3[%add3A, %dma_wait3A, %dma_wait3A_95] : memref<2500x2x128xi32, #tpu.memory_space<hbm>> -> memref<1x2x128xi32, #tpu.memory_space<hbm>>
      %dma_wait3A_97 = tpu.memref_squeeze %dma_wait3A_96 : memref<1x2x128xi32, #tpu.memory_space<hbm>> -> memref<2x128xi32, #tpu.memory_space<hbm>>
      %dma_wait3A_98 = arith.constant 0 : i32
      %dma_wait3A_99 = arith.constant 0 : i32
      %dma_wait3A_100 = tpu.memref_slice %arg3[%add3A, %dma_wait3A_98, %dma_wait3A_99] : memref<2500x2x128xi32, #tpu.memory_space<hbm>> -> memref<1x2x128xi32, #tpu.memory_space<hbm>>
      %dma_wait3A_101 = tpu.memref_squeeze %dma_wait3A_100 : memref<1x2x128xi32, #tpu.memory_space<hbm>> -> memref<2x128xi32, #tpu.memory_space<hbm>>
      tpu.wait_dma2 semaphore(%run_scoped3A : memref<!tpu.dma_semaphore, #tpu.memory_space<semaphore_mem>>) src(%dma_wait3A_101 : memref<2x128xi32, #tpu.memory_space<hbm>>) dst(%arg6 : memref<2x128xi32, #tpu.memory_space<vmem>>)
      tpu.yield
    }) : () -> ()
    %dma_start3A = arith.constant 0 : i32
    %dma_start3A_24 = arith.constant 0 : i32
    %dma_start3A_25 = tpu.memref_slice %arg6[%dma_start3A, %dma_start3A_24] : memref<2x128xi32, #tpu.memory_space<vmem>> -> memref<1x128xi32, #tpu.memory_space<vmem>>
    %dma_start3A_26 = tpu.memref_squeeze %dma_start3A_25 : memref<1x128xi32, #tpu.memory_space<vmem>> -> memref<128xi32, #tpu.memory_space<vmem>>
    %dma_start3A_27 = arith.constant 0 : i32
    %dma_start3A_28 = arith.constant 0 : i32
    %dma_start3A_29 = tpu.memref_slice %arg2[%dma_start3A_27, %dma_start3A_28] : memref<10000x128xf32, #tpu.memory_space<hbm>> -> memref<10000x128xf32, #tpu.memory_space<hbm>>
    tpu.enqueue_indirect_dma source(%dma_start3A_29 : memref<10000x128xf32, #tpu.memory_space<hbm>>) target(%arg8 : memref<128x128xf32, #tpu.memory_space<vmem>>) offsets(%dma_start3A_26 : memref<128xi32, #tpu.memory_space<vmem>>) semaphore(%arg10 : memref<!tpu.dma_semaphore, #tpu.memory_space<semaphore_mem>>)
    %add3A_30 = arith.constant 1 : i32
    %add3A_31 = arith.addi %add3A, %add3A_30 : i32
    "tpu.region"() ({
      %run_scoped3A = tpu.sem_alloc : memref<!tpu.dma_semaphore, #tpu.memory_space<semaphore_mem>>
      %dma_start3A_87 = arith.constant 0 : i32
      %dma_start3A_88 = arith.constant 0 : i32
      %dma_start3A_89 = tpu.memref_slice %arg3[%add3A_31, %dma_start3A_87, %dma_start3A_88] : memref<2500x2x128xi32, #tpu.memory_space<hbm>> -> memref<1x2x128xi32, #tpu.memory_space<hbm>>
      %dma_start3A_90 = tpu.memref_squeeze %dma_start3A_89 : memref<1x2x128xi32, #tpu.memory_space<hbm>> -> memref<2x128xi32, #tpu.memory_space<hbm>>
      %dma_start3A_91 = arith.constant 0 : i32
      %dma_start3A_92 = arith.constant 0 : i32
      %dma_start3A_93 = tpu.memref_slice %arg3[%add3A_31, %dma_start3A_91, %dma_start3A_92] : memref<2500x2x128xi32, #tpu.memory_space<hbm>> -> memref<1x2x128xi32, #tpu.memory_space<hbm>>
      %dma_start3A_94 = tpu.memref_squeeze %dma_start3A_93 : memref<1x2x128xi32, #tpu.memory_space<hbm>> -> memref<2x128xi32, #tpu.memory_space<hbm>>
      tpu.enqueue_dma source(%dma_start3A_94 : memref<2x128xi32, #tpu.memory_space<hbm>>) target(%arg7 : memref<2x128xi32, #tpu.memory_space<vmem>>) target_semaphore(%run_scoped3A : memref<!tpu.dma_semaphore, #tpu.memory_space<semaphore_mem>>)
      %dma_wait3A = arith.constant 0 : i32
      %dma_wait3A_95 = arith.constant 0 : i32
      %dma_wait3A_96 = tpu.memref_slice %arg3[%add3A_31, %dma_wait3A, %dma_wait3A_95] : memref<2500x2x128xi32, #tpu.memory_space<hbm>> -> memref<1x2x128xi32, #tpu.memory_space<hbm>>
      %dma_wait3A_97 = tpu.memref_squeeze %dma_wait3A_96 : memref<1x2x128xi32, #tpu.memory_space<hbm>> -> memref<2x128xi32, #tpu.memory_space<hbm>>
      %dma_wait3A_98 = arith.constant 0 : i32
      %dma_wait3A_99 = arith.constant 0 : i32
      %dma_wait3A_100 = tpu.memref_slice %arg3[%add3A_31, %dma_wait3A_98, %dma_wait3A_99] : memref<2500x2x128xi32, #tpu.memory_space<hbm>> -> memref<1x2x128xi32, #tpu.memory_space<hbm>>
      %dma_wait3A_101 = tpu.memref_squeeze %dma_wait3A_100 : memref<1x2x128xi32, #tpu.memory_space<hbm>> -> memref<2x128xi32, #tpu.memory_space<hbm>>
      tpu.wait_dma2 semaphore(%run_scoped3A : memref<!tpu.dma_semaphore, #tpu.memory_space<semaphore_mem>>) src(%dma_wait3A_101 : memref<2x128xi32, #tpu.memory_space<hbm>>) dst(%arg7 : memref<2x128xi32, #tpu.memory_space<vmem>>)
      tpu.yield
    }) : () -> ()
    %dma_start3A_32 = arith.constant 0 : i32
    %dma_start3A_33 = arith.constant 0 : i32
    %dma_start3A_34 = tpu.memref_slice %arg7[%dma_start3A_32, %dma_start3A_33] : memref<2x128xi32, #tpu.memory_space<vmem>> -> memref<1x128xi32, #tpu.memory_space<vmem>>
    %dma_start3A_35 = tpu.memref_squeeze %dma_start3A_34 : memref<1x128xi32, #tpu.memory_space<vmem>> -> memref<128xi32, #tpu.memory_space<vmem>>
    %dma_start3A_36 = arith.constant 0 : i32
    %dma_start3A_37 = arith.constant 0 : i32
    %dma_start3A_38 = tpu.memref_slice %arg2[%dma_start3A_36, %dma_start3A_37] : memref<10000x128xf32, #tpu.memory_space<hbm>> -> memref<10000x128xf32, #tpu.memory_space<hbm>>
    tpu.enqueue_indirect_dma source(%dma_start3A_38 : memref<10000x128xf32, #tpu.memory_space<hbm>>) target(%arg9 : memref<128x128xf32, #tpu.memory_space<vmem>>) offsets(%dma_start3A_35 : memref<128xi32, #tpu.memory_space<vmem>>) semaphore(%arg11 : memref<!tpu.dma_semaphore, #tpu.memory_space<semaphore_mem>>)
    %jit3A_39 = arith.constant 2 : i32
    %div3A = arith.divsi %select_n3A, %jit3A_39 : i32
    %sign3A = arith.constant 0 : i32
    %sign3A_40 = arith.cmpi sgt, %select_n3A, %sign3A : i32
    %sign3A_41 = arith.extui %sign3A_40 : i1 to i32
    %sign3A_42 = arith.constant 0 : i32
    %sign3A_43 = arith.cmpi slt, %select_n3A, %sign3A_42 : i32
    %sign3A_44 = arith.extui %sign3A_43 : i1 to i32
    %sign3A_45 = arith.subi %sign3A_41, %sign3A_44 : i32
    %sign3A_46 = arith.constant 0 : i32
    %sign3A_47 = arith.cmpi sgt, %jit3A_39, %sign3A_46 : i32
    %sign3A_48 = arith.extui %sign3A_47 : i1 to i32
    %sign3A_49 = arith.constant 0 : i32
    %sign3A_50 = arith.cmpi slt, %jit3A_39, %sign3A_49 : i32
    %sign3A_51 = arith.extui %sign3A_50 : i1 to i32
    %sign3A_52 = arith.subi %sign3A_48, %sign3A_51 : i32
    %ne3A = arith.cmpi ne, %sign3A_45, %sign3A_52 : i32
    %rem3A = arith.remsi %select_n3A, %jit3A_39 : i32
    %ne3A_53 = arith.constant 0 : i32
    %ne3A_54 = arith.cmpi ne, %rem3A, %ne3A_53 : i32
    %and3A = arith.andi %ne3A, %ne3A_54 : i1
    %sub3A = arith.constant 1 : i32
    %sub3A_55 = arith.subi %div3A, %sub3A : i32
    %select_n3A_56 = arith.select %and3A, %sub3A_55, %div3A : i32
    %while3A = arith.constant 0 : i32
    %while3A_57 = arith.constant 0 : i32
    %while3A_58 = arith.subi %select_n3A_56, %while3A_57 : i32
    %while3A_59 = arith.addi %while3A_57, %while3A_58 : i32
    %while3A_60 = arith.constant 1 : i32
    %while3A_61 = arith.divsi %while3A_58, %while3A_60 : i32
    %while3A_62 = arith.muli %while3A_61, %while3A_60 : i32
    %while3A_63 = arith.addi %while3A_57, %while3A_62 : i32
    %while3A_64 = arith.constant 1 : i32
    scf.for %while3A_87 = %while3A_57 to %while3A_63 step %while3A_64  : i32 {
      %dma_wait3A = arith.constant 0 : i32
      %dma_wait3A_88 = arith.constant 0 : i32
      %dma_wait3A_89 = tpu.memref_slice %arg6[%dma_wait3A, %dma_wait3A_88] : memref<2x128xi32, #tpu.memory_space<vmem>> -> memref<1x128xi32, #tpu.memory_space<vmem>>
      %dma_wait3A_90 = tpu.memref_squeeze %dma_wait3A_89 : memref<1x128xi32, #tpu.memory_space<vmem>> -> memref<128xi32, #tpu.memory_space<vmem>>
      %dma_wait3A_91 = arith.constant 0 : i32
      %dma_wait3A_92 = arith.constant 0 : i32
      %dma_wait3A_93 = tpu.memref_slice %arg2[%dma_wait3A_91, %dma_wait3A_92] : memref<10000x128xf32, #tpu.memory_space<hbm>> -> memref<10000x128xf32, #tpu.memory_space<hbm>>
      tpu.wait_indirect_dma semaphore(%arg10 : memref<!tpu.dma_semaphore, #tpu.memory_space<semaphore_mem>>) src(%dma_wait3A_93 : memref<10000x128xf32, #tpu.memory_space<hbm>>) dst(%arg8 : memref<128x128xf32, #tpu.memory_space<vmem>>)
      %run_scoped3A = arith.constant 1 : i32
      "tpu.region"() ({
        %run_scoped3A_112 = tpu.sem_alloc : memref<!tpu.dma_semaphore, #tpu.memory_space<semaphore_mem>>
        %dma_start3A_113 = arith.constant 0 : i32
        %dma_start3A_114 = tpu.memref_slice %arg6[%run_scoped3A, %dma_start3A_113] : memref<2x128xi32, #tpu.memory_space<vmem>> -> memref<1x128xi32, #tpu.memory_space<vmem>>
        %dma_start3A_115 = tpu.memref_squeeze %dma_start3A_114 : memref<1x128xi32, #tpu.memory_space<vmem>> -> memref<128xi32, #tpu.memory_space<vmem>>
        %dma_start3A_116 = arith.constant 0 : i32
        %dma_start3A_117 = arith.constant 0 : i32
        %dma_start3A_118 = tpu.memref_slice %arg5[%dma_start3A_116, %dma_start3A_117] : memref<10240x128xf32, #tpu.memory_space<vmem_shared>> -> memref<10240x128xf32, #tpu.memory_space<vmem_shared>>
        tpu.enqueue_indirect_dma source(%arg8 : memref<128x128xf32, #tpu.memory_space<vmem>>) target(%dma_start3A_118 : memref<10240x128xf32, #tpu.memory_space<vmem_shared>>) offsets(%dma_start3A_115 : memref<128xi32, #tpu.memory_space<vmem>>) semaphore(%run_scoped3A_112 : memref<!tpu.dma_semaphore, #tpu.memory_space<semaphore_mem>>) {add = true}
        %dma_wait3A_119 = arith.constant 0 : i32
        %dma_wait3A_120 = tpu.memref_slice %arg6[%run_scoped3A, %dma_wait3A_119] : memref<2x128xi32, #tpu.memory_space<vmem>> -> memref<1x128xi32, #tpu.memory_space<vmem>>
        %dma_wait3A_121 = tpu.memref_squeeze %dma_wait3A_120 : memref<1x128xi32, #tpu.memory_space<vmem>> -> memref<128xi32, #tpu.memory_space<vmem>>
        %dma_wait3A_122 = arith.constant 0 : i32
        %dma_wait3A_123 = arith.constant 0 : i32
        %dma_wait3A_124 = tpu.memref_slice %arg5[%dma_wait3A_122, %dma_wait3A_123] : memref<10240x128xf32, #tpu.memory_space<vmem_shared>> -> memref<10240x128xf32, #tpu.memory_space<vmem_shared>>
        tpu.wait_indirect_dma semaphore(%run_scoped3A_112 : memref<!tpu.dma_semaphore, #tpu.memory_space<semaphore_mem>>) src(%arg8 : memref<128x128xf32, #tpu.memory_space<vmem>>) dst(%dma_wait3A_124 : memref<10240x128xf32, #tpu.memory_space<vmem_shared>>)
        tpu.yield
      }) : () -> ()
      %sub3A_94 = arith.constant 1 : i32
      %sub3A_95 = arith.subi %select_n3A_56, %sub3A_94 : i32
      %lt3A_96 = arith.cmpi slt, %while3A_87, %sub3A_95 : i32
      %convert_element_type3A = arith.extui %lt3A_96 : i1 to i32
      %cond3A = arith.constant 0 : i32
      %cond3A_97 = arith.cmpi ne, %convert_element_type3A, %cond3A : i32
      scf.if %cond3A_97 {
        %mul3A_112 = arith.constant 2 : i32
        %mul3A_113 = arith.muli %mul3A_112, %while3A_87 : i32
        %add3A_114 = arith.addi %add3A, %mul3A_113 : i32
        %add3A_115 = arith.constant 2 : i32
        %add3A_116 = arith.addi %add3A_114, %add3A_115 : i32
        "tpu.region"() ({
          %run_scoped3A_124 = tpu.sem_alloc : memref<!tpu.dma_semaphore, #tpu.memory_space<semaphore_mem>>
          %dma_start3A_125 = arith.constant 0 : i32
          %dma_start3A_126 = arith.constant 0 : i32
          %dma_start3A_127 = tpu.memref_slice %arg3[%add3A_116, %dma_start3A_125, %dma_start3A_126] : memref<2500x2x128xi32, #tpu.memory_space<hbm>> -> memref<1x2x128xi32, #tpu.memory_space<hbm>>
          %dma_start3A_128 = tpu.memref_squeeze %dma_start3A_127 : memref<1x2x128xi32, #tpu.memory_space<hbm>> -> memref<2x128xi32, #tpu.memory_space<hbm>>
          %dma_start3A_129 = arith.constant 0 : i32
          %dma_start3A_130 = arith.constant 0 : i32
          %dma_start3A_131 = tpu.memref_slice %arg3[%add3A_116, %dma_start3A_129, %dma_start3A_130] : memref<2500x2x128xi32, #tpu.memory_space<hbm>> -> memref<1x2x128xi32, #tpu.memory_space<hbm>>
          %dma_start3A_132 = tpu.memref_squeeze %dma_start3A_131 : memref<1x2x128xi32, #tpu.memory_space<hbm>> -> memref<2x128xi32, #tpu.memory_space<hbm>>
          tpu.enqueue_dma source(%dma_start3A_132 : memref<2x128xi32, #tpu.memory_space<hbm>>) target(%arg6 : memref<2x128xi32, #tpu.memory_space<vmem>>) target_semaphore(%run_scoped3A_124 : memref<!tpu.dma_semaphore, #tpu.memory_space<semaphore_mem>>)
          %dma_wait3A_133 = arith.constant 0 : i32
          %dma_wait3A_134 = arith.constant 0 : i32
          %dma_wait3A_135 = tpu.memref_slice %arg3[%add3A_116, %dma_wait3A_133, %dma_wait3A_134] : memref<2500x2x128xi32, #tpu.memory_space<hbm>> -> memref<1x2x128xi32, #tpu.memory_space<hbm>>
          %dma_wait3A_136 = tpu.memref_squeeze %dma_wait3A_135 : memref<1x2x128xi32, #tpu.memory_space<hbm>> -> memref<2x128xi32, #tpu.memory_space<hbm>>
          %dma_wait3A_137 = arith.constant 0 : i32
          %dma_wait3A_138 = arith.constant 0 : i32
          %dma_wait3A_139 = tpu.memref_slice %arg3[%add3A_116, %dma_wait3A_137, %dma_wait3A_138] : memref<2500x2x128xi32, #tpu.memory_space<hbm>> -> memref<1x2x128xi32, #tpu.memory_space<hbm>>
          %dma_wait3A_140 = tpu.memref_squeeze %dma_wait3A_139 : memref<1x2x128xi32, #tpu.memory_space<hbm>> -> memref<2x128xi32, #tpu.memory_space<hbm>>
          tpu.wait_dma2 semaphore(%run_scoped3A_124 : memref<!tpu.dma_semaphore, #tpu.memory_space<semaphore_mem>>) src(%dma_wait3A_140 : memref<2x128xi32, #tpu.memory_space<hbm>>) dst(%arg6 : memref<2x128xi32, #tpu.memory_space<vmem>>)
          tpu.yield
        }) : () -> ()
        %dma_start3A_117 = arith.constant 0 : i32
        %dma_start3A_118 = arith.constant 0 : i32
        %dma_start3A_119 = tpu.memref_slice %arg6[%dma_start3A_117, %dma_start3A_118] : memref<2x128xi32, #tpu.memory_space<vmem>> -> memref<1x128xi32, #tpu.memory_space<vmem>>
        %dma_start3A_120 = tpu.memref_squeeze %dma_start3A_119 : memref<1x128xi32, #tpu.memory_space<vmem>> -> memref<128xi32, #tpu.memory_space<vmem>>
        %dma_start3A_121 = arith.constant 0 : i32
        %dma_start3A_122 = arith.constant 0 : i32
        %dma_start3A_123 = tpu.memref_slice %arg2[%dma_start3A_121, %dma_start3A_122] : memref<10000x128xf32, #tpu.memory_space<hbm>> -> memref<10000x128xf32, #tpu.memory_space<hbm>>
        tpu.enqueue_indirect_dma source(%dma_start3A_123 : memref<10000x128xf32, #tpu.memory_space<hbm>>) target(%arg8 : memref<128x128xf32, #tpu.memory_space<vmem>>) offsets(%dma_start3A_120 : memref<128xi32, #tpu.memory_space<vmem>>) semaphore(%arg10 : memref<!tpu.dma_semaphore, #tpu.memory_space<semaphore_mem>>)
      } else {
      }
      %dma_wait3A_98 = arith.constant 0 : i32
      %dma_wait3A_99 = arith.constant 0 : i32
      %dma_wait3A_100 = tpu.memref_slice %arg7[%dma_wait3A_98, %dma_wait3A_99] : memref<2x128xi32, #tpu.memory_space<vmem>> -> memref<1x128xi32, #tpu.memory_space<vmem>>
      %dma_wait3A_101 = tpu.memref_squeeze %dma_wait3A_100 : memref<1x128xi32, #tpu.memory_space<vmem>> -> memref<128xi32, #tpu.memory_space<vmem>>
      %dma_wait3A_102 = arith.constant 0 : i32
      %dma_wait3A_103 = arith.constant 0 : i32
      %dma_wait3A_104 = tpu.memref_slice %arg2[%dma_wait3A_102, %dma_wait3A_103] : memref<10000x128xf32, #tpu.memory_space<hbm>> -> memref<10000x128xf32, #tpu.memory_space<hbm>>
      tpu.wait_indirect_dma semaphore(%arg11 : memref<!tpu.dma_semaphore, #tpu.memory_space<semaphore_mem>>) src(%dma_wait3A_104 : memref<10000x128xf32, #tpu.memory_space<hbm>>) dst(%arg9 : memref<128x128xf32, #tpu.memory_space<vmem>>)
      %run_scoped3A_105 = arith.constant 1 : i32
      "tpu.region"() ({
        %run_scoped3A_112 = tpu.sem_alloc : memref<!tpu.dma_semaphore, #tpu.memory_space<semaphore_mem>>
        %dma_start3A_113 = arith.constant 0 : i32
        %dma_start3A_114 = tpu.memref_slice %arg7[%run_scoped3A_105, %dma_start3A_113] : memref<2x128xi32, #tpu.memory_space<vmem>> -> memref<1x128xi32, #tpu.memory_space<vmem>>
        %dma_start3A_115 = tpu.memref_squeeze %dma_start3A_114 : memref<1x128xi32, #tpu.memory_space<vmem>> -> memref<128xi32, #tpu.memory_space<vmem>>
        %dma_start3A_116 = arith.constant 0 : i32
        %dma_start3A_117 = arith.constant 0 : i32
        %dma_start3A_118 = tpu.memref_slice %arg5[%dma_start3A_116, %dma_start3A_117] : memref<10240x128xf32, #tpu.memory_space<vmem_shared>> -> memref<10240x128xf32, #tpu.memory_space<vmem_shared>>
        tpu.enqueue_indirect_dma source(%arg9 : memref<128x128xf32, #tpu.memory_space<vmem>>) target(%dma_start3A_118 : memref<10240x128xf32, #tpu.memory_space<vmem_shared>>) offsets(%dma_start3A_115 : memref<128xi32, #tpu.memory_space<vmem>>) semaphore(%run_scoped3A_112 : memref<!tpu.dma_semaphore, #tpu.memory_space<semaphore_mem>>) {add = true}
        %dma_wait3A_119 = arith.constant 0 : i32
        %dma_wait3A_120 = tpu.memref_slice %arg7[%run_scoped3A_105, %dma_wait3A_119] : memref<2x128xi32, #tpu.memory_space<vmem>> -> memref<1x128xi32, #tpu.memory_space<vmem>>
        %dma_wait3A_121 = tpu.memref_squeeze %dma_wait3A_120 : memref<1x128xi32, #tpu.memory_space<vmem>> -> memref<128xi32, #tpu.memory_space<vmem>>
        %dma_wait3A_122 = arith.constant 0 : i32
        %dma_wait3A_123 = arith.constant 0 : i32
        %dma_wait3A_124 = tpu.memref_slice %arg5[%dma_wait3A_122, %dma_wait3A_123] : memref<10240x128xf32, #tpu.memory_space<vmem_shared>> -> memref<10240x128xf32, #tpu.memory_space<vmem_shared>>
        tpu.wait_indirect_dma semaphore(%run_scoped3A_112 : memref<!tpu.dma_semaphore, #tpu.memory_space<semaphore_mem>>) src(%arg9 : memref<128x128xf32, #tpu.memory_space<vmem>>) dst(%dma_wait3A_124 : memref<10240x128xf32, #tpu.memory_space<vmem_shared>>)
        tpu.yield
      }) : () -> ()
      %sub3A_106 = arith.constant 1 : i32
      %sub3A_107 = arith.subi %select_n3A_56, %sub3A_106 : i32
      %lt3A_108 = arith.cmpi slt, %while3A_87, %sub3A_107 : i32
      %convert_element_type3A_109 = arith.extui %lt3A_108 : i1 to i32
      %cond3A_110 = arith.constant 0 : i32
      %cond3A_111 = arith.cmpi ne, %convert_element_type3A_109, %cond3A_110 : i32
      scf.if %cond3A_111 {
        %mul3A_112 = arith.constant 2 : i32
        %mul3A_113 = arith.muli %mul3A_112, %while3A_87 : i32
        %add3A_114 = arith.addi %add3A, %mul3A_113 : i32
        %add3A_115 = arith.constant 3 : i32
        %add3A_116 = arith.addi %add3A_114, %add3A_115 : i32
        "tpu.region"() ({
          %run_scoped3A_124 = tpu.sem_alloc : memref<!tpu.dma_semaphore, #tpu.memory_space<semaphore_mem>>
          %dma_start3A_125 = arith.constant 0 : i32
          %dma_start3A_126 = arith.constant 0 : i32
          %dma_start3A_127 = tpu.memref_slice %arg3[%add3A_116, %dma_start3A_125, %dma_start3A_126] : memref<2500x2x128xi32, #tpu.memory_space<hbm>> -> memref<1x2x128xi32, #tpu.memory_space<hbm>>
          %dma_start3A_128 = tpu.memref_squeeze %dma_start3A_127 : memref<1x2x128xi32, #tpu.memory_space<hbm>> -> memref<2x128xi32, #tpu.memory_space<hbm>>
          %dma_start3A_129 = arith.constant 0 : i32
          %dma_start3A_130 = arith.constant 0 : i32
          %dma_start3A_131 = tpu.memref_slice %arg3[%add3A_116, %dma_start3A_129, %dma_start3A_130] : memref<2500x2x128xi32, #tpu.memory_space<hbm>> -> memref<1x2x128xi32, #tpu.memory_space<hbm>>
          %dma_start3A_132 = tpu.memref_squeeze %dma_start3A_131 : memref<1x2x128xi32, #tpu.memory_space<hbm>> -> memref<2x128xi32, #tpu.memory_space<hbm>>
          tpu.enqueue_dma source(%dma_start3A_132 : memref<2x128xi32, #tpu.memory_space<hbm>>) target(%arg7 : memref<2x128xi32, #tpu.memory_space<vmem>>) target_semaphore(%run_scoped3A_124 : memref<!tpu.dma_semaphore, #tpu.memory_space<semaphore_mem>>)
          %dma_wait3A_133 = arith.constant 0 : i32
          %dma_wait3A_134 = arith.constant 0 : i32
          %dma_wait3A_135 = tpu.memref_slice %arg3[%add3A_116, %dma_wait3A_133, %dma_wait3A_134] : memref<2500x2x128xi32, #tpu.memory_space<hbm>> -> memref<1x2x128xi32, #tpu.memory_space<hbm>>
          %dma_wait3A_136 = tpu.memref_squeeze %dma_wait3A_135 : memref<1x2x128xi32, #tpu.memory_space<hbm>> -> memref<2x128xi32, #tpu.memory_space<hbm>>
          %dma_wait3A_137 = arith.constant 0 : i32
          %dma_wait3A_138 = arith.constant 0 : i32
          %dma_wait3A_139 = tpu.memref_slice %arg3[%add3A_116, %dma_wait3A_137, %dma_wait3A_138] : memref<2500x2x128xi32, #tpu.memory_space<hbm>> -> memref<1x2x128xi32, #tpu.memory_space<hbm>>
          %dma_wait3A_140 = tpu.memref_squeeze %dma_wait3A_139 : memref<1x2x128xi32, #tpu.memory_space<hbm>> -> memref<2x128xi32, #tpu.memory_space<hbm>>
          tpu.wait_dma2 semaphore(%run_scoped3A_124 : memref<!tpu.dma_semaphore, #tpu.memory_space<semaphore_mem>>) src(%dma_wait3A_140 : memref<2x128xi32, #tpu.memory_space<hbm>>) dst(%arg7 : memref<2x128xi32, #tpu.memory_space<vmem>>)
          tpu.yield
        }) : () -> ()
        %dma_start3A_117 = arith.constant 0 : i32
        %dma_start3A_118 = arith.constant 0 : i32
        %dma_start3A_119 = tpu.memref_slice %arg7[%dma_start3A_117, %dma_start3A_118] : memref<2x128xi32, #tpu.memory_space<vmem>> -> memref<1x128xi32, #tpu.memory_space<vmem>>
        %dma_start3A_120 = tpu.memref_squeeze %dma_start3A_119 : memref<1x128xi32, #tpu.memory_space<vmem>> -> memref<128xi32, #tpu.memory_space<vmem>>
        %dma_start3A_121 = arith.constant 0 : i32
        %dma_start3A_122 = arith.constant 0 : i32
        %dma_start3A_123 = tpu.memref_slice %arg2[%dma_start3A_121, %dma_start3A_122] : memref<10000x128xf32, #tpu.memory_space<hbm>> -> memref<10000x128xf32, #tpu.memory_space<hbm>>
        tpu.enqueue_indirect_dma source(%dma_start3A_123 : memref<10000x128xf32, #tpu.memory_space<hbm>>) target(%arg9 : memref<128x128xf32, #tpu.memory_space<vmem>>) offsets(%dma_start3A_120 : memref<128xi32, #tpu.memory_space<vmem>>) semaphore(%arg11 : memref<!tpu.dma_semaphore, #tpu.memory_space<semaphore_mem>>)
      } else {
      }
    }
    %while3A_65 = arith.constant 1 : i32
    scf.for %while3A_87 = %while3A_63 to %while3A_59 step %while3A_65  : i32 {
      %dma_wait3A = arith.constant 0 : i32
      %dma_wait3A_88 = arith.constant 0 : i32
      %dma_wait3A_89 = tpu.memref_slice %arg6[%dma_wait3A, %dma_wait3A_88] : memref<2x128xi32, #tpu.memory_space<vmem>> -> memref<1x128xi32, #tpu.memory_space<vmem>>
      %dma_wait3A_90 = tpu.memref_squeeze %dma_wait3A_89 : memref<1x128xi32, #tpu.memory_space<vmem>> -> memref<128xi32, #tpu.memory_space<vmem>>
      %dma_wait3A_91 = arith.constant 0 : i32
      %dma_wait3A_92 = arith.constant 0 : i32
      %dma_wait3A_93 = tpu.memref_slice %arg2[%dma_wait3A_91, %dma_wait3A_92] : memref<10000x128xf32, #tpu.memory_space<hbm>> -> memref<10000x128xf32, #tpu.memory_space<hbm>>
      tpu.wait_indirect_dma semaphore(%arg10 : memref<!tpu.dma_semaphore, #tpu.memory_space<semaphore_mem>>) src(%dma_wait3A_93 : memref<10000x128xf32, #tpu.memory_space<hbm>>) dst(%arg8 : memref<128x128xf32, #tpu.memory_space<vmem>>)
      %run_scoped3A = arith.constant 1 : i32
      "tpu.region"() ({
        %run_scoped3A_112 = tpu.sem_alloc : memref<!tpu.dma_semaphore, #tpu.memory_space<semaphore_mem>>
        %dma_start3A_113 = arith.constant 0 : i32
        %dma_start3A_114 = tpu.memref_slice %arg6[%run_scoped3A, %dma_start3A_113] : memref<2x128xi32, #tpu.memory_space<vmem>> -> memref<1x128xi32, #tpu.memory_space<vmem>>
        %dma_start3A_115 = tpu.memref_squeeze %dma_start3A_114 : memref<1x128xi32, #tpu.memory_space<vmem>> -> memref<128xi32, #tpu.memory_space<vmem>>
        %dma_start3A_116 = arith.constant 0 : i32
        %dma_start3A_117 = arith.constant 0 : i32
        %dma_start3A_118 = tpu.memref_slice %arg5[%dma_start3A_116, %dma_start3A_117] : memref<10240x128xf32, #tpu.memory_space<vmem_shared>> -> memref<10240x128xf32, #tpu.memory_space<vmem_shared>>
        tpu.enqueue_indirect_dma source(%arg8 : memref<128x128xf32, #tpu.memory_space<vmem>>) target(%dma_start3A_118 : memref<10240x128xf32, #tpu.memory_space<vmem_shared>>) offsets(%dma_start3A_115 : memref<128xi32, #tpu.memory_space<vmem>>) semaphore(%run_scoped3A_112 : memref<!tpu.dma_semaphore, #tpu.memory_space<semaphore_mem>>) {add = true}
        %dma_wait3A_119 = arith.constant 0 : i32
        %dma_wait3A_120 = tpu.memref_slice %arg6[%run_scoped3A, %dma_wait3A_119] : memref<2x128xi32, #tpu.memory_space<vmem>> -> memref<1x128xi32, #tpu.memory_space<vmem>>
        %dma_wait3A_121 = tpu.memref_squeeze %dma_wait3A_120 : memref<1x128xi32, #tpu.memory_space<vmem>> -> memref<128xi32, #tpu.memory_space<vmem>>
        %dma_wait3A_122 = arith.constant 0 : i32
        %dma_wait3A_123 = arith.constant 0 : i32
        %dma_wait3A_124 = tpu.memref_slice %arg5[%dma_wait3A_122, %dma_wait3A_123] : memref<10240x128xf32, #tpu.memory_space<vmem_shared>> -> memref<10240x128xf32, #tpu.memory_space<vmem_shared>>
        tpu.wait_indirect_dma semaphore(%run_scoped3A_112 : memref<!tpu.dma_semaphore, #tpu.memory_space<semaphore_mem>>) src(%arg8 : memref<128x128xf32, #tpu.memory_space<vmem>>) dst(%dma_wait3A_124 : memref<10240x128xf32, #tpu.memory_space<vmem_shared>>)
        tpu.yield
      }) : () -> ()
      %sub3A_94 = arith.constant 1 : i32
      %sub3A_95 = arith.subi %select_n3A_56, %sub3A_94 : i32
      %lt3A_96 = arith.cmpi slt, %while3A_87, %sub3A_95 : i32
      %convert_element_type3A = arith.extui %lt3A_96 : i1 to i32
      %cond3A = arith.constant 0 : i32
      %cond3A_97 = arith.cmpi ne, %convert_element_type3A, %cond3A : i32
      scf.if %cond3A_97 {
        %mul3A_112 = arith.constant 2 : i32
        %mul3A_113 = arith.muli %mul3A_112, %while3A_87 : i32
        %add3A_114 = arith.addi %add3A, %mul3A_113 : i32
        %add3A_115 = arith.constant 2 : i32
        %add3A_116 = arith.addi %add3A_114, %add3A_115 : i32
        "tpu.region"() ({
          %run_scoped3A_124 = tpu.sem_alloc : memref<!tpu.dma_semaphore, #tpu.memory_space<semaphore_mem>>
          %dma_start3A_125 = arith.constant 0 : i32
          %dma_start3A_126 = arith.constant 0 : i32
          %dma_start3A_127 = tpu.memref_slice %arg3[%add3A_116, %dma_start3A_125, %dma_start3A_126] : memref<2500x2x128xi32, #tpu.memory_space<hbm>> -> memref<1x2x128xi32, #tpu.memory_space<hbm>>
          %dma_start3A_128 = tpu.memref_squeeze %dma_start3A_127 : memref<1x2x128xi32, #tpu.memory_space<hbm>> -> memref<2x128xi32, #tpu.memory_space<hbm>>
          %dma_start3A_129 = arith.constant 0 : i32
          %dma_start3A_130 = arith.constant 0 : i32
          %dma_start3A_131 = tpu.memref_slice %arg3[%add3A_116, %dma_start3A_129, %dma_start3A_130] : memref<2500x2x128xi32, #tpu.memory_space<hbm>> -> memref<1x2x128xi32, #tpu.memory_space<hbm>>
          %dma_start3A_132 = tpu.memref_squeeze %dma_start3A_131 : memref<1x2x128xi32, #tpu.memory_space<hbm>> -> memref<2x128xi32, #tpu.memory_space<hbm>>
          tpu.enqueue_dma source(%dma_start3A_132 : memref<2x128xi32, #tpu.memory_space<hbm>>) target(%arg6 : memref<2x128xi32, #tpu.memory_space<vmem>>) target_semaphore(%run_scoped3A_124 : memref<!tpu.dma_semaphore, #tpu.memory_space<semaphore_mem>>)
          %dma_wait3A_133 = arith.constant 0 : i32
          %dma_wait3A_134 = arith.constant 0 : i32
          %dma_wait3A_135 = tpu.memref_slice %arg3[%add3A_116, %dma_wait3A_133, %dma_wait3A_134] : memref<2500x2x128xi32, #tpu.memory_space<hbm>> -> memref<1x2x128xi32, #tpu.memory_space<hbm>>
          %dma_wait3A_136 = tpu.memref_squeeze %dma_wait3A_135 : memref<1x2x128xi32, #tpu.memory_space<hbm>> -> memref<2x128xi32, #tpu.memory_space<hbm>>
          %dma_wait3A_137 = arith.constant 0 : i32
          %dma_wait3A_138 = arith.constant 0 : i32
          %dma_wait3A_139 = tpu.memref_slice %arg3[%add3A_116, %dma_wait3A_137, %dma_wait3A_138] : memref<2500x2x128xi32, #tpu.memory_space<hbm>> -> memref<1x2x128xi32, #tpu.memory_space<hbm>>
          %dma_wait3A_140 = tpu.memref_squeeze %dma_wait3A_139 : memref<1x2x128xi32, #tpu.memory_space<hbm>> -> memref<2x128xi32, #tpu.memory_space<hbm>>
          tpu.wait_dma2 semaphore(%run_scoped3A_124 : memref<!tpu.dma_semaphore, #tpu.memory_space<semaphore_mem>>) src(%dma_wait3A_140 : memref<2x128xi32, #tpu.memory_space<hbm>>) dst(%arg6 : memref<2x128xi32, #tpu.memory_space<vmem>>)
          tpu.yield
        }) : () -> ()
        %dma_start3A_117 = arith.constant 0 : i32
        %dma_start3A_118 = arith.constant 0 : i32
        %dma_start3A_119 = tpu.memref_slice %arg6[%dma_start3A_117, %dma_start3A_118] : memref<2x128xi32, #tpu.memory_space<vmem>> -> memref<1x128xi32, #tpu.memory_space<vmem>>
        %dma_start3A_120 = tpu.memref_squeeze %dma_start3A_119 : memref<1x128xi32, #tpu.memory_space<vmem>> -> memref<128xi32, #tpu.memory_space<vmem>>
        %dma_start3A_121 = arith.constant 0 : i32
        %dma_start3A_122 = arith.constant 0 : i32
        %dma_start3A_123 = tpu.memref_slice %arg2[%dma_start3A_121, %dma_start3A_122] : memref<10000x128xf32, #tpu.memory_space<hbm>> -> memref<10000x128xf32, #tpu.memory_space<hbm>>
        tpu.enqueue_indirect_dma source(%dma_start3A_123 : memref<10000x128xf32, #tpu.memory_space<hbm>>) target(%arg8 : memref<128x128xf32, #tpu.memory_space<vmem>>) offsets(%dma_start3A_120 : memref<128xi32, #tpu.memory_space<vmem>>) semaphore(%arg10 : memref<!tpu.dma_semaphore, #tpu.memory_space<semaphore_mem>>)
      } else {
      }
      %dma_wait3A_98 = arith.constant 0 : i32
      %dma_wait3A_99 = arith.constant 0 : i32
      %dma_wait3A_100 = tpu.memref_slice %arg7[%dma_wait3A_98, %dma_wait3A_99] : memref<2x128xi32, #tpu.memory_space<vmem>> -> memref<1x128xi32, #tpu.memory_space<vmem>>
      %dma_wait3A_101 = tpu.memref_squeeze %dma_wait3A_100 : memref<1x128xi32, #tpu.memory_space<vmem>> -> memref<128xi32, #tpu.memory_space<vmem>>
      %dma_wait3A_102 = arith.constant 0 : i32
      %dma_wait3A_103 = arith.constant 0 : i32
      %dma_wait3A_104 = tpu.memref_slice %arg2[%dma_wait3A_102, %dma_wait3A_103] : memref<10000x128xf32, #tpu.memory_space<hbm>> -> memref<10000x128xf32, #tpu.memory_space<hbm>>
      tpu.wait_indirect_dma semaphore(%arg11 : memref<!tpu.dma_semaphore, #tpu.memory_space<semaphore_mem>>) src(%dma_wait3A_104 : memref<10000x128xf32, #tpu.memory_space<hbm>>) dst(%arg9 : memref<128x128xf32, #tpu.memory_space<vmem>>)
      %run_scoped3A_105 = arith.constant 1 : i32
      "tpu.region"() ({
        %run_scoped3A_112 = tpu.sem_alloc : memref<!tpu.dma_semaphore, #tpu.memory_space<semaphore_mem>>
        %dma_start3A_113 = arith.constant 0 : i32
        %dma_start3A_114 = tpu.memref_slice %arg7[%run_scoped3A_105, %dma_start3A_113] : memref<2x128xi32, #tpu.memory_space<vmem>> -> memref<1x128xi32, #tpu.memory_space<vmem>>
        %dma_start3A_115 = tpu.memref_squeeze %dma_start3A_114 : memref<1x128xi32, #tpu.memory_space<vmem>> -> memref<128xi32, #tpu.memory_space<vmem>>
        %dma_start3A_116 = arith.constant 0 : i32
        %dma_start3A_117 = arith.constant 0 : i32
        %dma_start3A_118 = tpu.memref_slice %arg5[%dma_start3A_116, %dma_start3A_117] : memref<10240x128xf32, #tpu.memory_space<vmem_shared>> -> memref<10240x128xf32, #tpu.memory_space<vmem_shared>>
        tpu.enqueue_indirect_dma source(%arg9 : memref<128x128xf32, #tpu.memory_space<vmem>>) target(%dma_start3A_118 : memref<10240x128xf32, #tpu.memory_space<vmem_shared>>) offsets(%dma_start3A_115 : memref<128xi32, #tpu.memory_space<vmem>>) semaphore(%run_scoped3A_112 : memref<!tpu.dma_semaphore, #tpu.memory_space<semaphore_mem>>) {add = true}
        %dma_wait3A_119 = arith.constant 0 : i32
        %dma_wait3A_120 = tpu.memref_slice %arg7[%run_scoped3A_105, %dma_wait3A_119] : memref<2x128xi32, #tpu.memory_space<vmem>> -> memref<1x128xi32, #tpu.memory_space<vmem>>
        %dma_wait3A_121 = tpu.memref_squeeze %dma_wait3A_120 : memref<1x128xi32, #tpu.memory_space<vmem>> -> memref<128xi32, #tpu.memory_space<vmem>>
        %dma_wait3A_122 = arith.constant 0 : i32
        %dma_wait3A_123 = arith.constant 0 : i32
        %dma_wait3A_124 = tpu.memref_slice %arg5[%dma_wait3A_122, %dma_wait3A_123] : memref<10240x128xf32, #tpu.memory_space<vmem_shared>> -> memref<10240x128xf32, #tpu.memory_space<vmem_shared>>
        tpu.wait_indirect_dma semaphore(%run_scoped3A_112 : memref<!tpu.dma_semaphore, #tpu.memory_space<semaphore_mem>>) src(%arg9 : memref<128x128xf32, #tpu.memory_space<vmem>>) dst(%dma_wait3A_124 : memref<10240x128xf32, #tpu.memory_space<vmem_shared>>)
        tpu.yield
      }) : () -> ()
      %sub3A_106 = arith.constant 1 : i32
      %sub3A_107 = arith.subi %select_n3A_56, %sub3A_106 : i32
      %lt3A_108 = arith.cmpi slt, %while3A_87, %sub3A_107 : i32
      %convert_element_type3A_109 = arith.extui %lt3A_108 : i1 to i32
      %cond3A_110 = arith.constant 0 : i32
      %cond3A_111 = arith.cmpi ne, %convert_element_type3A_109, %cond3A_110 : i32
      scf.if %cond3A_111 {
        %mul3A_112 = arith.constant 2 : i32
        %mul3A_113 = arith.muli %mul3A_112, %while3A_87 : i32
        %add3A_114 = arith.addi %add3A, %mul3A_113 : i32
        %add3A_115 = arith.constant 3 : i32
        %add3A_116 = arith.addi %add3A_114, %add3A_115 : i32
        "tpu.region"() ({
          %run_scoped3A_124 = tpu.sem_alloc : memref<!tpu.dma_semaphore, #tpu.memory_space<semaphore_mem>>
          %dma_start3A_125 = arith.constant 0 : i32
          %dma_start3A_126 = arith.constant 0 : i32
          %dma_start3A_127 = tpu.memref_slice %arg3[%add3A_116, %dma_start3A_125, %dma_start3A_126] : memref<2500x2x128xi32, #tpu.memory_space<hbm>> -> memref<1x2x128xi32, #tpu.memory_space<hbm>>
          %dma_start3A_128 = tpu.memref_squeeze %dma_start3A_127 : memref<1x2x128xi32, #tpu.memory_space<hbm>> -> memref<2x128xi32, #tpu.memory_space<hbm>>
          %dma_start3A_129 = arith.constant 0 : i32
          %dma_start3A_130 = arith.constant 0 : i32
          %dma_start3A_131 = tpu.memref_slice %arg3[%add3A_116, %dma_start3A_129, %dma_start3A_130] : memref<2500x2x128xi32, #tpu.memory_space<hbm>> -> memref<1x2x128xi32, #tpu.memory_space<hbm>>
          %dma_start3A_132 = tpu.memref_squeeze %dma_start3A_131 : memref<1x2x128xi32, #tpu.memory_space<hbm>> -> memref<2x128xi32, #tpu.memory_space<hbm>>
          tpu.enqueue_dma source(%dma_start3A_132 : memref<2x128xi32, #tpu.memory_space<hbm>>) target(%arg7 : memref<2x128xi32, #tpu.memory_space<vmem>>) target_semaphore(%run_scoped3A_124 : memref<!tpu.dma_semaphore, #tpu.memory_space<semaphore_mem>>)
          %dma_wait3A_133 = arith.constant 0 : i32
          %dma_wait3A_134 = arith.constant 0 : i32
          %dma_wait3A_135 = tpu.memref_slice %arg3[%add3A_116, %dma_wait3A_133, %dma_wait3A_134] : memref<2500x2x128xi32, #tpu.memory_space<hbm>> -> memref<1x2x128xi32, #tpu.memory_space<hbm>>
          %dma_wait3A_136 = tpu.memref_squeeze %dma_wait3A_135 : memref<1x2x128xi32, #tpu.memory_space<hbm>> -> memref<2x128xi32, #tpu.memory_space<hbm>>
          %dma_wait3A_137 = arith.constant 0 : i32
          %dma_wait3A_138 = arith.constant 0 : i32
          %dma_wait3A_139 = tpu.memref_slice %arg3[%add3A_116, %dma_wait3A_137, %dma_wait3A_138] : memref<2500x2x128xi32, #tpu.memory_space<hbm>> -> memref<1x2x128xi32, #tpu.memory_space<hbm>>
          %dma_wait3A_140 = tpu.memref_squeeze %dma_wait3A_139 : memref<1x2x128xi32, #tpu.memory_space<hbm>> -> memref<2x128xi32, #tpu.memory_space<hbm>>
          tpu.wait_dma2 semaphore(%run_scoped3A_124 : memref<!tpu.dma_semaphore, #tpu.memory_space<semaphore_mem>>) src(%dma_wait3A_140 : memref<2x128xi32, #tpu.memory_space<hbm>>) dst(%arg7 : memref<2x128xi32, #tpu.memory_space<vmem>>)
          tpu.yield
        }) : () -> ()
        %dma_start3A_117 = arith.constant 0 : i32
        %dma_start3A_118 = arith.constant 0 : i32
        %dma_start3A_119 = tpu.memref_slice %arg7[%dma_start3A_117, %dma_start3A_118] : memref<2x128xi32, #tpu.memory_space<vmem>> -> memref<1x128xi32, #tpu.memory_space<vmem>>
        %dma_start3A_120 = tpu.memref_squeeze %dma_start3A_119 : memref<1x128xi32, #tpu.memory_space<vmem>> -> memref<128xi32, #tpu.memory_space<vmem>>
        %dma_start3A_121 = arith.constant 0 : i32
        %dma_start3A_122 = arith.constant 0 : i32
        %dma_start3A_123 = tpu.memref_slice %arg2[%dma_start3A_121, %dma_start3A_122] : memref<10000x128xf32, #tpu.memory_space<hbm>> -> memref<10000x128xf32, #tpu.memory_space<hbm>>
        tpu.enqueue_indirect_dma source(%dma_start3A_123 : memref<10000x128xf32, #tpu.memory_space<hbm>>) target(%arg9 : memref<128x128xf32, #tpu.memory_space<vmem>>) offsets(%dma_start3A_120 : memref<128xi32, #tpu.memory_space<vmem>>) semaphore(%arg11 : memref<!tpu.dma_semaphore, #tpu.memory_space<semaphore_mem>>)
      } else {
      }
    }
    %barrier3A_66 = arith.constant 0 : index
    tpu.barrier barrier_id(%barrier3A_66)
    %add3A_67 = arith.constant 0 : i32
    %add3A_68 = arith.addi %mul3A_13, %add3A_67 : i32
    "tpu.region"() ({
      %run_scoped3A = tpu.sem_alloc : memref<!tpu.dma_semaphore, #tpu.memory_space<semaphore_mem>>
      %dma_start3A_87 = arith.constant 0 : i32
      %dma_start3A_88 = tpu.memref_slice %arg5[%add3A_68, %dma_start3A_87] : memref<10240x128xf32, #tpu.memory_space<vmem_shared>> -> memref<128x128xf32, #tpu.memory_space<vmem_shared>>
      %dma_start3A_89 = arith.constant 0 : i32
      %dma_start3A_90 = tpu.memref_slice %arg5[%add3A_68, %dma_start3A_89] : memref<10240x128xf32, #tpu.memory_space<vmem_shared>> -> memref<128x128xf32, #tpu.memory_space<vmem_shared>>
      tpu.enqueue_dma source(%dma_start3A_90 : memref<128x128xf32, #tpu.memory_space<vmem_shared>>) target(%arg8 : memref<128x128xf32, #tpu.memory_space<vmem>>) target_semaphore(%run_scoped3A : memref<!tpu.dma_semaphore, #tpu.memory_space<semaphore_mem>>)
      %dma_wait3A = arith.constant 0 : i32
      %dma_wait3A_91 = tpu.memref_slice %arg5[%add3A_68, %dma_wait3A] : memref<10240x128xf32, #tpu.memory_space<vmem_shared>> -> memref<128x128xf32, #tpu.memory_space<vmem_shared>>
      %dma_wait3A_92 = arith.constant 0 : i32
      %dma_wait3A_93 = tpu.memref_slice %arg5[%add3A_68, %dma_wait3A_92] : memref<10240x128xf32, #tpu.memory_space<vmem_shared>> -> memref<128x128xf32, #tpu.memory_space<vmem_shared>>
      tpu.wait_dma2 semaphore(%run_scoped3A : memref<!tpu.dma_semaphore, #tpu.memory_space<semaphore_mem>>) src(%dma_wait3A_93 : memref<128x128xf32, #tpu.memory_space<vmem_shared>>) dst(%arg8 : memref<128x128xf32, #tpu.memory_space<vmem>>)
      tpu.yield
    }) : () -> ()
    %add3A_69 = arith.constant 0 : i32
    %add3A_70 = arith.addi %mul3A_13, %add3A_69 : i32
    "tpu.region"() ({
      %run_scoped3A = tpu.sem_alloc : memref<!tpu.dma_semaphore, #tpu.memory_space<semaphore_mem>>
      %dma_start3A_87 = arith.constant 0 : i32
      %dma_start3A_88 = tpu.memref_slice %arg4[%add3A_70, %dma_start3A_87] : memref<10240x128xf32, #tpu.memory_space<hbm>> -> memref<128x128xf32, #tpu.memory_space<hbm>>
      %dma_start3A_89 = arith.constant 0 : i32
      %dma_start3A_90 = tpu.memref_slice %arg4[%add3A_70, %dma_start3A_89] : memref<10240x128xf32, #tpu.memory_space<hbm>> -> memref<128x128xf32, #tpu.memory_space<hbm>>
      tpu.enqueue_dma source(%arg8 : memref<128x128xf32, #tpu.memory_space<vmem>>) target(%dma_start3A_90 : memref<128x128xf32, #tpu.memory_space<hbm>>) target_semaphore(%run_scoped3A : memref<!tpu.dma_semaphore, #tpu.memory_space<semaphore_mem>>)
      %dma_wait3A = arith.constant 0 : i32
      %dma_wait3A_91 = tpu.memref_slice %arg4[%add3A_70, %dma_wait3A] : memref<10240x128xf32, #tpu.memory_space<hbm>> -> memref<128x128xf32, #tpu.memory_space<hbm>>
      %dma_wait3A_92 = arith.constant 0 : i32
      %dma_wait3A_93 = tpu.memref_slice %arg4[%add3A_70, %dma_wait3A_92] : memref<10240x128xf32, #tpu.memory_space<hbm>> -> memref<128x128xf32, #tpu.memory_space<hbm>>
      tpu.wait_dma2 semaphore(%run_scoped3A : memref<!tpu.dma_semaphore, #tpu.memory_space<semaphore_mem>>) src(%arg8 : memref<128x128xf32, #tpu.memory_space<vmem>>) dst(%dma_wait3A_93 : memref<128x128xf32, #tpu.memory_space<hbm>>)
      tpu.yield
    }) : () -> ()
    %add3A_71 = arith.constant 128 : i32
    %add3A_72 = arith.addi %mul3A_13, %add3A_71 : i32
    "tpu.region"() ({
      %run_scoped3A = tpu.sem_alloc : memref<!tpu.dma_semaphore, #tpu.memory_space<semaphore_mem>>
      %dma_start3A_87 = arith.constant 0 : i32
      %dma_start3A_88 = tpu.memref_slice %arg5[%add3A_72, %dma_start3A_87] : memref<10240x128xf32, #tpu.memory_space<vmem_shared>> -> memref<128x128xf32, #tpu.memory_space<vmem_shared>>
      %dma_start3A_89 = arith.constant 0 : i32
      %dma_start3A_90 = tpu.memref_slice %arg5[%add3A_72, %dma_start3A_89] : memref<10240x128xf32, #tpu.memory_space<vmem_shared>> -> memref<128x128xf32, #tpu.memory_space<vmem_shared>>
      tpu.enqueue_dma source(%dma_start3A_90 : memref<128x128xf32, #tpu.memory_space<vmem_shared>>) target(%arg8 : memref<128x128xf32, #tpu.memory_space<vmem>>) target_semaphore(%run_scoped3A : memref<!tpu.dma_semaphore, #tpu.memory_space<semaphore_mem>>)
      %dma_wait3A = arith.constant 0 : i32
      %dma_wait3A_91 = tpu.memref_slice %arg5[%add3A_72, %dma_wait3A] : memref<10240x128xf32, #tpu.memory_space<vmem_shared>> -> memref<128x128xf32, #tpu.memory_space<vmem_shared>>
      %dma_wait3A_92 = arith.constant 0 : i32
      %dma_wait3A_93 = tpu.memref_slice %arg5[%add3A_72, %dma_wait3A_92] : memref<10240x128xf32, #tpu.memory_space<vmem_shared>> -> memref<128x128xf32, #tpu.memory_space<vmem_shared>>
      tpu.wait_dma2 semaphore(%run_scoped3A : memref<!tpu.dma_semaphore, #tpu.memory_space<semaphore_mem>>) src(%dma_wait3A_93 : memref<128x128xf32, #tpu.memory_space<vmem_shared>>) dst(%arg8 : memref<128x128xf32, #tpu.memory_space<vmem>>)
      tpu.yield
    }) : () -> ()
    %add3A_73 = arith.constant 128 : i32
    %add3A_74 = arith.addi %mul3A_13, %add3A_73 : i32
    "tpu.region"() ({
      %run_scoped3A = tpu.sem_alloc : memref<!tpu.dma_semaphore, #tpu.memory_space<semaphore_mem>>
      %dma_start3A_87 = arith.constant 0 : i32
      %dma_start3A_88 = tpu.memref_slice %arg4[%add3A_74, %dma_start3A_87] : memref<10240x128xf32, #tpu.memory_space<hbm>> -> memref<128x128xf32, #tpu.memory_space<hbm>>
      %dma_start3A_89 = arith.constant 0 : i32
      %dma_start3A_90 = tpu.memref_slice %arg4[%add3A_74, %dma_start3A_89] : memref<10240x128xf32, #tpu.memory_space<hbm>> -> memref<128x128xf32, #tpu.memory_space<hbm>>
      tpu.enqueue_dma source(%arg8 : memref<128x128xf32, #tpu.memory_space<vmem>>) target(%dma_start3A_90 : memref<128x128xf32, #tpu.memory_space<hbm>>) target_semaphore(%run_scoped3A : memref<!tpu.dma_semaphore, #tpu.memory_space<semaphore_mem>>)
      %dma_wait3A = arith.constant 0 : i32
      %dma_wait3A_91 = tpu.memref_slice %arg4[%add3A_74, %dma_wait3A] : memref<10240x128xf32, #tpu.memory_space<hbm>> -> memref<128x128xf32, #tpu.memory_space<hbm>>
      %dma_wait3A_92 = arith.constant 0 : i32
      %dma_wait3A_93 = tpu.memref_slice %arg4[%add3A_74, %dma_wait3A_92] : memref<10240x128xf32, #tpu.memory_space<hbm>> -> memref<128x128xf32, #tpu.memory_space<hbm>>
      tpu.wait_dma2 semaphore(%run_scoped3A : memref<!tpu.dma_semaphore, #tpu.memory_space<semaphore_mem>>) src(%arg8 : memref<128x128xf32, #tpu.memory_space<vmem>>) dst(%dma_wait3A_93 : memref<128x128xf32, #tpu.memory_space<hbm>>)
      tpu.yield
    }) : () -> ()
    %add3A_75 = arith.constant 256 : i32
    %add3A_76 = arith.addi %mul3A_13, %add3A_75 : i32
    "tpu.region"() ({
      %run_scoped3A = tpu.sem_alloc : memref<!tpu.dma_semaphore, #tpu.memory_space<semaphore_mem>>
      %dma_start3A_87 = arith.constant 0 : i32
      %dma_start3A_88 = tpu.memref_slice %arg5[%add3A_76, %dma_start3A_87] : memref<10240x128xf32, #tpu.memory_space<vmem_shared>> -> memref<128x128xf32, #tpu.memory_space<vmem_shared>>
      %dma_start3A_89 = arith.constant 0 : i32
      %dma_start3A_90 = tpu.memref_slice %arg5[%add3A_76, %dma_start3A_89] : memref<10240x128xf32, #tpu.memory_space<vmem_shared>> -> memref<128x128xf32, #tpu.memory_space<vmem_shared>>
      tpu.enqueue_dma source(%dma_start3A_90 : memref<128x128xf32, #tpu.memory_space<vmem_shared>>) target(%arg8 : memref<128x128xf32, #tpu.memory_space<vmem>>) target_semaphore(%run_scoped3A : memref<!tpu.dma_semaphore, #tpu.memory_space<semaphore_mem>>)
      %dma_wait3A = arith.constant 0 : i32
      %dma_wait3A_91 = tpu.memref_slice %arg5[%add3A_76, %dma_wait3A] : memref<10240x128xf32, #tpu.memory_space<vmem_shared>> -> memref<128x128xf32, #tpu.memory_space<vmem_shared>>
      %dma_wait3A_92 = arith.constant 0 : i32
      %dma_wait3A_93 = tpu.memref_slice %arg5[%add3A_76, %dma_wait3A_92] : memref<10240x128xf32, #tpu.memory_space<vmem_shared>> -> memref<128x128xf32, #tpu.memory_space<vmem_shared>>
      tpu.wait_dma2 semaphore(%run_scoped3A : memref<!tpu.dma_semaphore, #tpu.memory_space<semaphore_mem>>) src(%dma_wait3A_93 : memref<128x128xf32, #tpu.memory_space<vmem_shared>>) dst(%arg8 : memref<128x128xf32, #tpu.memory_space<vmem>>)
      tpu.yield
    }) : () -> ()
    %add3A_77 = arith.constant 256 : i32
    %add3A_78 = arith.addi %mul3A_13, %add3A_77 : i32
    "tpu.region"() ({
      %run_scoped3A = tpu.sem_alloc : memref<!tpu.dma_semaphore, #tpu.memory_space<semaphore_mem>>
      %dma_start3A_87 = arith.constant 0 : i32
      %dma_start3A_88 = tpu.memref_slice %arg4[%add3A_78, %dma_start3A_87] : memref<10240x128xf32, #tpu.memory_space<hbm>> -> memref<128x128xf32, #tpu.memory_space<hbm>>
      %dma_start3A_89 = arith.constant 0 : i32
      %dma_start3A_90 = tpu.memref_slice %arg4[%add3A_78, %dma_start3A_89] : memref<10240x128xf32, #tpu.memory_space<hbm>> -> memref<128x128xf32, #tpu.memory_space<hbm>>
      tpu.enqueue_dma source(%arg8 : memref<128x128xf32, #tpu.memory_space<vmem>>) target(%dma_start3A_90 : memref<128x128xf32, #tpu.memory_space<hbm>>) target_semaphore(%run_scoped3A : memref<!tpu.dma_semaphore, #tpu.memory_space<semaphore_mem>>)
      %dma_wait3A = arith.constant 0 : i32
      %dma_wait3A_91 = tpu.memref_slice %arg4[%add3A_78, %dma_wait3A] : memref<10240x128xf32, #tpu.memory_space<hbm>> -> memref<128x128xf32, #tpu.memory_space<hbm>>
      %dma_wait3A_92 = arith.constant 0 : i32
      %dma_wait3A_93 = tpu.memref_slice %arg4[%add3A_78, %dma_wait3A_92] : memref<10240x128xf32, #tpu.memory_space<hbm>> -> memref<128x128xf32, #tpu.memory_space<hbm>>
      tpu.wait_dma2 semaphore(%run_scoped3A : memref<!tpu.dma_semaphore, #tpu.memory_space<semaphore_mem>>) src(%arg8 : memref<128x128xf32, #tpu.memory_space<vmem>>) dst(%dma_wait3A_93 : memref<128x128xf32, #tpu.memory_space<hbm>>)
      tpu.yield
    }) : () -> ()
    %add3A_79 = arith.constant 384 : i32
    %add3A_80 = arith.addi %mul3A_13, %add3A_79 : i32
    "tpu.region"() ({
      %run_scoped3A = tpu.sem_alloc : memref<!tpu.dma_semaphore, #tpu.memory_space<semaphore_mem>>
      %dma_start3A_87 = arith.constant 0 : i32
      %dma_start3A_88 = tpu.memref_slice %arg5[%add3A_80, %dma_start3A_87] : memref<10240x128xf32, #tpu.memory_space<vmem_shared>> -> memref<128x128xf32, #tpu.memory_space<vmem_shared>>
      %dma_start3A_89 = arith.constant 0 : i32
      %dma_start3A_90 = tpu.memref_slice %arg5[%add3A_80, %dma_start3A_89] : memref<10240x128xf32, #tpu.memory_space<vmem_shared>> -> memref<128x128xf32, #tpu.memory_space<vmem_shared>>
      tpu.enqueue_dma source(%dma_start3A_90 : memref<128x128xf32, #tpu.memory_space<vmem_shared>>) target(%arg8 : memref<128x128xf32, #tpu.memory_space<vmem>>) target_semaphore(%run_scoped3A : memref<!tpu.dma_semaphore, #tpu.memory_space<semaphore_mem>>)
      %dma_wait3A = arith.constant 0 : i32
      %dma_wait3A_91 = tpu.memref_slice %arg5[%add3A_80, %dma_wait3A] : memref<10240x128xf32, #tpu.memory_space<vmem_shared>> -> memref<128x128xf32, #tpu.memory_space<vmem_shared>>
      %dma_wait3A_92 = arith.constant 0 : i32
      %dma_wait3A_93 = tpu.memref_slice %arg5[%add3A_80, %dma_wait3A_92] : memref<10240x128xf32, #tpu.memory_space<vmem_shared>> -> memref<128x128xf32, #tpu.memory_space<vmem_shared>>
      tpu.wait_dma2 semaphore(%run_scoped3A : memref<!tpu.dma_semaphore, #tpu.memory_space<semaphore_mem>>) src(%dma_wait3A_93 : memref<128x128xf32, #tpu.memory_space<vmem_shared>>) dst(%arg8 : memref<128x128xf32, #tpu.memory_space<vmem>>)
      tpu.yield
    }) : () -> ()
    %add3A_81 = arith.constant 384 : i32
    %add3A_82 = arith.addi %mul3A_13, %add3A_81 : i32
    "tpu.region"() ({
      %run_scoped3A = tpu.sem_alloc : memref<!tpu.dma_semaphore, #tpu.memory_space<semaphore_mem>>
      %dma_start3A_87 = arith.constant 0 : i32
      %dma_start3A_88 = tpu.memref_slice %arg4[%add3A_82, %dma_start3A_87] : memref<10240x128xf32, #tpu.memory_space<hbm>> -> memref<128x128xf32, #tpu.memory_space<hbm>>
      %dma_start3A_89 = arith.constant 0 : i32
      %dma_start3A_90 = tpu.memref_slice %arg4[%add3A_82, %dma_start3A_89] : memref<10240x128xf32, #tpu.memory_space<hbm>> -> memref<128x128xf32, #tpu.memory_space<hbm>>
      tpu.enqueue_dma source(%arg8 : memref<128x128xf32, #tpu.memory_space<vmem>>) target(%dma_start3A_90 : memref<128x128xf32, #tpu.memory_space<hbm>>) target_semaphore(%run_scoped3A : memref<!tpu.dma_semaphore, #tpu.memory_space<semaphore_mem>>)
      %dma_wait3A = arith.constant 0 : i32
      %dma_wait3A_91 = tpu.memref_slice %arg4[%add3A_82, %dma_wait3A] : memref<10240x128xf32, #tpu.memory_space<hbm>> -> memref<128x128xf32, #tpu.memory_space<hbm>>
      %dma_wait3A_92 = arith.constant 0 : i32
      %dma_wait3A_93 = tpu.memref_slice %arg4[%add3A_82, %dma_wait3A_92] : memref<10240x128xf32, #tpu.memory_space<hbm>> -> memref<128x128xf32, #tpu.memory_space<hbm>>
      tpu.wait_dma2 semaphore(%run_scoped3A : memref<!tpu.dma_semaphore, #tpu.memory_space<semaphore_mem>>) src(%arg8 : memref<128x128xf32, #tpu.memory_space<vmem>>) dst(%dma_wait3A_93 : memref<128x128xf32, #tpu.memory_space<hbm>>)
      tpu.yield
    }) : () -> ()
    %add3A_83 = arith.constant 512 : i32
    %add3A_84 = arith.addi %mul3A_13, %add3A_83 : i32
    "tpu.region"() ({
      %run_scoped3A = tpu.sem_alloc : memref<!tpu.dma_semaphore, #tpu.memory_space<semaphore_mem>>
      %dma_start3A_87 = arith.constant 0 : i32
      %dma_start3A_88 = tpu.memref_slice %arg5[%add3A_84, %dma_start3A_87] : memref<10240x128xf32, #tpu.memory_space<vmem_shared>> -> memref<128x128xf32, #tpu.memory_space<vmem_shared>>
      %dma_start3A_89 = arith.constant 0 : i32
      %dma_start3A_90 = tpu.memref_slice %arg5[%add3A_84, %dma_start3A_89] : memref<10240x128xf32, #tpu.memory_space<vmem_shared>> -> memref<128x128xf32, #tpu.memory_space<vmem_shared>>
      tpu.enqueue_dma source(%dma_start3A_90 : memref<128x128xf32, #tpu.memory_space<vmem_shared>>) target(%arg8 : memref<128x128xf32, #tpu.memory_space<vmem>>) target_semaphore(%run_scoped3A : memref<!tpu.dma_semaphore, #tpu.memory_space<semaphore_mem>>)
      %dma_wait3A = arith.constant 0 : i32
      %dma_wait3A_91 = tpu.memref_slice %arg5[%add3A_84, %dma_wait3A] : memref<10240x128xf32, #tpu.memory_space<vmem_shared>> -> memref<128x128xf32, #tpu.memory_space<vmem_shared>>
      %dma_wait3A_92 = arith.constant 0 : i32
      %dma_wait3A_93 = tpu.memref_slice %arg5[%add3A_84, %dma_wait3A_92] : memref<10240x128xf32, #tpu.memory_space<vmem_shared>> -> memref<128x128xf32, #tpu.memory_space<vmem_shared>>
      tpu.wait_dma2 semaphore(%run_scoped3A : memref<!tpu.dma_semaphore, #tpu.memory_space<semaphore_mem>>) src(%dma_wait3A_93 : memref<128x128xf32, #tpu.memory_space<vmem_shared>>) dst(%arg8 : memref<128x128xf32, #tpu.memory_space<vmem>>)
      tpu.yield
    }) : () -> ()
    %add3A_85 = arith.constant 512 : i32
    %add3A_86 = arith.addi %mul3A_13, %add3A_85 : i32
    "tpu.region"() ({
      %run_scoped3A = tpu.sem_alloc : memref<!tpu.dma_semaphore, #tpu.memory_space<semaphore_mem>>
      %dma_start3A_87 = arith.constant 0 : i32
      %dma_start3A_88 = tpu.memref_slice %arg4[%add3A_86, %dma_start3A_87] : memref<10240x128xf32, #tpu.memory_space<hbm>> -> memref<128x128xf32, #tpu.memory_space<hbm>>
      %dma_start3A_89 = arith.constant 0 : i32
      %dma_start3A_90 = tpu.memref_slice %arg4[%add3A_86, %dma_start3A_89] : memref<10240x128xf32, #tpu.memory_space<hbm>> -> memref<128x128xf32, #tpu.memory_space<hbm>>
      tpu.enqueue_dma source(%arg8 : memref<128x128xf32, #tpu.memory_space<vmem>>) target(%dma_start3A_90 : memref<128x128xf32, #tpu.memory_space<hbm>>) target_semaphore(%run_scoped3A : memref<!tpu.dma_semaphore, #tpu.memory_space<semaphore_mem>>)
      %dma_wait3A = arith.constant 0 : i32
      %dma_wait3A_91 = tpu.memref_slice %arg4[%add3A_86, %dma_wait3A] : memref<10240x128xf32, #tpu.memory_space<hbm>> -> memref<128x128xf32, #tpu.memory_space<hbm>>
      %dma_wait3A_92 = arith.constant 0 : i32
      %dma_wait3A_93 = tpu.memref_slice %arg4[%add3A_86, %dma_wait3A_92] : memref<10240x128xf32, #tpu.memory_space<hbm>> -> memref<128x128xf32, #tpu.memory_space<hbm>>
      tpu.wait_dma2 semaphore(%run_scoped3A : memref<!tpu.dma_semaphore, #tpu.memory_space<semaphore_mem>>) src(%arg8 : memref<128x128xf32, #tpu.memory_space<vmem>>) dst(%dma_wait3A_93 : memref<128x128xf32, #tpu.memory_space<hbm>>)
      tpu.yield
    }) : () -> ()
    return
  }
}

#map = affine_map<(d0, d1) -> (0, 0, 0)>
#map1 = affine_map<(d0, d1) -> (0, 0)>
#map2 = affine_map<(d0, d1) -> (0)>
module attributes {stable_mosaic.version = 14 : i64} {
  func.func @deg_kernel(%arg0: i32, %arg1: i32, %arg2: memref<2560x2x128xi32, #tpu.memory_space<hbm>>, %arg3: memref<2560x128xf32, #tpu.memory_space<hbm>>, %arg4: memref<81920xf32, #tpu.memory_space<hbm>>, %arg5: memref<10240xf32, #tpu.memory_space<vmem_shared>>, %arg6: memref<10240xf32, #tpu.memory_space<vmem_shared>>, %arg7: memref<10240xf32, #tpu.memory_space<vmem_shared>>, %arg8: memref<10240xf32, #tpu.memory_space<vmem_shared>>, %arg9: memref<2x128xi32, #tpu.memory_space<vmem>>, %arg10: memref<2x128xi32, #tpu.memory_space<vmem>>, %arg11: memref<128xf32, #tpu.memory_space<vmem>>, %arg12: memref<128xf32, #tpu.memory_space<vmem>>, %arg13: memref<128xf32, #tpu.memory_space<vmem>>, %arg14: memref<640xf32, #tpu.memory_space<vmem>>, %arg15: memref<!tpu.dma_semaphore, #tpu.memory_space<semaphore_mem>>, %arg16: memref<!tpu.dma_semaphore, #tpu.memory_space<semaphore_mem>>) attributes {dimension_semantics = [#tpu.dimension_semantics<core_parallel>, #tpu.dimension_semantics<subcore_parallel>], iteration_bounds = array<i64: 2, 16>, scalar_prefetch = 0 : i64, scratch_operands = 12 : i64, tpu.core_type = #tpu.core_type<sc_vector_subcore>, window_params = [{transform_indices = #map}, {transform_indices = #map1}, {transform_indices = #map2}]} {
    %mul3A = arith.constant 2 : i32
    %mul3A_0 = arith.muli %arg1, %mul3A : i32
    %add3A = arith.addi %mul3A_0, %arg0 : i32
    %mul3A_1 = arith.constant 80 : i32
    %mul3A_2 = arith.muli %add3A, %mul3A_1 : i32
    %broadcast_in_dim3A = arith.constant 0.000000e+00 : f32
    %broadcast_in_dim3A_3 = vector.broadcast %broadcast_in_dim3A : f32 to vector<16xf32>
    %broadcast_in_dim3A_4 = arith.constant 1.000000e+00 : f32
    %broadcast_in_dim3A_5 = vector.broadcast %broadcast_in_dim3A_4 : f32 to vector<16xf32>
    %scan3A = arith.constant 0 : i32
    %scan3A_6 = arith.constant 0 : i32
    %scan3A_7 = arith.constant 40 : i32
    %scan3A_8 = arith.addi %scan3A_6, %scan3A_7 : i32
    %scan3A_9 = arith.constant 1 : i32
    scf.for %scan3A_108 = %scan3A_6 to %scan3A_8 step %scan3A_9  : i32 {
      %mul3A_109 = arith.constant 16 : i32
      %mul3A_110 = arith.muli %scan3A_108, %mul3A_109 : i32
      %swap3A_111 = arith.index_cast %mul3A_110 : i32 to index
      %swap3A_112 = tpu.vector_load %arg14[%swap3A_111] {strides = array<i32>} : memref<640xf32, #tpu.memory_space<vmem>>, vector<16xf32>,
      %swap3A_113 = vector.shape_cast %swap3A_112 : vector<16xf32> to vector<16xf32>
      %swap3A_114 = vector.shape_cast %broadcast_in_dim3A_3 : vector<16xf32> to vector<16xf32>
      tpu.vector_store %arg14[%swap3A_111], %swap3A_114 {strides = array<i32>} : memref<640xf32, #tpu.memory_space<vmem>>, vector<16xf32>,
    }
    %scan3A_10 = arith.constant 40 : i32
    %swap3A = arith.constant 0 : index
    %swap3A_11 = tpu.vector_load %arg13[%swap3A] {strides = array<i32>} : memref<128xf32, #tpu.memory_space<vmem>>, vector<16xf32>,
    %swap3A_12 = vector.shape_cast %swap3A_11 : vector<16xf32> to vector<16xf32>
    %swap3A_13 = vector.shape_cast %broadcast_in_dim3A_5 : vector<16xf32> to vector<16xf32>
    tpu.vector_store %arg13[%swap3A], %swap3A_13 {strides = array<i32>} : memref<128xf32, #tpu.memory_space<vmem>>, vector<16xf32>,
    %swap3A_14 = arith.constant 16 : index
    %swap3A_15 = tpu.vector_load %arg13[%swap3A_14] {strides = array<i32>} : memref<128xf32, #tpu.memory_space<vmem>>, vector<16xf32>,
    %swap3A_16 = vector.shape_cast %swap3A_15 : vector<16xf32> to vector<16xf32>
    %swap3A_17 = vector.shape_cast %broadcast_in_dim3A_5 : vector<16xf32> to vector<16xf32>
    tpu.vector_store %arg13[%swap3A_14], %swap3A_17 {strides = array<i32>} : memref<128xf32, #tpu.memory_space<vmem>>, vector<16xf32>,
    %swap3A_18 = arith.constant 32 : index
    %swap3A_19 = tpu.vector_load %arg13[%swap3A_18] {strides = array<i32>} : memref<128xf32, #tpu.memory_space<vmem>>, vector<16xf32>,
    %swap3A_20 = vector.shape_cast %swap3A_19 : vector<16xf32> to vector<16xf32>
    %swap3A_21 = vector.shape_cast %broadcast_in_dim3A_5 : vector<16xf32> to vector<16xf32>
    tpu.vector_store %arg13[%swap3A_18], %swap3A_21 {strides = array<i32>} : memref<128xf32, #tpu.memory_space<vmem>>, vector<16xf32>,
    %swap3A_22 = arith.constant 48 : index
    %swap3A_23 = tpu.vector_load %arg13[%swap3A_22] {strides = array<i32>} : memref<128xf32, #tpu.memory_space<vmem>>, vector<16xf32>,
    %swap3A_24 = vector.shape_cast %swap3A_23 : vector<16xf32> to vector<16xf32>
    %swap3A_25 = vector.shape_cast %broadcast_in_dim3A_5 : vector<16xf32> to vector<16xf32>
    tpu.vector_store %arg13[%swap3A_22], %swap3A_25 {strides = array<i32>} : memref<128xf32, #tpu.memory_space<vmem>>, vector<16xf32>,
    %swap3A_26 = arith.constant 64 : index
    %swap3A_27 = tpu.vector_load %arg13[%swap3A_26] {strides = array<i32>} : memref<128xf32, #tpu.memory_space<vmem>>, vector<16xf32>,
    %swap3A_28 = vector.shape_cast %swap3A_27 : vector<16xf32> to vector<16xf32>
    %swap3A_29 = vector.shape_cast %broadcast_in_dim3A_5 : vector<16xf32> to vector<16xf32>
    tpu.vector_store %arg13[%swap3A_26], %swap3A_29 {strides = array<i32>} : memref<128xf32, #tpu.memory_space<vmem>>, vector<16xf32>,
    %swap3A_30 = arith.constant 80 : index
    %swap3A_31 = tpu.vector_load %arg13[%swap3A_30] {strides = array<i32>} : memref<128xf32, #tpu.memory_space<vmem>>, vector<16xf32>,
    %swap3A_32 = vector.shape_cast %swap3A_31 : vector<16xf32> to vector<16xf32>
    %swap3A_33 = vector.shape_cast %broadcast_in_dim3A_5 : vector<16xf32> to vector<16xf32>
    tpu.vector_store %arg13[%swap3A_30], %swap3A_33 {strides = array<i32>} : memref<128xf32, #tpu.memory_space<vmem>>, vector<16xf32>,
    %swap3A_34 = arith.constant 96 : index
    %swap3A_35 = tpu.vector_load %arg13[%swap3A_34] {strides = array<i32>} : memref<128xf32, #tpu.memory_space<vmem>>, vector<16xf32>,
    %swap3A_36 = vector.shape_cast %swap3A_35 : vector<16xf32> to vector<16xf32>
    %swap3A_37 = vector.shape_cast %broadcast_in_dim3A_5 : vector<16xf32> to vector<16xf32>
    tpu.vector_store %arg13[%swap3A_34], %swap3A_37 {strides = array<i32>} : memref<128xf32, #tpu.memory_space<vmem>>, vector<16xf32>,
    %swap3A_38 = arith.constant 112 : index
    %swap3A_39 = tpu.vector_load %arg13[%swap3A_38] {strides = array<i32>} : memref<128xf32, #tpu.memory_space<vmem>>, vector<16xf32>,
    %swap3A_40 = vector.shape_cast %swap3A_39 : vector<16xf32> to vector<16xf32>
    %swap3A_41 = vector.shape_cast %broadcast_in_dim3A_5 : vector<16xf32> to vector<16xf32>
    tpu.vector_store %arg13[%swap3A_38], %swap3A_41 {strides = array<i32>} : memref<128xf32, #tpu.memory_space<vmem>>, vector<16xf32>,
    %mul3A_42 = arith.constant 640 : i32
    %mul3A_43 = arith.muli %arg1, %mul3A_42 : i32
    "tpu.region"() ({
      %run_scoped3A = tpu.sem_alloc : memref<!tpu.dma_semaphore, #tpu.memory_space<semaphore_mem>>
      %dma_start3A_108 = tpu.memref_slice %arg5[%mul3A_43] : memref<10240xf32, #tpu.memory_space<vmem_shared>> -> memref<640xf32, #tpu.memory_space<vmem_shared>>
      %dma_start3A_109 = tpu.memref_slice %arg5[%mul3A_43] : memref<10240xf32, #tpu.memory_space<vmem_shared>> -> memref<640xf32, #tpu.memory_space<vmem_shared>>
      tpu.enqueue_dma source(%arg14 : memref<640xf32, #tpu.memory_space<vmem>>) target(%dma_start3A_109 : memref<640xf32, #tpu.memory_space<vmem_shared>>) target_semaphore(%run_scoped3A : memref<!tpu.dma_semaphore, #tpu.memory_space<semaphore_mem>>)
      %dma_wait3A = tpu.memref_slice %arg5[%mul3A_43] : memref<10240xf32, #tpu.memory_space<vmem_shared>> -> memref<640xf32, #tpu.memory_space<vmem_shared>>
      %dma_wait3A_110 = tpu.memref_slice %arg5[%mul3A_43] : memref<10240xf32, #tpu.memory_space<vmem_shared>> -> memref<640xf32, #tpu.memory_space<vmem_shared>>
      tpu.wait_dma2 semaphore(%run_scoped3A : memref<!tpu.dma_semaphore, #tpu.memory_space<semaphore_mem>>) src(%arg14 : memref<640xf32, #tpu.memory_space<vmem>>) dst(%dma_wait3A_110 : memref<640xf32, #tpu.memory_space<vmem_shared>>)
      tpu.yield
    }) : () -> ()
    "tpu.region"() ({
      %run_scoped3A = tpu.sem_alloc : memref<!tpu.dma_semaphore, #tpu.memory_space<semaphore_mem>>
      %dma_start3A_108 = tpu.memref_slice %arg6[%mul3A_43] : memref<10240xf32, #tpu.memory_space<vmem_shared>> -> memref<640xf32, #tpu.memory_space<vmem_shared>>
      %dma_start3A_109 = tpu.memref_slice %arg6[%mul3A_43] : memref<10240xf32, #tpu.memory_space<vmem_shared>> -> memref<640xf32, #tpu.memory_space<vmem_shared>>
      tpu.enqueue_dma source(%arg14 : memref<640xf32, #tpu.memory_space<vmem>>) target(%dma_start3A_109 : memref<640xf32, #tpu.memory_space<vmem_shared>>) target_semaphore(%run_scoped3A : memref<!tpu.dma_semaphore, #tpu.memory_space<semaphore_mem>>)
      %dma_wait3A = tpu.memref_slice %arg6[%mul3A_43] : memref<10240xf32, #tpu.memory_space<vmem_shared>> -> memref<640xf32, #tpu.memory_space<vmem_shared>>
      %dma_wait3A_110 = tpu.memref_slice %arg6[%mul3A_43] : memref<10240xf32, #tpu.memory_space<vmem_shared>> -> memref<640xf32, #tpu.memory_space<vmem_shared>>
      tpu.wait_dma2 semaphore(%run_scoped3A : memref<!tpu.dma_semaphore, #tpu.memory_space<semaphore_mem>>) src(%arg14 : memref<640xf32, #tpu.memory_space<vmem>>) dst(%dma_wait3A_110 : memref<640xf32, #tpu.memory_space<vmem_shared>>)
      tpu.yield
    }) : () -> ()
    "tpu.region"() ({
      %run_scoped3A = tpu.sem_alloc : memref<!tpu.dma_semaphore, #tpu.memory_space<semaphore_mem>>
      %dma_start3A_108 = tpu.memref_slice %arg7[%mul3A_43] : memref<10240xf32, #tpu.memory_space<vmem_shared>> -> memref<640xf32, #tpu.memory_space<vmem_shared>>
      %dma_start3A_109 = tpu.memref_slice %arg7[%mul3A_43] : memref<10240xf32, #tpu.memory_space<vmem_shared>> -> memref<640xf32, #tpu.memory_space<vmem_shared>>
      tpu.enqueue_dma source(%arg14 : memref<640xf32, #tpu.memory_space<vmem>>) target(%dma_start3A_109 : memref<640xf32, #tpu.memory_space<vmem_shared>>) target_semaphore(%run_scoped3A : memref<!tpu.dma_semaphore, #tpu.memory_space<semaphore_mem>>)
      %dma_wait3A = tpu.memref_slice %arg7[%mul3A_43] : memref<10240xf32, #tpu.memory_space<vmem_shared>> -> memref<640xf32, #tpu.memory_space<vmem_shared>>
      %dma_wait3A_110 = tpu.memref_slice %arg7[%mul3A_43] : memref<10240xf32, #tpu.memory_space<vmem_shared>> -> memref<640xf32, #tpu.memory_space<vmem_shared>>
      tpu.wait_dma2 semaphore(%run_scoped3A : memref<!tpu.dma_semaphore, #tpu.memory_space<semaphore_mem>>) src(%arg14 : memref<640xf32, #tpu.memory_space<vmem>>) dst(%dma_wait3A_110 : memref<640xf32, #tpu.memory_space<vmem_shared>>)
      tpu.yield
    }) : () -> ()
    "tpu.region"() ({
      %run_scoped3A = tpu.sem_alloc : memref<!tpu.dma_semaphore, #tpu.memory_space<semaphore_mem>>
      %dma_start3A_108 = tpu.memref_slice %arg8[%mul3A_43] : memref<10240xf32, #tpu.memory_space<vmem_shared>> -> memref<640xf32, #tpu.memory_space<vmem_shared>>
      %dma_start3A_109 = tpu.memref_slice %arg8[%mul3A_43] : memref<10240xf32, #tpu.memory_space<vmem_shared>> -> memref<640xf32, #tpu.memory_space<vmem_shared>>
      tpu.enqueue_dma source(%arg14 : memref<640xf32, #tpu.memory_space<vmem>>) target(%dma_start3A_109 : memref<640xf32, #tpu.memory_space<vmem_shared>>) target_semaphore(%run_scoped3A : memref<!tpu.dma_semaphore, #tpu.memory_space<semaphore_mem>>)
      %dma_wait3A = tpu.memref_slice %arg8[%mul3A_43] : memref<10240xf32, #tpu.memory_space<vmem_shared>> -> memref<640xf32, #tpu.memory_space<vmem_shared>>
      %dma_wait3A_110 = tpu.memref_slice %arg8[%mul3A_43] : memref<10240xf32, #tpu.memory_space<vmem_shared>> -> memref<640xf32, #tpu.memory_space<vmem_shared>>
      tpu.wait_dma2 semaphore(%run_scoped3A : memref<!tpu.dma_semaphore, #tpu.memory_space<semaphore_mem>>) src(%arg14 : memref<640xf32, #tpu.memory_space<vmem>>) dst(%dma_wait3A_110 : memref<640xf32, #tpu.memory_space<vmem_shared>>)
      tpu.yield
    }) : () -> ()
    %barrier3A = arith.constant 0 : index
    tpu.barrier barrier_id(%barrier3A)
    %dma_start3A = arith.constant 0 : i32
    %dma_start3A_44 = arith.constant 0 : i32
    %dma_start3A_45 = tpu.memref_slice %arg2[%mul3A_2, %dma_start3A, %dma_start3A_44] : memref<2560x2x128xi32, #tpu.memory_space<hbm>> -> memref<1x2x128xi32, #tpu.memory_space<hbm>>
    %dma_start3A_46 = tpu.memref_squeeze %dma_start3A_45 : memref<1x2x128xi32, #tpu.memory_space<hbm>> -> memref<2x128xi32, #tpu.memory_space<hbm>>
    %dma_start3A_47 = arith.constant 0 : i32
    %dma_start3A_48 = arith.constant 0 : i32
    %dma_start3A_49 = tpu.memref_slice %arg2[%mul3A_2, %dma_start3A_47, %dma_start3A_48] : memref<2560x2x128xi32, #tpu.memory_space<hbm>> -> memref<1x2x128xi32, #tpu.memory_space<hbm>>
    %dma_start3A_50 = tpu.memref_squeeze %dma_start3A_49 : memref<1x2x128xi32, #tpu.memory_space<hbm>> -> memref<2x128xi32, #tpu.memory_space<hbm>>
    tpu.enqueue_dma source(%dma_start3A_50 : memref<2x128xi32, #tpu.memory_space<hbm>>) target(%arg9 : memref<2x128xi32, #tpu.memory_space<vmem>>) target_semaphore(%arg15 : memref<!tpu.dma_semaphore, #tpu.memory_space<semaphore_mem>>)
    %dma_start3A_51 = arith.constant 0 : i32
    %dma_start3A_52 = tpu.memref_slice %arg3[%mul3A_2, %dma_start3A_51] : memref<2560x128xf32, #tpu.memory_space<hbm>> -> memref<1x128xf32, #tpu.memory_space<hbm>>
    %dma_start3A_53 = tpu.memref_squeeze %dma_start3A_52 : memref<1x128xf32, #tpu.memory_space<hbm>> -> memref<128xf32, #tpu.memory_space<hbm>>
    %dma_start3A_54 = arith.constant 0 : i32
    %dma_start3A_55 = tpu.memref_slice %arg3[%mul3A_2, %dma_start3A_54] : memref<2560x128xf32, #tpu.memory_space<hbm>> -> memref<1x128xf32, #tpu.memory_space<hbm>>
    %dma_start3A_56 = tpu.memref_squeeze %dma_start3A_55 : memref<1x128xf32, #tpu.memory_space<hbm>> -> memref<128xf32, #tpu.memory_space<hbm>>
    tpu.enqueue_dma source(%dma_start3A_56 : memref<128xf32, #tpu.memory_space<hbm>>) target(%arg11 : memref<128xf32, #tpu.memory_space<vmem>>) target_semaphore(%arg15 : memref<!tpu.dma_semaphore, #tpu.memory_space<semaphore_mem>>)
    %add3A_57 = arith.constant 1 : i32
    %add3A_58 = arith.addi %mul3A_2, %add3A_57 : i32
    %dma_start3A_59 = arith.constant 0 : i32
    %dma_start3A_60 = arith.constant 0 : i32
    %dma_start3A_61 = tpu.memref_slice %arg2[%add3A_58, %dma_start3A_59, %dma_start3A_60] : memref<2560x2x128xi32, #tpu.memory_space<hbm>> -> memref<1x2x128xi32, #tpu.memory_space<hbm>>
    %dma_start3A_62 = tpu.memref_squeeze %dma_start3A_61 : memref<1x2x128xi32, #tpu.memory_space<hbm>> -> memref<2x128xi32, #tpu.memory_space<hbm>>
    %dma_start3A_63 = arith.constant 0 : i32
    %dma_start3A_64 = arith.constant 0 : i32
    %dma_start3A_65 = tpu.memref_slice %arg2[%add3A_58, %dma_start3A_63, %dma_start3A_64] : memref<2560x2x128xi32, #tpu.memory_space<hbm>> -> memref<1x2x128xi32, #tpu.memory_space<hbm>>
    %dma_start3A_66 = tpu.memref_squeeze %dma_start3A_65 : memref<1x2x128xi32, #tpu.memory_space<hbm>> -> memref<2x128xi32, #tpu.memory_space<hbm>>
    tpu.enqueue_dma source(%dma_start3A_66 : memref<2x128xi32, #tpu.memory_space<hbm>>) target(%arg10 : memref<2x128xi32, #tpu.memory_space<vmem>>) target_semaphore(%arg16 : memref<!tpu.dma_semaphore, #tpu.memory_space<semaphore_mem>>)
    %dma_start3A_67 = arith.constant 0 : i32
    %dma_start3A_68 = tpu.memref_slice %arg3[%add3A_58, %dma_start3A_67] : memref<2560x128xf32, #tpu.memory_space<hbm>> -> memref<1x128xf32, #tpu.memory_space<hbm>>
    %dma_start3A_69 = tpu.memref_squeeze %dma_start3A_68 : memref<1x128xf32, #tpu.memory_space<hbm>> -> memref<128xf32, #tpu.memory_space<hbm>>
    %dma_start3A_70 = arith.constant 0 : i32
    %dma_start3A_71 = tpu.memref_slice %arg3[%add3A_58, %dma_start3A_70] : memref<2560x128xf32, #tpu.memory_space<hbm>> -> memref<1x128xf32, #tpu.memory_space<hbm>>
    %dma_start3A_72 = tpu.memref_squeeze %dma_start3A_71 : memref<1x128xf32, #tpu.memory_space<hbm>> -> memref<128xf32, #tpu.memory_space<hbm>>
    tpu.enqueue_dma source(%dma_start3A_72 : memref<128xf32, #tpu.memory_space<hbm>>) target(%arg12 : memref<128xf32, #tpu.memory_space<vmem>>) target_semaphore(%arg16 : memref<!tpu.dma_semaphore, #tpu.memory_space<semaphore_mem>>)
    %scan3A_73 = arith.constant 0 : i32
    %scan3A_74 = arith.constant 0 : i32
    %scan3A_75 = arith.constant 40 : i32
    %scan3A_76 = arith.addi %scan3A_74, %scan3A_75 : i32
    %scan3A_77 = arith.constant 1 : i32
    scf.for %scan3A_108 = %scan3A_74 to %scan3A_76 step %scan3A_77  : i32 {
      %dma_wait3A = arith.constant 0 : i32
      %dma_wait3A_109 = arith.constant 0 : i32
      %dma_wait3A_110 = arith.constant 0 : i32
      %dma_wait3A_111 = tpu.memref_slice %arg2[%dma_wait3A, %dma_wait3A_109, %dma_wait3A_110] : memref<2560x2x128xi32, #tpu.memory_space<hbm>> -> memref<1x2x128xi32, #tpu.memory_space<hbm>>
      %dma_wait3A_112 = tpu.memref_squeeze %dma_wait3A_111 : memref<1x2x128xi32, #tpu.memory_space<hbm>> -> memref<2x128xi32, #tpu.memory_space<hbm>>
      %dma_wait3A_113 = arith.constant 0 : i32
      %dma_wait3A_114 = arith.constant 0 : i32
      %dma_wait3A_115 = tpu.memref_slice %arg2[%dma_wait3A, %dma_wait3A_113, %dma_wait3A_114] : memref<2560x2x128xi32, #tpu.memory_space<hbm>> -> memref<1x2x128xi32, #tpu.memory_space<hbm>>
      %dma_wait3A_116 = tpu.memref_squeeze %dma_wait3A_115 : memref<1x2x128xi32, #tpu.memory_space<hbm>> -> memref<2x128xi32, #tpu.memory_space<hbm>>
      tpu.wait_dma2 semaphore(%arg15 : memref<!tpu.dma_semaphore, #tpu.memory_space<semaphore_mem>>) src(%dma_wait3A_116 : memref<2x128xi32, #tpu.memory_space<hbm>>) dst(%arg9 : memref<2x128xi32, #tpu.memory_space<vmem>>)
      %dma_wait3A_117 = arith.constant 0 : i32
      %dma_wait3A_118 = arith.constant 0 : i32
      %dma_wait3A_119 = tpu.memref_slice %arg3[%dma_wait3A_117, %dma_wait3A_118] : memref<2560x128xf32, #tpu.memory_space<hbm>> -> memref<1x128xf32, #tpu.memory_space<hbm>>
      %dma_wait3A_120 = tpu.memref_squeeze %dma_wait3A_119 : memref<1x128xf32, #tpu.memory_space<hbm>> -> memref<128xf32, #tpu.memory_space<hbm>>
      %dma_wait3A_121 = arith.constant 0 : i32
      %dma_wait3A_122 = tpu.memref_slice %arg3[%dma_wait3A_117, %dma_wait3A_121] : memref<2560x128xf32, #tpu.memory_space<hbm>> -> memref<1x128xf32, #tpu.memory_space<hbm>>
      %dma_wait3A_123 = tpu.memref_squeeze %dma_wait3A_122 : memref<1x128xf32, #tpu.memory_space<hbm>> -> memref<128xf32, #tpu.memory_space<hbm>>
      tpu.wait_dma2 semaphore(%arg15 : memref<!tpu.dma_semaphore, #tpu.memory_space<semaphore_mem>>) src(%dma_wait3A_123 : memref<128xf32, #tpu.memory_space<hbm>>) dst(%arg11 : memref<128xf32, #tpu.memory_space<vmem>>)
      %run_scoped3A = arith.constant 0 : i32
      "tpu.region"() ({
        %run_scoped3A_154 = tpu.sem_alloc : memref<!tpu.dma_semaphore, #tpu.memory_space<semaphore_mem>>
        %dma_start3A_155 = arith.constant 0 : i32
        %dma_start3A_156 = tpu.memref_slice %arg9[%run_scoped3A, %dma_start3A_155] : memref<2x128xi32, #tpu.memory_space<vmem>> -> memref<1x128xi32, #tpu.memory_space<vmem>>
        %dma_start3A_157 = tpu.memref_squeeze %dma_start3A_156 : memref<1x128xi32, #tpu.memory_space<vmem>> -> memref<128xi32, #tpu.memory_space<vmem>>
        %dma_start3A_158 = arith.constant 0 : i32
        %dma_start3A_159 = tpu.memref_slice %arg5[%dma_start3A_158] : memref<10240xf32, #tpu.memory_space<vmem_shared>> -> memref<10240xf32, #tpu.memory_space<vmem_shared>>
        tpu.enqueue_indirect_dma source(%arg11 : memref<128xf32, #tpu.memory_space<vmem>>) target(%dma_start3A_159 : memref<10240xf32, #tpu.memory_space<vmem_shared>>) offsets(%dma_start3A_157 : memref<128xi32, #tpu.memory_space<vmem>>) semaphore(%run_scoped3A_154 : memref<!tpu.dma_semaphore, #tpu.memory_space<semaphore_mem>>) {add = true}
        %dma_wait3A_160 = arith.constant 0 : i32
        %dma_wait3A_161 = tpu.memref_slice %arg9[%run_scoped3A, %dma_wait3A_160] : memref<2x128xi32, #tpu.memory_space<vmem>> -> memref<1x128xi32, #tpu.memory_space<vmem>>
        %dma_wait3A_162 = tpu.memref_squeeze %dma_wait3A_161 : memref<1x128xi32, #tpu.memory_space<vmem>> -> memref<128xi32, #tpu.memory_space<vmem>>
        %dma_wait3A_163 = arith.constant 0 : i32
        %dma_wait3A_164 = tpu.memref_slice %arg5[%dma_wait3A_163] : memref<10240xf32, #tpu.memory_space<vmem_shared>> -> memref<10240xf32, #tpu.memory_space<vmem_shared>>
        tpu.wait_indirect_dma semaphore(%run_scoped3A_154 : memref<!tpu.dma_semaphore, #tpu.memory_space<semaphore_mem>>) src(%arg11 : memref<128xf32, #tpu.memory_space<vmem>>) dst(%dma_wait3A_164 : memref<10240xf32, #tpu.memory_space<vmem_shared>>)
        tpu.yield
      }) : () -> ()
      %run_scoped3A_124 = arith.constant 0 : i32
      "tpu.region"() ({
        %run_scoped3A_154 = tpu.sem_alloc : memref<!tpu.dma_semaphore, #tpu.memory_space<semaphore_mem>>
        %dma_start3A_155 = arith.constant 0 : i32
        %dma_start3A_156 = tpu.memref_slice %arg9[%run_scoped3A_124, %dma_start3A_155] : memref<2x128xi32, #tpu.memory_space<vmem>> -> memref<1x128xi32, #tpu.memory_space<vmem>>
        %dma_start3A_157 = tpu.memref_squeeze %dma_start3A_156 : memref<1x128xi32, #tpu.memory_space<vmem>> -> memref<128xi32, #tpu.memory_space<vmem>>
        %dma_start3A_158 = arith.constant 0 : i32
        %dma_start3A_159 = tpu.memref_slice %arg6[%dma_start3A_158] : memref<10240xf32, #tpu.memory_space<vmem_shared>> -> memref<10240xf32, #tpu.memory_space<vmem_shared>>
        tpu.enqueue_indirect_dma source(%arg13 : memref<128xf32, #tpu.memory_space<vmem>>) target(%dma_start3A_159 : memref<10240xf32, #tpu.memory_space<vmem_shared>>) offsets(%dma_start3A_157 : memref<128xi32, #tpu.memory_space<vmem>>) semaphore(%run_scoped3A_154 : memref<!tpu.dma_semaphore, #tpu.memory_space<semaphore_mem>>) {add = true}
        %dma_wait3A_160 = arith.constant 0 : i32
        %dma_wait3A_161 = tpu.memref_slice %arg9[%run_scoped3A_124, %dma_wait3A_160] : memref<2x128xi32, #tpu.memory_space<vmem>> -> memref<1x128xi32, #tpu.memory_space<vmem>>
        %dma_wait3A_162 = tpu.memref_squeeze %dma_wait3A_161 : memref<1x128xi32, #tpu.memory_space<vmem>> -> memref<128xi32, #tpu.memory_space<vmem>>
        %dma_wait3A_163 = arith.constant 0 : i32
        %dma_wait3A_164 = tpu.memref_slice %arg6[%dma_wait3A_163] : memref<10240xf32, #tpu.memory_space<vmem_shared>> -> memref<10240xf32, #tpu.memory_space<vmem_shared>>
        tpu.wait_indirect_dma semaphore(%run_scoped3A_154 : memref<!tpu.dma_semaphore, #tpu.memory_space<semaphore_mem>>) src(%arg13 : memref<128xf32, #tpu.memory_space<vmem>>) dst(%dma_wait3A_164 : memref<10240xf32, #tpu.memory_space<vmem_shared>>)
        tpu.yield
      }) : () -> ()
      %run_scoped3A_125 = arith.constant 1 : i32
      "tpu.region"() ({
        %run_scoped3A_154 = tpu.sem_alloc : memref<!tpu.dma_semaphore, #tpu.memory_space<semaphore_mem>>
        %dma_start3A_155 = arith.constant 0 : i32
        %dma_start3A_156 = tpu.memref_slice %arg9[%run_scoped3A_125, %dma_start3A_155] : memref<2x128xi32, #tpu.memory_space<vmem>> -> memref<1x128xi32, #tpu.memory_space<vmem>>
        %dma_start3A_157 = tpu.memref_squeeze %dma_start3A_156 : memref<1x128xi32, #tpu.memory_space<vmem>> -> memref<128xi32, #tpu.memory_space<vmem>>
        %dma_start3A_158 = arith.constant 0 : i32
        %dma_start3A_159 = tpu.memref_slice %arg7[%dma_start3A_158] : memref<10240xf32, #tpu.memory_space<vmem_shared>> -> memref<10240xf32, #tpu.memory_space<vmem_shared>>
        tpu.enqueue_indirect_dma source(%arg11 : memref<128xf32, #tpu.memory_space<vmem>>) target(%dma_start3A_159 : memref<10240xf32, #tpu.memory_space<vmem_shared>>) offsets(%dma_start3A_157 : memref<128xi32, #tpu.memory_space<vmem>>) semaphore(%run_scoped3A_154 : memref<!tpu.dma_semaphore, #tpu.memory_space<semaphore_mem>>) {add = true}
        %dma_wait3A_160 = arith.constant 0 : i32
        %dma_wait3A_161 = tpu.memref_slice %arg9[%run_scoped3A_125, %dma_wait3A_160] : memref<2x128xi32, #tpu.memory_space<vmem>> -> memref<1x128xi32, #tpu.memory_space<vmem>>
        %dma_wait3A_162 = tpu.memref_squeeze %dma_wait3A_161 : memref<1x128xi32, #tpu.memory_space<vmem>> -> memref<128xi32, #tpu.memory_space<vmem>>
        %dma_wait3A_163 = arith.constant 0 : i32
        %dma_wait3A_164 = tpu.memref_slice %arg7[%dma_wait3A_163] : memref<10240xf32, #tpu.memory_space<vmem_shared>> -> memref<10240xf32, #tpu.memory_space<vmem_shared>>
        tpu.wait_indirect_dma semaphore(%run_scoped3A_154 : memref<!tpu.dma_semaphore, #tpu.memory_space<semaphore_mem>>) src(%arg11 : memref<128xf32, #tpu.memory_space<vmem>>) dst(%dma_wait3A_164 : memref<10240xf32, #tpu.memory_space<vmem_shared>>)
        tpu.yield
      }) : () -> ()
      %run_scoped3A_126 = arith.constant 1 : i32
      "tpu.region"() ({
        %run_scoped3A_154 = tpu.sem_alloc : memref<!tpu.dma_semaphore, #tpu.memory_space<semaphore_mem>>
        %dma_start3A_155 = arith.constant 0 : i32
        %dma_start3A_156 = tpu.memref_slice %arg9[%run_scoped3A_126, %dma_start3A_155] : memref<2x128xi32, #tpu.memory_space<vmem>> -> memref<1x128xi32, #tpu.memory_space<vmem>>
        %dma_start3A_157 = tpu.memref_squeeze %dma_start3A_156 : memref<1x128xi32, #tpu.memory_space<vmem>> -> memref<128xi32, #tpu.memory_space<vmem>>
        %dma_start3A_158 = arith.constant 0 : i32
        %dma_start3A_159 = tpu.memref_slice %arg8[%dma_start3A_158] : memref<10240xf32, #tpu.memory_space<vmem_shared>> -> memref<10240xf32, #tpu.memory_space<vmem_shared>>
        tpu.enqueue_indirect_dma source(%arg13 : memref<128xf32, #tpu.memory_space<vmem>>) target(%dma_start3A_159 : memref<10240xf32, #tpu.memory_space<vmem_shared>>) offsets(%dma_start3A_157 : memref<128xi32, #tpu.memory_space<vmem>>) semaphore(%run_scoped3A_154 : memref<!tpu.dma_semaphore, #tpu.memory_space<semaphore_mem>>) {add = true}
        %dma_wait3A_160 = arith.constant 0 : i32
        %dma_wait3A_161 = tpu.memref_slice %arg9[%run_scoped3A_126, %dma_wait3A_160] : memref<2x128xi32, #tpu.memory_space<vmem>> -> memref<1x128xi32, #tpu.memory_space<vmem>>
        %dma_wait3A_162 = tpu.memref_squeeze %dma_wait3A_161 : memref<1x128xi32, #tpu.memory_space<vmem>> -> memref<128xi32, #tpu.memory_space<vmem>>
        %dma_wait3A_163 = arith.constant 0 : i32
        %dma_wait3A_164 = tpu.memref_slice %arg8[%dma_wait3A_163] : memref<10240xf32, #tpu.memory_space<vmem_shared>> -> memref<10240xf32, #tpu.memory_space<vmem_shared>>
        tpu.wait_indirect_dma semaphore(%run_scoped3A_154 : memref<!tpu.dma_semaphore, #tpu.memory_space<semaphore_mem>>) src(%arg13 : memref<128xf32, #tpu.memory_space<vmem>>) dst(%dma_wait3A_164 : memref<10240xf32, #tpu.memory_space<vmem_shared>>)
        tpu.yield
      }) : () -> ()
      %lt3A = arith.constant 39 : i32
      %lt3A_127 = arith.cmpi slt, %scan3A_108, %lt3A : i32
      %convert_element_type3A = arith.extui %lt3A_127 : i1 to i32
      %cond3A = arith.constant 0 : i32
      %cond3A_128 = arith.cmpi ne, %convert_element_type3A, %cond3A : i32
      scf.if %cond3A_128 {
        %mul3A_154 = arith.constant 2 : i32
        %mul3A_155 = arith.muli %mul3A_154, %scan3A_108 : i32
        %add3A_156 = arith.addi %mul3A_2, %mul3A_155 : i32
        %add3A_157 = arith.constant 2 : i32
        %add3A_158 = arith.addi %add3A_156, %add3A_157 : i32
        %dma_start3A_159 = arith.constant 0 : i32
        %dma_start3A_160 = arith.constant 0 : i32
        %dma_start3A_161 = tpu.memref_slice %arg2[%add3A_158, %dma_start3A_159, %dma_start3A_160] : memref<2560x2x128xi32, #tpu.memory_space<hbm>> -> memref<1x2x128xi32, #tpu.memory_space<hbm>>
        %dma_start3A_162 = tpu.memref_squeeze %dma_start3A_161 : memref<1x2x128xi32, #tpu.memory_space<hbm>> -> memref<2x128xi32, #tpu.memory_space<hbm>>
        %dma_start3A_163 = arith.constant 0 : i32
        %dma_start3A_164 = arith.constant 0 : i32
        %dma_start3A_165 = tpu.memref_slice %arg2[%add3A_158, %dma_start3A_163, %dma_start3A_164] : memref<2560x2x128xi32, #tpu.memory_space<hbm>> -> memref<1x2x128xi32, #tpu.memory_space<hbm>>
        %dma_start3A_166 = tpu.memref_squeeze %dma_start3A_165 : memref<1x2x128xi32, #tpu.memory_space<hbm>> -> memref<2x128xi32, #tpu.memory_space<hbm>>
        tpu.enqueue_dma source(%dma_start3A_166 : memref<2x128xi32, #tpu.memory_space<hbm>>) target(%arg9 : memref<2x128xi32, #tpu.memory_space<vmem>>) target_semaphore(%arg15 : memref<!tpu.dma_semaphore, #tpu.memory_space<semaphore_mem>>)
        %dma_start3A_167 = arith.constant 0 : i32
        %dma_start3A_168 = tpu.memref_slice %arg3[%add3A_158, %dma_start3A_167] : memref<2560x128xf32, #tpu.memory_space<hbm>> -> memref<1x128xf32, #tpu.memory_space<hbm>>
        %dma_start3A_169 = tpu.memref_squeeze %dma_start3A_168 : memref<1x128xf32, #tpu.memory_space<hbm>> -> memref<128xf32, #tpu.memory_space<hbm>>
        %dma_start3A_170 = arith.constant 0 : i32
        %dma_start3A_171 = tpu.memref_slice %arg3[%add3A_158, %dma_start3A_170] : memref<2560x128xf32, #tpu.memory_space<hbm>> -> memref<1x128xf32, #tpu.memory_space<hbm>>
        %dma_start3A_172 = tpu.memref_squeeze %dma_start3A_171 : memref<1x128xf32, #tpu.memory_space<hbm>> -> memref<128xf32, #tpu.memory_space<hbm>>
        tpu.enqueue_dma source(%dma_start3A_172 : memref<128xf32, #tpu.memory_space<hbm>>) target(%arg11 : memref<128xf32, #tpu.memory_space<vmem>>) target_semaphore(%arg15 : memref<!tpu.dma_semaphore, #tpu.memory_space<semaphore_mem>>)
      } else {
      }
      %dma_wait3A_129 = arith.constant 0 : i32
      %dma_wait3A_130 = arith.constant 0 : i32
      %dma_wait3A_131 = arith.constant 0 : i32
      %dma_wait3A_132 = tpu.memref_slice %arg2[%dma_wait3A_129, %dma_wait3A_130, %dma_wait3A_131] : memref<2560x2x128xi32, #tpu.memory_space<hbm>> -> memref<1x2x128xi32, #tpu.memory_space<hbm>>
      %dma_wait3A_133 = tpu.memref_squeeze %dma_wait3A_132 : memref<1x2x128xi32, #tpu.memory_space<hbm>> -> memref<2x128xi32, #tpu.memory_space<hbm>>
      %dma_wait3A_134 = arith.constant 0 : i32
      %dma_wait3A_135 = arith.constant 0 : i32
      %dma_wait3A_136 = tpu.memref_slice %arg2[%dma_wait3A_129, %dma_wait3A_134, %dma_wait3A_135] : memref<2560x2x128xi32, #tpu.memory_space<hbm>> -> memref<1x2x128xi32, #tpu.memory_space<hbm>>
      %dma_wait3A_137 = tpu.memref_squeeze %dma_wait3A_136 : memref<1x2x128xi32, #tpu.memory_space<hbm>> -> memref<2x128xi32, #tpu.memory_space<hbm>>
      tpu.wait_dma2 semaphore(%arg16 : memref<!tpu.dma_semaphore, #tpu.memory_space<semaphore_mem>>) src(%dma_wait3A_137 : memref<2x128xi32, #tpu.memory_space<hbm>>) dst(%arg10 : memref<2x128xi32, #tpu.memory_space<vmem>>)
      %dma_wait3A_138 = arith.constant 0 : i32
      %dma_wait3A_139 = arith.constant 0 : i32
      %dma_wait3A_140 = tpu.memref_slice %arg3[%dma_wait3A_138, %dma_wait3A_139] : memref<2560x128xf32, #tpu.memory_space<hbm>> -> memref<1x128xf32, #tpu.memory_space<hbm>>
      %dma_wait3A_141 = tpu.memref_squeeze %dma_wait3A_140 : memref<1x128xf32, #tpu.memory_space<hbm>> -> memref<128xf32, #tpu.memory_space<hbm>>
      %dma_wait3A_142 = arith.constant 0 : i32
      %dma_wait3A_143 = tpu.memref_slice %arg3[%dma_wait3A_138, %dma_wait3A_142] : memref<2560x128xf32, #tpu.memory_space<hbm>> -> memref<1x128xf32, #tpu.memory_space<hbm>>
      %dma_wait3A_144 = tpu.memref_squeeze %dma_wait3A_143 : memref<1x128xf32, #tpu.memory_space<hbm>> -> memref<128xf32, #tpu.memory_space<hbm>>
      tpu.wait_dma2 semaphore(%arg16 : memref<!tpu.dma_semaphore, #tpu.memory_space<semaphore_mem>>) src(%dma_wait3A_144 : memref<128xf32, #tpu.memory_space<hbm>>) dst(%arg12 : memref<128xf32, #tpu.memory_space<vmem>>)
      %run_scoped3A_145 = arith.constant 0 : i32
      "tpu.region"() ({
        %run_scoped3A_154 = tpu.sem_alloc : memref<!tpu.dma_semaphore, #tpu.memory_space<semaphore_mem>>
        %dma_start3A_155 = arith.constant 0 : i32
        %dma_start3A_156 = tpu.memref_slice %arg10[%run_scoped3A_145, %dma_start3A_155] : memref<2x128xi32, #tpu.memory_space<vmem>> -> memref<1x128xi32, #tpu.memory_space<vmem>>
        %dma_start3A_157 = tpu.memref_squeeze %dma_start3A_156 : memref<1x128xi32, #tpu.memory_space<vmem>> -> memref<128xi32, #tpu.memory_space<vmem>>
        %dma_start3A_158 = arith.constant 0 : i32
        %dma_start3A_159 = tpu.memref_slice %arg5[%dma_start3A_158] : memref<10240xf32, #tpu.memory_space<vmem_shared>> -> memref<10240xf32, #tpu.memory_space<vmem_shared>>
        tpu.enqueue_indirect_dma source(%arg12 : memref<128xf32, #tpu.memory_space<vmem>>) target(%dma_start3A_159 : memref<10240xf32, #tpu.memory_space<vmem_shared>>) offsets(%dma_start3A_157 : memref<128xi32, #tpu.memory_space<vmem>>) semaphore(%run_scoped3A_154 : memref<!tpu.dma_semaphore, #tpu.memory_space<semaphore_mem>>) {add = true}
        %dma_wait3A_160 = arith.constant 0 : i32
        %dma_wait3A_161 = tpu.memref_slice %arg10[%run_scoped3A_145, %dma_wait3A_160] : memref<2x128xi32, #tpu.memory_space<vmem>> -> memref<1x128xi32, #tpu.memory_space<vmem>>
        %dma_wait3A_162 = tpu.memref_squeeze %dma_wait3A_161 : memref<1x128xi32, #tpu.memory_space<vmem>> -> memref<128xi32, #tpu.memory_space<vmem>>
        %dma_wait3A_163 = arith.constant 0 : i32
        %dma_wait3A_164 = tpu.memref_slice %arg5[%dma_wait3A_163] : memref<10240xf32, #tpu.memory_space<vmem_shared>> -> memref<10240xf32, #tpu.memory_space<vmem_shared>>
        tpu.wait_indirect_dma semaphore(%run_scoped3A_154 : memref<!tpu.dma_semaphore, #tpu.memory_space<semaphore_mem>>) src(%arg12 : memref<128xf32, #tpu.memory_space<vmem>>) dst(%dma_wait3A_164 : memref<10240xf32, #tpu.memory_space<vmem_shared>>)
        tpu.yield
      }) : () -> ()
      %run_scoped3A_146 = arith.constant 0 : i32
      "tpu.region"() ({
        %run_scoped3A_154 = tpu.sem_alloc : memref<!tpu.dma_semaphore, #tpu.memory_space<semaphore_mem>>
        %dma_start3A_155 = arith.constant 0 : i32
        %dma_start3A_156 = tpu.memref_slice %arg10[%run_scoped3A_146, %dma_start3A_155] : memref<2x128xi32, #tpu.memory_space<vmem>> -> memref<1x128xi32, #tpu.memory_space<vmem>>
        %dma_start3A_157 = tpu.memref_squeeze %dma_start3A_156 : memref<1x128xi32, #tpu.memory_space<vmem>> -> memref<128xi32, #tpu.memory_space<vmem>>
        %dma_start3A_158 = arith.constant 0 : i32
        %dma_start3A_159 = tpu.memref_slice %arg6[%dma_start3A_158] : memref<10240xf32, #tpu.memory_space<vmem_shared>> -> memref<10240xf32, #tpu.memory_space<vmem_shared>>
        tpu.enqueue_indirect_dma source(%arg13 : memref<128xf32, #tpu.memory_space<vmem>>) target(%dma_start3A_159 : memref<10240xf32, #tpu.memory_space<vmem_shared>>) offsets(%dma_start3A_157 : memref<128xi32, #tpu.memory_space<vmem>>) semaphore(%run_scoped3A_154 : memref<!tpu.dma_semaphore, #tpu.memory_space<semaphore_mem>>) {add = true}
        %dma_wait3A_160 = arith.constant 0 : i32
        %dma_wait3A_161 = tpu.memref_slice %arg10[%run_scoped3A_146, %dma_wait3A_160] : memref<2x128xi32, #tpu.memory_space<vmem>> -> memref<1x128xi32, #tpu.memory_space<vmem>>
        %dma_wait3A_162 = tpu.memref_squeeze %dma_wait3A_161 : memref<1x128xi32, #tpu.memory_space<vmem>> -> memref<128xi32, #tpu.memory_space<vmem>>
        %dma_wait3A_163 = arith.constant 0 : i32
        %dma_wait3A_164 = tpu.memref_slice %arg6[%dma_wait3A_163] : memref<10240xf32, #tpu.memory_space<vmem_shared>> -> memref<10240xf32, #tpu.memory_space<vmem_shared>>
        tpu.wait_indirect_dma semaphore(%run_scoped3A_154 : memref<!tpu.dma_semaphore, #tpu.memory_space<semaphore_mem>>) src(%arg13 : memref<128xf32, #tpu.memory_space<vmem>>) dst(%dma_wait3A_164 : memref<10240xf32, #tpu.memory_space<vmem_shared>>)
        tpu.yield
      }) : () -> ()
      %run_scoped3A_147 = arith.constant 1 : i32
      "tpu.region"() ({
        %run_scoped3A_154 = tpu.sem_alloc : memref<!tpu.dma_semaphore, #tpu.memory_space<semaphore_mem>>
        %dma_start3A_155 = arith.constant 0 : i32
        %dma_start3A_156 = tpu.memref_slice %arg10[%run_scoped3A_147, %dma_start3A_155] : memref<2x128xi32, #tpu.memory_space<vmem>> -> memref<1x128xi32, #tpu.memory_space<vmem>>
        %dma_start3A_157 = tpu.memref_squeeze %dma_start3A_156 : memref<1x128xi32, #tpu.memory_space<vmem>> -> memref<128xi32, #tpu.memory_space<vmem>>
        %dma_start3A_158 = arith.constant 0 : i32
        %dma_start3A_159 = tpu.memref_slice %arg7[%dma_start3A_158] : memref<10240xf32, #tpu.memory_space<vmem_shared>> -> memref<10240xf32, #tpu.memory_space<vmem_shared>>
        tpu.enqueue_indirect_dma source(%arg12 : memref<128xf32, #tpu.memory_space<vmem>>) target(%dma_start3A_159 : memref<10240xf32, #tpu.memory_space<vmem_shared>>) offsets(%dma_start3A_157 : memref<128xi32, #tpu.memory_space<vmem>>) semaphore(%run_scoped3A_154 : memref<!tpu.dma_semaphore, #tpu.memory_space<semaphore_mem>>) {add = true}
        %dma_wait3A_160 = arith.constant 0 : i32
        %dma_wait3A_161 = tpu.memref_slice %arg10[%run_scoped3A_147, %dma_wait3A_160] : memref<2x128xi32, #tpu.memory_space<vmem>> -> memref<1x128xi32, #tpu.memory_space<vmem>>
        %dma_wait3A_162 = tpu.memref_squeeze %dma_wait3A_161 : memref<1x128xi32, #tpu.memory_space<vmem>> -> memref<128xi32, #tpu.memory_space<vmem>>
        %dma_wait3A_163 = arith.constant 0 : i32
        %dma_wait3A_164 = tpu.memref_slice %arg7[%dma_wait3A_163] : memref<10240xf32, #tpu.memory_space<vmem_shared>> -> memref<10240xf32, #tpu.memory_space<vmem_shared>>
        tpu.wait_indirect_dma semaphore(%run_scoped3A_154 : memref<!tpu.dma_semaphore, #tpu.memory_space<semaphore_mem>>) src(%arg12 : memref<128xf32, #tpu.memory_space<vmem>>) dst(%dma_wait3A_164 : memref<10240xf32, #tpu.memory_space<vmem_shared>>)
        tpu.yield
      }) : () -> ()
      %run_scoped3A_148 = arith.constant 1 : i32
      "tpu.region"() ({
        %run_scoped3A_154 = tpu.sem_alloc : memref<!tpu.dma_semaphore, #tpu.memory_space<semaphore_mem>>
        %dma_start3A_155 = arith.constant 0 : i32
        %dma_start3A_156 = tpu.memref_slice %arg10[%run_scoped3A_148, %dma_start3A_155] : memref<2x128xi32, #tpu.memory_space<vmem>> -> memref<1x128xi32, #tpu.memory_space<vmem>>
        %dma_start3A_157 = tpu.memref_squeeze %dma_start3A_156 : memref<1x128xi32, #tpu.memory_space<vmem>> -> memref<128xi32, #tpu.memory_space<vmem>>
        %dma_start3A_158 = arith.constant 0 : i32
        %dma_start3A_159 = tpu.memref_slice %arg8[%dma_start3A_158] : memref<10240xf32, #tpu.memory_space<vmem_shared>> -> memref<10240xf32, #tpu.memory_space<vmem_shared>>
        tpu.enqueue_indirect_dma source(%arg13 : memref<128xf32, #tpu.memory_space<vmem>>) target(%dma_start3A_159 : memref<10240xf32, #tpu.memory_space<vmem_shared>>) offsets(%dma_start3A_157 : memref<128xi32, #tpu.memory_space<vmem>>) semaphore(%run_scoped3A_154 : memref<!tpu.dma_semaphore, #tpu.memory_space<semaphore_mem>>) {add = true}
        %dma_wait3A_160 = arith.constant 0 : i32
        %dma_wait3A_161 = tpu.memref_slice %arg10[%run_scoped3A_148, %dma_wait3A_160] : memref<2x128xi32, #tpu.memory_space<vmem>> -> memref<1x128xi32, #tpu.memory_space<vmem>>
        %dma_wait3A_162 = tpu.memref_squeeze %dma_wait3A_161 : memref<1x128xi32, #tpu.memory_space<vmem>> -> memref<128xi32, #tpu.memory_space<vmem>>
        %dma_wait3A_163 = arith.constant 0 : i32
        %dma_wait3A_164 = tpu.memref_slice %arg8[%dma_wait3A_163] : memref<10240xf32, #tpu.memory_space<vmem_shared>> -> memref<10240xf32, #tpu.memory_space<vmem_shared>>
        tpu.wait_indirect_dma semaphore(%run_scoped3A_154 : memref<!tpu.dma_semaphore, #tpu.memory_space<semaphore_mem>>) src(%arg13 : memref<128xf32, #tpu.memory_space<vmem>>) dst(%dma_wait3A_164 : memref<10240xf32, #tpu.memory_space<vmem_shared>>)
        tpu.yield
      }) : () -> ()
      %lt3A_149 = arith.constant 39 : i32
      %lt3A_150 = arith.cmpi slt, %scan3A_108, %lt3A_149 : i32
      %convert_element_type3A_151 = arith.extui %lt3A_150 : i1 to i32
      %cond3A_152 = arith.constant 0 : i32
      %cond3A_153 = arith.cmpi ne, %convert_element_type3A_151, %cond3A_152 : i32
      scf.if %cond3A_153 {
        %mul3A_154 = arith.constant 2 : i32
        %mul3A_155 = arith.muli %mul3A_154, %scan3A_108 : i32
        %add3A_156 = arith.addi %mul3A_2, %mul3A_155 : i32
        %add3A_157 = arith.constant 3 : i32
        %add3A_158 = arith.addi %add3A_156, %add3A_157 : i32
        %dma_start3A_159 = arith.constant 0 : i32
        %dma_start3A_160 = arith.constant 0 : i32
        %dma_start3A_161 = tpu.memref_slice %arg2[%add3A_158, %dma_start3A_159, %dma_start3A_160] : memref<2560x2x128xi32, #tpu.memory_space<hbm>> -> memref<1x2x128xi32, #tpu.memory_space<hbm>>
        %dma_start3A_162 = tpu.memref_squeeze %dma_start3A_161 : memref<1x2x128xi32, #tpu.memory_space<hbm>> -> memref<2x128xi32, #tpu.memory_space<hbm>>
        %dma_start3A_163 = arith.constant 0 : i32
        %dma_start3A_164 = arith.constant 0 : i32
        %dma_start3A_165 = tpu.memref_slice %arg2[%add3A_158, %dma_start3A_163, %dma_start3A_164] : memref<2560x2x128xi32, #tpu.memory_space<hbm>> -> memref<1x2x128xi32, #tpu.memory_space<hbm>>
        %dma_start3A_166 = tpu.memref_squeeze %dma_start3A_165 : memref<1x2x128xi32, #tpu.memory_space<hbm>> -> memref<2x128xi32, #tpu.memory_space<hbm>>
        tpu.enqueue_dma source(%dma_start3A_166 : memref<2x128xi32, #tpu.memory_space<hbm>>) target(%arg10 : memref<2x128xi32, #tpu.memory_space<vmem>>) target_semaphore(%arg16 : memref<!tpu.dma_semaphore, #tpu.memory_space<semaphore_mem>>)
        %dma_start3A_167 = arith.constant 0 : i32
        %dma_start3A_168 = tpu.memref_slice %arg3[%add3A_158, %dma_start3A_167] : memref<2560x128xf32, #tpu.memory_space<hbm>> -> memref<1x128xf32, #tpu.memory_space<hbm>>
        %dma_start3A_169 = tpu.memref_squeeze %dma_start3A_168 : memref<1x128xf32, #tpu.memory_space<hbm>> -> memref<128xf32, #tpu.memory_space<hbm>>
        %dma_start3A_170 = arith.constant 0 : i32
        %dma_start3A_171 = tpu.memref_slice %arg3[%add3A_158, %dma_start3A_170] : memref<2560x128xf32, #tpu.memory_space<hbm>> -> memref<1x128xf32, #tpu.memory_space<hbm>>
        %dma_start3A_172 = tpu.memref_squeeze %dma_start3A_171 : memref<1x128xf32, #tpu.memory_space<hbm>> -> memref<128xf32, #tpu.memory_space<hbm>>
        tpu.enqueue_dma source(%dma_start3A_172 : memref<128xf32, #tpu.memory_space<hbm>>) target(%arg12 : memref<128xf32, #tpu.memory_space<vmem>>) target_semaphore(%arg16 : memref<!tpu.dma_semaphore, #tpu.memory_space<semaphore_mem>>)
      } else {
      }
    }
    %scan3A_78 = arith.constant 40 : i32
    %barrier3A_79 = arith.constant 0 : index
    tpu.barrier barrier_id(%barrier3A_79)
    "tpu.region"() ({
      %run_scoped3A = tpu.sem_alloc : memref<!tpu.dma_semaphore, #tpu.memory_space<semaphore_mem>>
      %dma_start3A_108 = tpu.memref_slice %arg5[%mul3A_43] : memref<10240xf32, #tpu.memory_space<vmem_shared>> -> memref<640xf32, #tpu.memory_space<vmem_shared>>
      %dma_start3A_109 = tpu.memref_slice %arg5[%mul3A_43] : memref<10240xf32, #tpu.memory_space<vmem_shared>> -> memref<640xf32, #tpu.memory_space<vmem_shared>>
      tpu.enqueue_dma source(%dma_start3A_109 : memref<640xf32, #tpu.memory_space<vmem_shared>>) target(%arg14 : memref<640xf32, #tpu.memory_space<vmem>>) target_semaphore(%run_scoped3A : memref<!tpu.dma_semaphore, #tpu.memory_space<semaphore_mem>>)
      %dma_wait3A = tpu.memref_slice %arg5[%mul3A_43] : memref<10240xf32, #tpu.memory_space<vmem_shared>> -> memref<640xf32, #tpu.memory_space<vmem_shared>>
      %dma_wait3A_110 = tpu.memref_slice %arg5[%mul3A_43] : memref<10240xf32, #tpu.memory_space<vmem_shared>> -> memref<640xf32, #tpu.memory_space<vmem_shared>>
      tpu.wait_dma2 semaphore(%run_scoped3A : memref<!tpu.dma_semaphore, #tpu.memory_space<semaphore_mem>>) src(%dma_wait3A_110 : memref<640xf32, #tpu.memory_space<vmem_shared>>) dst(%arg14 : memref<640xf32, #tpu.memory_space<vmem>>)
      tpu.yield
    }) : () -> ()
    %mul3A_80 = arith.constant 4 : i32
    %mul3A_81 = arith.muli %arg0, %mul3A_80 : i32
    %add3A_82 = arith.constant 0 : i32
    %add3A_83 = arith.addi %mul3A_81, %add3A_82 : i32
    %mul3A_84 = arith.constant 10240 : i32
    %mul3A_85 = arith.muli %add3A_83, %mul3A_84 : i32
    %add3A_86 = arith.addi %mul3A_85, %mul3A_43 : i32
    "tpu.region"() ({
      %run_scoped3A = tpu.sem_alloc : memref<!tpu.dma_semaphore, #tpu.memory_space<semaphore_mem>>
      %dma_start3A_108 = tpu.memref_slice %arg4[%add3A_86] : memref<81920xf32, #tpu.memory_space<hbm>> -> memref<640xf32, #tpu.memory_space<hbm>>
      %dma_start3A_109 = tpu.memref_slice %arg4[%add3A_86] : memref<81920xf32, #tpu.memory_space<hbm>> -> memref<640xf32, #tpu.memory_space<hbm>>
      tpu.enqueue_dma source(%arg14 : memref<640xf32, #tpu.memory_space<vmem>>) target(%dma_start3A_109 : memref<640xf32, #tpu.memory_space<hbm>>) target_semaphore(%run_scoped3A : memref<!tpu.dma_semaphore, #tpu.memory_space<semaphore_mem>>)
      %dma_wait3A = tpu.memref_slice %arg4[%add3A_86] : memref<81920xf32, #tpu.memory_space<hbm>> -> memref<640xf32, #tpu.memory_space<hbm>>
      %dma_wait3A_110 = tpu.memref_slice %arg4[%add3A_86] : memref<81920xf32, #tpu.memory_space<hbm>> -> memref<640xf32, #tpu.memory_space<hbm>>
      tpu.wait_dma2 semaphore(%run_scoped3A : memref<!tpu.dma_semaphore, #tpu.memory_space<semaphore_mem>>) src(%arg14 : memref<640xf32, #tpu.memory_space<vmem>>) dst(%dma_wait3A_110 : memref<640xf32, #tpu.memory_space<hbm>>)
      tpu.yield
    }) : () -> ()
    "tpu.region"() ({
      %run_scoped3A = tpu.sem_alloc : memref<!tpu.dma_semaphore, #tpu.memory_space<semaphore_mem>>
      %dma_start3A_108 = tpu.memref_slice %arg6[%mul3A_43] : memref<10240xf32, #tpu.memory_space<vmem_shared>> -> memref<640xf32, #tpu.memory_space<vmem_shared>>
      %dma_start3A_109 = tpu.memref_slice %arg6[%mul3A_43] : memref<10240xf32, #tpu.memory_space<vmem_shared>> -> memref<640xf32, #tpu.memory_space<vmem_shared>>
      tpu.enqueue_dma source(%dma_start3A_109 : memref<640xf32, #tpu.memory_space<vmem_shared>>) target(%arg14 : memref<640xf32, #tpu.memory_space<vmem>>) target_semaphore(%run_scoped3A : memref<!tpu.dma_semaphore, #tpu.memory_space<semaphore_mem>>)
      %dma_wait3A = tpu.memref_slice %arg6[%mul3A_43] : memref<10240xf32, #tpu.memory_space<vmem_shared>> -> memref<640xf32, #tpu.memory_space<vmem_shared>>
      %dma_wait3A_110 = tpu.memref_slice %arg6[%mul3A_43] : memref<10240xf32, #tpu.memory_space<vmem_shared>> -> memref<640xf32, #tpu.memory_space<vmem_shared>>
      tpu.wait_dma2 semaphore(%run_scoped3A : memref<!tpu.dma_semaphore, #tpu.memory_space<semaphore_mem>>) src(%dma_wait3A_110 : memref<640xf32, #tpu.memory_space<vmem_shared>>) dst(%arg14 : memref<640xf32, #tpu.memory_space<vmem>>)
      tpu.yield
    }) : () -> ()
    %mul3A_87 = arith.constant 4 : i32
    %mul3A_88 = arith.muli %arg0, %mul3A_87 : i32
    %add3A_89 = arith.constant 1 : i32
    %add3A_90 = arith.addi %mul3A_88, %add3A_89 : i32
    %mul3A_91 = arith.constant 10240 : i32
    %mul3A_92 = arith.muli %add3A_90, %mul3A_91 : i32
    %add3A_93 = arith.addi %mul3A_92, %mul3A_43 : i32
    "tpu.region"() ({
      %run_scoped3A = tpu.sem_alloc : memref<!tpu.dma_semaphore, #tpu.memory_space<semaphore_mem>>
      %dma_start3A_108 = tpu.memref_slice %arg4[%add3A_93] : memref<81920xf32, #tpu.memory_space<hbm>> -> memref<640xf32, #tpu.memory_space<hbm>>
      %dma_start3A_109 = tpu.memref_slice %arg4[%add3A_93] : memref<81920xf32, #tpu.memory_space<hbm>> -> memref<640xf32, #tpu.memory_space<hbm>>
      tpu.enqueue_dma source(%arg14 : memref<640xf32, #tpu.memory_space<vmem>>) target(%dma_start3A_109 : memref<640xf32, #tpu.memory_space<hbm>>) target_semaphore(%run_scoped3A : memref<!tpu.dma_semaphore, #tpu.memory_space<semaphore_mem>>)
      %dma_wait3A = tpu.memref_slice %arg4[%add3A_93] : memref<81920xf32, #tpu.memory_space<hbm>> -> memref<640xf32, #tpu.memory_space<hbm>>
      %dma_wait3A_110 = tpu.memref_slice %arg4[%add3A_93] : memref<81920xf32, #tpu.memory_space<hbm>> -> memref<640xf32, #tpu.memory_space<hbm>>
      tpu.wait_dma2 semaphore(%run_scoped3A : memref<!tpu.dma_semaphore, #tpu.memory_space<semaphore_mem>>) src(%arg14 : memref<640xf32, #tpu.memory_space<vmem>>) dst(%dma_wait3A_110 : memref<640xf32, #tpu.memory_space<hbm>>)
      tpu.yield
    }) : () -> ()
    "tpu.region"() ({
      %run_scoped3A = tpu.sem_alloc : memref<!tpu.dma_semaphore, #tpu.memory_space<semaphore_mem>>
      %dma_start3A_108 = tpu.memref_slice %arg7[%mul3A_43] : memref<10240xf32, #tpu.memory_space<vmem_shared>> -> memref<640xf32, #tpu.memory_space<vmem_shared>>
      %dma_start3A_109 = tpu.memref_slice %arg7[%mul3A_43] : memref<10240xf32, #tpu.memory_space<vmem_shared>> -> memref<640xf32, #tpu.memory_space<vmem_shared>>
      tpu.enqueue_dma source(%dma_start3A_109 : memref<640xf32, #tpu.memory_space<vmem_shared>>) target(%arg14 : memref<640xf32, #tpu.memory_space<vmem>>) target_semaphore(%run_scoped3A : memref<!tpu.dma_semaphore, #tpu.memory_space<semaphore_mem>>)
      %dma_wait3A = tpu.memref_slice %arg7[%mul3A_43] : memref<10240xf32, #tpu.memory_space<vmem_shared>> -> memref<640xf32, #tpu.memory_space<vmem_shared>>
      %dma_wait3A_110 = tpu.memref_slice %arg7[%mul3A_43] : memref<10240xf32, #tpu.memory_space<vmem_shared>> -> memref<640xf32, #tpu.memory_space<vmem_shared>>
      tpu.wait_dma2 semaphore(%run_scoped3A : memref<!tpu.dma_semaphore, #tpu.memory_space<semaphore_mem>>) src(%dma_wait3A_110 : memref<640xf32, #tpu.memory_space<vmem_shared>>) dst(%arg14 : memref<640xf32, #tpu.memory_space<vmem>>)
      tpu.yield
    }) : () -> ()
    %mul3A_94 = arith.constant 4 : i32
    %mul3A_95 = arith.muli %arg0, %mul3A_94 : i32
    %add3A_96 = arith.constant 2 : i32
    %add3A_97 = arith.addi %mul3A_95, %add3A_96 : i32
    %mul3A_98 = arith.constant 10240 : i32
    %mul3A_99 = arith.muli %add3A_97, %mul3A_98 : i32
    %add3A_100 = arith.addi %mul3A_99, %mul3A_43 : i32
    "tpu.region"() ({
      %run_scoped3A = tpu.sem_alloc : memref<!tpu.dma_semaphore, #tpu.memory_space<semaphore_mem>>
      %dma_start3A_108 = tpu.memref_slice %arg4[%add3A_100] : memref<81920xf32, #tpu.memory_space<hbm>> -> memref<640xf32, #tpu.memory_space<hbm>>
      %dma_start3A_109 = tpu.memref_slice %arg4[%add3A_100] : memref<81920xf32, #tpu.memory_space<hbm>> -> memref<640xf32, #tpu.memory_space<hbm>>
      tpu.enqueue_dma source(%arg14 : memref<640xf32, #tpu.memory_space<vmem>>) target(%dma_start3A_109 : memref<640xf32, #tpu.memory_space<hbm>>) target_semaphore(%run_scoped3A : memref<!tpu.dma_semaphore, #tpu.memory_space<semaphore_mem>>)
      %dma_wait3A = tpu.memref_slice %arg4[%add3A_100] : memref<81920xf32, #tpu.memory_space<hbm>> -> memref<640xf32, #tpu.memory_space<hbm>>
      %dma_wait3A_110 = tpu.memref_slice %arg4[%add3A_100] : memref<81920xf32, #tpu.memory_space<hbm>> -> memref<640xf32, #tpu.memory_space<hbm>>
      tpu.wait_dma2 semaphore(%run_scoped3A : memref<!tpu.dma_semaphore, #tpu.memory_space<semaphore_mem>>) src(%arg14 : memref<640xf32, #tpu.memory_space<vmem>>) dst(%dma_wait3A_110 : memref<640xf32, #tpu.memory_space<hbm>>)
      tpu.yield
    }) : () -> ()
    "tpu.region"() ({
      %run_scoped3A = tpu.sem_alloc : memref<!tpu.dma_semaphore, #tpu.memory_space<semaphore_mem>>
      %dma_start3A_108 = tpu.memref_slice %arg8[%mul3A_43] : memref<10240xf32, #tpu.memory_space<vmem_shared>> -> memref<640xf32, #tpu.memory_space<vmem_shared>>
      %dma_start3A_109 = tpu.memref_slice %arg8[%mul3A_43] : memref<10240xf32, #tpu.memory_space<vmem_shared>> -> memref<640xf32, #tpu.memory_space<vmem_shared>>
      tpu.enqueue_dma source(%dma_start3A_109 : memref<640xf32, #tpu.memory_space<vmem_shared>>) target(%arg14 : memref<640xf32, #tpu.memory_space<vmem>>) target_semaphore(%run_scoped3A : memref<!tpu.dma_semaphore, #tpu.memory_space<semaphore_mem>>)
      %dma_wait3A = tpu.memref_slice %arg8[%mul3A_43] : memref<10240xf32, #tpu.memory_space<vmem_shared>> -> memref<640xf32, #tpu.memory_space<vmem_shared>>
      %dma_wait3A_110 = tpu.memref_slice %arg8[%mul3A_43] : memref<10240xf32, #tpu.memory_space<vmem_shared>> -> memref<640xf32, #tpu.memory_space<vmem_shared>>
      tpu.wait_dma2 semaphore(%run_scoped3A : memref<!tpu.dma_semaphore, #tpu.memory_space<semaphore_mem>>) src(%dma_wait3A_110 : memref<640xf32, #tpu.memory_space<vmem_shared>>) dst(%arg14 : memref<640xf32, #tpu.memory_space<vmem>>)
      tpu.yield
    }) : () -> ()
    %mul3A_101 = arith.constant 4 : i32
    %mul3A_102 = arith.muli %arg0, %mul3A_101 : i32
    %add3A_103 = arith.constant 3 : i32
    %add3A_104 = arith.addi %mul3A_102, %add3A_103 : i32
    %mul3A_105 = arith.constant 10240 : i32
    %mul3A_106 = arith.muli %add3A_104, %mul3A_105 : i32
    %add3A_107 = arith.addi %mul3A_106, %mul3A_43 : i32
    "tpu.region"() ({
      %run_scoped3A = tpu.sem_alloc : memref<!tpu.dma_semaphore, #tpu.memory_space<semaphore_mem>>
      %dma_start3A_108 = tpu.memref_slice %arg4[%add3A_107] : memref<81920xf32, #tpu.memory_space<hbm>> -> memref<640xf32, #tpu.memory_space<hbm>>
      %dma_start3A_109 = tpu.memref_slice %arg4[%add3A_107] : memref<81920xf32, #tpu.memory_space<hbm>> -> memref<640xf32, #tpu.memory_space<hbm>>
      tpu.enqueue_dma source(%arg14 : memref<640xf32, #tpu.memory_space<vmem>>) target(%dma_start3A_109 : memref<640xf32, #tpu.memory_space<hbm>>) target_semaphore(%run_scoped3A : memref<!tpu.dma_semaphore, #tpu.memory_space<semaphore_mem>>)
      %dma_wait3A = tpu.memref_slice %arg4[%add3A_107] : memref<81920xf32, #tpu.memory_space<hbm>> -> memref<640xf32, #tpu.memory_space<hbm>>
      %dma_wait3A_110 = tpu.memref_slice %arg4[%add3A_107] : memref<81920xf32, #tpu.memory_space<hbm>> -> memref<640xf32, #tpu.memory_space<hbm>>
      tpu.wait_dma2 semaphore(%run_scoped3A : memref<!tpu.dma_semaphore, #tpu.memory_space<semaphore_mem>>) src(%arg14 : memref<640xf32, #tpu.memory_space<vmem>>) dst(%dma_wait3A_110 : memref<640xf32, #tpu.memory_space<hbm>>)
      tpu.yield
    }) : () -> ()
    return
  }
}

#map = affine_map<(d0, d1) -> (0, 0)>
#map1 = affine_map<(d0, d1) -> (0, 0, 0)>
module attributes {stable_mosaic.version = 14 : i64} {
  func.func @mp_kernel(%arg0: i32, %arg1: i32, %arg2: memref<10000x128xf32, #tpu.memory_space<hbm>>, %arg3: memref<2500x2x128xi32, #tpu.memory_space<hbm>>, %arg4: memref<2500x128xf32, #tpu.memory_space<hbm>>, %arg5: memref<10240x128xf32, #tpu.memory_space<hbm>>, %arg6: memref<10240x128xf32, #tpu.memory_space<vmem_shared>>, %arg7: memref<2x128xi32, #tpu.memory_space<vmem>>, %arg8: memref<2x128xi32, #tpu.memory_space<vmem>>, %arg9: memref<128x128xf32, #tpu.memory_space<vmem>>, %arg10: memref<128x128xf32, #tpu.memory_space<vmem>>, %arg11: memref<!tpu.dma_semaphore, #tpu.memory_space<semaphore_mem>>, %arg12: memref<!tpu.dma_semaphore, #tpu.memory_space<semaphore_mem>>, %arg13: memref<144xf32, #tpu.memory_space<vmem>>, %arg14: memref<144xf32, #tpu.memory_space<vmem>>) attributes {dimension_semantics = [#tpu.dimension_semantics<core_parallel>, #tpu.dimension_semantics<subcore_parallel>], iteration_bounds = array<i64: 1, 16>, scalar_prefetch = 0 : i64, scratch_operands = 9 : i64, tpu.core_type = #tpu.core_type<sc_vector_subcore>, window_params = [{transform_indices = #map}, {transform_indices = #map1}, {transform_indices = #map}, {transform_indices = #map}]} {
    %lt3A = arith.constant 2 : i32
    %lt3A_0 = arith.cmpi slt, %arg1, %lt3A : i32
    %jit3A = arith.constant 158 : i32
    %jit3A_1 = arith.constant 156 : i32
    %select_n3A = arith.select %lt3A_0, %jit3A, %jit3A_1 : i32
    %mul3A = arith.constant 156 : i32
    %mul3A_2 = arith.muli %arg1, %mul3A : i32
    %min3A = arith.constant 2 : i32
    %min3A_3 = arith.minsi %arg1, %min3A : i32
    %mul3A_4 = arith.constant 2 : i32
    %mul3A_5 = arith.muli %mul3A_4, %min3A_3 : i32
    %add3A = arith.addi %mul3A_2, %mul3A_5 : i32
    %broadcast_in_dim3A = arith.constant 0.000000e+00 : f32
    %broadcast_in_dim3A_6 = vector.broadcast %broadcast_in_dim3A : f32 to vector<16xf32>
    %scan3A = arith.constant 0 : i32
    %scan3A_7 = arith.constant 0 : i32
    %scan3A_8 = arith.constant 128 : i32
    %scan3A_9 = arith.addi %scan3A_7, %scan3A_8 : i32
    %scan3A_10 = arith.constant 1 : i32
    scf.for %scan3A_87 = %scan3A_7 to %scan3A_9 step %scan3A_10  : i32 {
      %swap3A = arith.index_cast %scan3A_87 : i32 to index
      %swap3A_88 = arith.constant 0 : index
      %swap3A_89 = tpu.vector_load %arg9[%swap3A, %swap3A_88] {strides = array<i32>} : memref<128x128xf32, #tpu.memory_space<vmem>>, vector<1x16xf32>,
      %swap3A_90 = vector.shape_cast %swap3A_89 : vector<1x16xf32> to vector<16xf32>
      %swap3A_91 = vector.shape_cast %broadcast_in_dim3A_6 : vector<16xf32> to vector<1x16xf32>
      tpu.vector_store %arg9[%swap3A, %swap3A_88], %swap3A_91 {strides = array<i32>} : memref<128x128xf32, #tpu.memory_space<vmem>>, vector<1x16xf32>,
      %swap3A_92 = arith.index_cast %scan3A_87 : i32 to index
      %swap3A_93 = arith.constant 16 : index
      %swap3A_94 = tpu.vector_load %arg9[%swap3A_92, %swap3A_93] {strides = array<i32>} : memref<128x128xf32, #tpu.memory_space<vmem>>, vector<1x16xf32>,
      %swap3A_95 = vector.shape_cast %swap3A_94 : vector<1x16xf32> to vector<16xf32>
      %swap3A_96 = vector.shape_cast %broadcast_in_dim3A_6 : vector<16xf32> to vector<1x16xf32>
      tpu.vector_store %arg9[%swap3A_92, %swap3A_93], %swap3A_96 {strides = array<i32>} : memref<128x128xf32, #tpu.memory_space<vmem>>, vector<1x16xf32>,
      %swap3A_97 = arith.index_cast %scan3A_87 : i32 to index
      %swap3A_98 = arith.constant 32 : index
      %swap3A_99 = tpu.vector_load %arg9[%swap3A_97, %swap3A_98] {strides = array<i32>} : memref<128x128xf32, #tpu.memory_space<vmem>>, vector<1x16xf32>,
      %swap3A_100 = vector.shape_cast %swap3A_99 : vector<1x16xf32> to vector<16xf32>
      %swap3A_101 = vector.shape_cast %broadcast_in_dim3A_6 : vector<16xf32> to vector<1x16xf32>
      tpu.vector_store %arg9[%swap3A_97, %swap3A_98], %swap3A_101 {strides = array<i32>} : memref<128x128xf32, #tpu.memory_space<vmem>>, vector<1x16xf32>,
      %swap3A_102 = arith.index_cast %scan3A_87 : i32 to index
      %swap3A_103 = arith.constant 48 : index
      %swap3A_104 = tpu.vector_load %arg9[%swap3A_102, %swap3A_103] {strides = array<i32>} : memref<128x128xf32, #tpu.memory_space<vmem>>, vector<1x16xf32>,
      %swap3A_105 = vector.shape_cast %swap3A_104 : vector<1x16xf32> to vector<16xf32>
      %swap3A_106 = vector.shape_cast %broadcast_in_dim3A_6 : vector<16xf32> to vector<1x16xf32>
      tpu.vector_store %arg9[%swap3A_102, %swap3A_103], %swap3A_106 {strides = array<i32>} : memref<128x128xf32, #tpu.memory_space<vmem>>, vector<1x16xf32>,
      %swap3A_107 = arith.index_cast %scan3A_87 : i32 to index
      %swap3A_108 = arith.constant 64 : index
      %swap3A_109 = tpu.vector_load %arg9[%swap3A_107, %swap3A_108] {strides = array<i32>} : memref<128x128xf32, #tpu.memory_space<vmem>>, vector<1x16xf32>,
      %swap3A_110 = vector.shape_cast %swap3A_109 : vector<1x16xf32> to vector<16xf32>
      %swap3A_111 = vector.shape_cast %broadcast_in_dim3A_6 : vector<16xf32> to vector<1x16xf32>
      tpu.vector_store %arg9[%swap3A_107, %swap3A_108], %swap3A_111 {strides = array<i32>} : memref<128x128xf32, #tpu.memory_space<vmem>>, vector<1x16xf32>,
      %swap3A_112 = arith.index_cast %scan3A_87 : i32 to index
      %swap3A_113 = arith.constant 80 : index
      %swap3A_114 = tpu.vector_load %arg9[%swap3A_112, %swap3A_113] {strides = array<i32>} : memref<128x128xf32, #tpu.memory_space<vmem>>, vector<1x16xf32>,
      %swap3A_115 = vector.shape_cast %swap3A_114 : vector<1x16xf32> to vector<16xf32>
      %swap3A_116 = vector.shape_cast %broadcast_in_dim3A_6 : vector<16xf32> to vector<1x16xf32>
      tpu.vector_store %arg9[%swap3A_112, %swap3A_113], %swap3A_116 {strides = array<i32>} : memref<128x128xf32, #tpu.memory_space<vmem>>, vector<1x16xf32>,
      %swap3A_117 = arith.index_cast %scan3A_87 : i32 to index
      %swap3A_118 = arith.constant 96 : index
      %swap3A_119 = tpu.vector_load %arg9[%swap3A_117, %swap3A_118] {strides = array<i32>} : memref<128x128xf32, #tpu.memory_space<vmem>>, vector<1x16xf32>,
      %swap3A_120 = vector.shape_cast %swap3A_119 : vector<1x16xf32> to vector<16xf32>
      %swap3A_121 = vector.shape_cast %broadcast_in_dim3A_6 : vector<16xf32> to vector<1x16xf32>
      tpu.vector_store %arg9[%swap3A_117, %swap3A_118], %swap3A_121 {strides = array<i32>} : memref<128x128xf32, #tpu.memory_space<vmem>>, vector<1x16xf32>,
      %swap3A_122 = arith.index_cast %scan3A_87 : i32 to index
      %swap3A_123 = arith.constant 112 : index
      %swap3A_124 = tpu.vector_load %arg9[%swap3A_122, %swap3A_123] {strides = array<i32>} : memref<128x128xf32, #tpu.memory_space<vmem>>, vector<1x16xf32>,
      %swap3A_125 = vector.shape_cast %swap3A_124 : vector<1x16xf32> to vector<16xf32>
      %swap3A_126 = vector.shape_cast %broadcast_in_dim3A_6 : vector<16xf32> to vector<1x16xf32>
      tpu.vector_store %arg9[%swap3A_122, %swap3A_123], %swap3A_126 {strides = array<i32>} : memref<128x128xf32, #tpu.memory_space<vmem>>, vector<1x16xf32>,
    }
    %scan3A_11 = arith.constant 128 : i32
    %mul3A_12 = arith.constant 640 : i32
    %mul3A_13 = arith.muli %arg1, %mul3A_12 : i32
    %add3A_14 = arith.constant 0 : i32
    %add3A_15 = arith.addi %mul3A_13, %add3A_14 : i32
    "tpu.region"() ({
      %run_scoped3A = tpu.sem_alloc : memref<!tpu.dma_semaphore, #tpu.memory_space<semaphore_mem>>
      %dma_start3A_87 = arith.constant 0 : i32
      %dma_start3A_88 = tpu.memref_slice %arg6[%add3A_15, %dma_start3A_87] : memref<10240x128xf32, #tpu.memory_space<vmem_shared>> -> memref<128x128xf32, #tpu.memory_space<vmem_shared>>
      %dma_start3A_89 = arith.constant 0 : i32
      %dma_start3A_90 = tpu.memref_slice %arg6[%add3A_15, %dma_start3A_89] : memref<10240x128xf32, #tpu.memory_space<vmem_shared>> -> memref<128x128xf32, #tpu.memory_space<vmem_shared>>
      tpu.enqueue_dma source(%arg9 : memref<128x128xf32, #tpu.memory_space<vmem>>) target(%dma_start3A_90 : memref<128x128xf32, #tpu.memory_space<vmem_shared>>) target_semaphore(%run_scoped3A : memref<!tpu.dma_semaphore, #tpu.memory_space<semaphore_mem>>)
      %dma_wait3A = arith.constant 0 : i32
      %dma_wait3A_91 = tpu.memref_slice %arg6[%add3A_15, %dma_wait3A] : memref<10240x128xf32, #tpu.memory_space<vmem_shared>> -> memref<128x128xf32, #tpu.memory_space<vmem_shared>>
      %dma_wait3A_92 = arith.constant 0 : i32
      %dma_wait3A_93 = tpu.memref_slice %arg6[%add3A_15, %dma_wait3A_92] : memref<10240x128xf32, #tpu.memory_space<vmem_shared>> -> memref<128x128xf32, #tpu.memory_space<vmem_shared>>
      tpu.wait_dma2 semaphore(%run_scoped3A : memref<!tpu.dma_semaphore, #tpu.memory_space<semaphore_mem>>) src(%arg9 : memref<128x128xf32, #tpu.memory_space<vmem>>) dst(%dma_wait3A_93 : memref<128x128xf32, #tpu.memory_space<vmem_shared>>)
      tpu.yield
    }) : () -> ()
    %add3A_16 = arith.constant 128 : i32
    %add3A_17 = arith.addi %mul3A_13, %add3A_16 : i32
    "tpu.region"() ({
      %run_scoped3A = tpu.sem_alloc : memref<!tpu.dma_semaphore, #tpu.memory_space<semaphore_mem>>
      %dma_start3A_87 = arith.constant 0 : i32
      %dma_start3A_88 = tpu.memref_slice %arg6[%add3A_17, %dma_start3A_87] : memref<10240x128xf32, #tpu.memory_space<vmem_shared>> -> memref<128x128xf32, #tpu.memory_space<vmem_shared>>
      %dma_start3A_89 = arith.constant 0 : i32
      %dma_start3A_90 = tpu.memref_slice %arg6[%add3A_17, %dma_start3A_89] : memref<10240x128xf32, #tpu.memory_space<vmem_shared>> -> memref<128x128xf32, #tpu.memory_space<vmem_shared>>
      tpu.enqueue_dma source(%arg9 : memref<128x128xf32, #tpu.memory_space<vmem>>) target(%dma_start3A_90 : memref<128x128xf32, #tpu.memory_space<vmem_shared>>) target_semaphore(%run_scoped3A : memref<!tpu.dma_semaphore, #tpu.memory_space<semaphore_mem>>)
      %dma_wait3A = arith.constant 0 : i32
      %dma_wait3A_91 = tpu.memref_slice %arg6[%add3A_17, %dma_wait3A] : memref<10240x128xf32, #tpu.memory_space<vmem_shared>> -> memref<128x128xf32, #tpu.memory_space<vmem_shared>>
      %dma_wait3A_92 = arith.constant 0 : i32
      %dma_wait3A_93 = tpu.memref_slice %arg6[%add3A_17, %dma_wait3A_92] : memref<10240x128xf32, #tpu.memory_space<vmem_shared>> -> memref<128x128xf32, #tpu.memory_space<vmem_shared>>
      tpu.wait_dma2 semaphore(%run_scoped3A : memref<!tpu.dma_semaphore, #tpu.memory_space<semaphore_mem>>) src(%arg9 : memref<128x128xf32, #tpu.memory_space<vmem>>) dst(%dma_wait3A_93 : memref<128x128xf32, #tpu.memory_space<vmem_shared>>)
      tpu.yield
    }) : () -> ()
    %add3A_18 = arith.constant 256 : i32
    %add3A_19 = arith.addi %mul3A_13, %add3A_18 : i32
    "tpu.region"() ({
      %run_scoped3A = tpu.sem_alloc : memref<!tpu.dma_semaphore, #tpu.memory_space<semaphore_mem>>
      %dma_start3A_87 = arith.constant 0 : i32
      %dma_start3A_88 = tpu.memref_slice %arg6[%add3A_19, %dma_start3A_87] : memref<10240x128xf32, #tpu.memory_space<vmem_shared>> -> memref<128x128xf32, #tpu.memory_space<vmem_shared>>
      %dma_start3A_89 = arith.constant 0 : i32
      %dma_start3A_90 = tpu.memref_slice %arg6[%add3A_19, %dma_start3A_89] : memref<10240x128xf32, #tpu.memory_space<vmem_shared>> -> memref<128x128xf32, #tpu.memory_space<vmem_shared>>
      tpu.enqueue_dma source(%arg9 : memref<128x128xf32, #tpu.memory_space<vmem>>) target(%dma_start3A_90 : memref<128x128xf32, #tpu.memory_space<vmem_shared>>) target_semaphore(%run_scoped3A : memref<!tpu.dma_semaphore, #tpu.memory_space<semaphore_mem>>)
      %dma_wait3A = arith.constant 0 : i32
      %dma_wait3A_91 = tpu.memref_slice %arg6[%add3A_19, %dma_wait3A] : memref<10240x128xf32, #tpu.memory_space<vmem_shared>> -> memref<128x128xf32, #tpu.memory_space<vmem_shared>>
      %dma_wait3A_92 = arith.constant 0 : i32
      %dma_wait3A_93 = tpu.memref_slice %arg6[%add3A_19, %dma_wait3A_92] : memref<10240x128xf32, #tpu.memory_space<vmem_shared>> -> memref<128x128xf32, #tpu.memory_space<vmem_shared>>
      tpu.wait_dma2 semaphore(%run_scoped3A : memref<!tpu.dma_semaphore, #tpu.memory_space<semaphore_mem>>) src(%arg9 : memref<128x128xf32, #tpu.memory_space<vmem>>) dst(%dma_wait3A_93 : memref<128x128xf32, #tpu.memory_space<vmem_shared>>)
      tpu.yield
    }) : () -> ()
    %add3A_20 = arith.constant 384 : i32
    %add3A_21 = arith.addi %mul3A_13, %add3A_20 : i32
    "tpu.region"() ({
      %run_scoped3A = tpu.sem_alloc : memref<!tpu.dma_semaphore, #tpu.memory_space<semaphore_mem>>
      %dma_start3A_87 = arith.constant 0 : i32
      %dma_start3A_88 = tpu.memref_slice %arg6[%add3A_21, %dma_start3A_87] : memref<10240x128xf32, #tpu.memory_space<vmem_shared>> -> memref<128x128xf32, #tpu.memory_space<vmem_shared>>
      %dma_start3A_89 = arith.constant 0 : i32
      %dma_start3A_90 = tpu.memref_slice %arg6[%add3A_21, %dma_start3A_89] : memref<10240x128xf32, #tpu.memory_space<vmem_shared>> -> memref<128x128xf32, #tpu.memory_space<vmem_shared>>
      tpu.enqueue_dma source(%arg9 : memref<128x128xf32, #tpu.memory_space<vmem>>) target(%dma_start3A_90 : memref<128x128xf32, #tpu.memory_space<vmem_shared>>) target_semaphore(%run_scoped3A : memref<!tpu.dma_semaphore, #tpu.memory_space<semaphore_mem>>)
      %dma_wait3A = arith.constant 0 : i32
      %dma_wait3A_91 = tpu.memref_slice %arg6[%add3A_21, %dma_wait3A] : memref<10240x128xf32, #tpu.memory_space<vmem_shared>> -> memref<128x128xf32, #tpu.memory_space<vmem_shared>>
      %dma_wait3A_92 = arith.constant 0 : i32
      %dma_wait3A_93 = tpu.memref_slice %arg6[%add3A_21, %dma_wait3A_92] : memref<10240x128xf32, #tpu.memory_space<vmem_shared>> -> memref<128x128xf32, #tpu.memory_space<vmem_shared>>
      tpu.wait_dma2 semaphore(%run_scoped3A : memref<!tpu.dma_semaphore, #tpu.memory_space<semaphore_mem>>) src(%arg9 : memref<128x128xf32, #tpu.memory_space<vmem>>) dst(%dma_wait3A_93 : memref<128x128xf32, #tpu.memory_space<vmem_shared>>)
      tpu.yield
    }) : () -> ()
    %add3A_22 = arith.constant 512 : i32
    %add3A_23 = arith.addi %mul3A_13, %add3A_22 : i32
    "tpu.region"() ({
      %run_scoped3A = tpu.sem_alloc : memref<!tpu.dma_semaphore, #tpu.memory_space<semaphore_mem>>
      %dma_start3A_87 = arith.constant 0 : i32
      %dma_start3A_88 = tpu.memref_slice %arg6[%add3A_23, %dma_start3A_87] : memref<10240x128xf32, #tpu.memory_space<vmem_shared>> -> memref<128x128xf32, #tpu.memory_space<vmem_shared>>
      %dma_start3A_89 = arith.constant 0 : i32
      %dma_start3A_90 = tpu.memref_slice %arg6[%add3A_23, %dma_start3A_89] : memref<10240x128xf32, #tpu.memory_space<vmem_shared>> -> memref<128x128xf32, #tpu.memory_space<vmem_shared>>
      tpu.enqueue_dma source(%arg9 : memref<128x128xf32, #tpu.memory_space<vmem>>) target(%dma_start3A_90 : memref<128x128xf32, #tpu.memory_space<vmem_shared>>) target_semaphore(%run_scoped3A : memref<!tpu.dma_semaphore, #tpu.memory_space<semaphore_mem>>)
      %dma_wait3A = arith.constant 0 : i32
      %dma_wait3A_91 = tpu.memref_slice %arg6[%add3A_23, %dma_wait3A] : memref<10240x128xf32, #tpu.memory_space<vmem_shared>> -> memref<128x128xf32, #tpu.memory_space<vmem_shared>>
      %dma_wait3A_92 = arith.constant 0 : i32
      %dma_wait3A_93 = tpu.memref_slice %arg6[%add3A_23, %dma_wait3A_92] : memref<10240x128xf32, #tpu.memory_space<vmem_shared>> -> memref<128x128xf32, #tpu.memory_space<vmem_shared>>
      tpu.wait_dma2 semaphore(%run_scoped3A : memref<!tpu.dma_semaphore, #tpu.memory_space<semaphore_mem>>) src(%arg9 : memref<128x128xf32, #tpu.memory_space<vmem>>) dst(%dma_wait3A_93 : memref<128x128xf32, #tpu.memory_space<vmem_shared>>)
      tpu.yield
    }) : () -> ()
    %barrier3A = arith.constant 0 : index
    tpu.barrier barrier_id(%barrier3A)
    "tpu.region"() ({
      %run_scoped3A = tpu.sem_alloc : memref<!tpu.dma_semaphore, #tpu.memory_space<semaphore_mem>>
      %dma_start3A_87 = arith.constant 0 : i32
      %dma_start3A_88 = arith.constant 0 : i32
      %dma_start3A_89 = tpu.memref_slice %arg3[%add3A, %dma_start3A_87, %dma_start3A_88] : memref<2500x2x128xi32, #tpu.memory_space<hbm>> -> memref<1x2x128xi32, #tpu.memory_space<hbm>>
      %dma_start3A_90 = tpu.memref_squeeze %dma_start3A_89 : memref<1x2x128xi32, #tpu.memory_space<hbm>> -> memref<2x128xi32, #tpu.memory_space<hbm>>
      %dma_start3A_91 = arith.constant 0 : i32
      %dma_start3A_92 = arith.constant 0 : i32
      %dma_start3A_93 = tpu.memref_slice %arg3[%add3A, %dma_start3A_91, %dma_start3A_92] : memref<2500x2x128xi32, #tpu.memory_space<hbm>> -> memref<1x2x128xi32, #tpu.memory_space<hbm>>
      %dma_start3A_94 = tpu.memref_squeeze %dma_start3A_93 : memref<1x2x128xi32, #tpu.memory_space<hbm>> -> memref<2x128xi32, #tpu.memory_space<hbm>>
      tpu.enqueue_dma source(%dma_start3A_94 : memref<2x128xi32, #tpu.memory_space<hbm>>) target(%arg7 : memref<2x128xi32, #tpu.memory_space<vmem>>) target_semaphore(%run_scoped3A : memref<!tpu.dma_semaphore, #tpu.memory_space<semaphore_mem>>)
      %dma_wait3A = arith.constant 0 : i32
      %dma_wait3A_95 = arith.constant 0 : i32
      %dma_wait3A_96 = tpu.memref_slice %arg3[%add3A, %dma_wait3A, %dma_wait3A_95] : memref<2500x2x128xi32, #tpu.memory_space<hbm>> -> memref<1x2x128xi32, #tpu.memory_space<hbm>>
      %dma_wait3A_97 = tpu.memref_squeeze %dma_wait3A_96 : memref<1x2x128xi32, #tpu.memory_space<hbm>> -> memref<2x128xi32, #tpu.memory_space<hbm>>
      %dma_wait3A_98 = arith.constant 0 : i32
      %dma_wait3A_99 = arith.constant 0 : i32
      %dma_wait3A_100 = tpu.memref_slice %arg3[%add3A, %dma_wait3A_98, %dma_wait3A_99] : memref<2500x2x128xi32, #tpu.memory_space<hbm>> -> memref<1x2x128xi32, #tpu.memory_space<hbm>>
      %dma_wait3A_101 = tpu.memref_squeeze %dma_wait3A_100 : memref<1x2x128xi32, #tpu.memory_space<hbm>> -> memref<2x128xi32, #tpu.memory_space<hbm>>
      tpu.wait_dma2 semaphore(%run_scoped3A : memref<!tpu.dma_semaphore, #tpu.memory_space<semaphore_mem>>) src(%dma_wait3A_101 : memref<2x128xi32, #tpu.memory_space<hbm>>) dst(%arg7 : memref<2x128xi32, #tpu.memory_space<vmem>>)
      tpu.yield
    }) : () -> ()
    "tpu.region"() ({
      %run_scoped3A = tpu.sem_alloc : memref<!tpu.dma_semaphore, #tpu.memory_space<semaphore_mem>>
      %dma_start3A_87 = arith.constant 0 : i32
      %dma_start3A_88 = tpu.memref_slice %arg13[%dma_start3A_87] : memref<144xf32, #tpu.memory_space<vmem>> -> memref<128xf32, #tpu.memory_space<vmem>>
      %dma_start3A_89 = arith.constant 0 : i32
      %dma_start3A_90 = tpu.memref_slice %arg4[%add3A, %dma_start3A_89] : memref<2500x128xf32, #tpu.memory_space<hbm>> -> memref<1x128xf32, #tpu.memory_space<hbm>>
      %dma_start3A_91 = tpu.memref_squeeze %dma_start3A_90 : memref<1x128xf32, #tpu.memory_space<hbm>> -> memref<128xf32, #tpu.memory_space<hbm>>
      %dma_start3A_92 = arith.constant 0 : i32
      %dma_start3A_93 = tpu.memref_slice %arg13[%dma_start3A_92] : memref<144xf32, #tpu.memory_space<vmem>> -> memref<128xf32, #tpu.memory_space<vmem>>
      %dma_start3A_94 = arith.constant 0 : i32
      %dma_start3A_95 = tpu.memref_slice %arg4[%add3A, %dma_start3A_94] : memref<2500x128xf32, #tpu.memory_space<hbm>> -> memref<1x128xf32, #tpu.memory_space<hbm>>
      %dma_start3A_96 = tpu.memref_squeeze %dma_start3A_95 : memref<1x128xf32, #tpu.memory_space<hbm>> -> memref<128xf32, #tpu.memory_space<hbm>>
      tpu.enqueue_dma source(%dma_start3A_96 : memref<128xf32, #tpu.memory_space<hbm>>) target(%dma_start3A_93 : memref<128xf32, #tpu.memory_space<vmem>>) target_semaphore(%run_scoped3A : memref<!tpu.dma_semaphore, #tpu.memory_space<semaphore_mem>>)
      %dma_wait3A = arith.constant 0 : i32
      %dma_wait3A_97 = tpu.memref_slice %arg13[%dma_wait3A] : memref<144xf32, #tpu.memory_space<vmem>> -> memref<128xf32, #tpu.memory_space<vmem>>
      %dma_wait3A_98 = arith.constant 0 : i32
      %dma_wait3A_99 = tpu.memref_slice %arg4[%add3A, %dma_wait3A_98] : memref<2500x128xf32, #tpu.memory_space<hbm>> -> memref<1x128xf32, #tpu.memory_space<hbm>>
      %dma_wait3A_100 = tpu.memref_squeeze %dma_wait3A_99 : memref<1x128xf32, #tpu.memory_space<hbm>> -> memref<128xf32, #tpu.memory_space<hbm>>
      %dma_wait3A_101 = arith.constant 0 : i32
      %dma_wait3A_102 = tpu.memref_slice %arg13[%dma_wait3A_101] : memref<144xf32, #tpu.memory_space<vmem>> -> memref<128xf32, #tpu.memory_space<vmem>>
      %dma_wait3A_103 = arith.constant 0 : i32
      %dma_wait3A_104 = tpu.memref_slice %arg4[%add3A, %dma_wait3A_103] : memref<2500x128xf32, #tpu.memory_space<hbm>> -> memref<1x128xf32, #tpu.memory_space<hbm>>
      %dma_wait3A_105 = tpu.memref_squeeze %dma_wait3A_104 : memref<1x128xf32, #tpu.memory_space<hbm>> -> memref<128xf32, #tpu.memory_space<hbm>>
      tpu.wait_dma2 semaphore(%run_scoped3A : memref<!tpu.dma_semaphore, #tpu.memory_space<semaphore_mem>>) src(%dma_wait3A_105 : memref<128xf32, #tpu.memory_space<hbm>>) dst(%dma_wait3A_102 : memref<128xf32, #tpu.memory_space<vmem>>)
      tpu.yield
    }) : () -> ()
    %dma_start3A = arith.constant 0 : i32
    %dma_start3A_24 = arith.constant 0 : i32
    %dma_start3A_25 = tpu.memref_slice %arg7[%dma_start3A, %dma_start3A_24] : memref<2x128xi32, #tpu.memory_space<vmem>> -> memref<1x128xi32, #tpu.memory_space<vmem>>
    %dma_start3A_26 = tpu.memref_squeeze %dma_start3A_25 : memref<1x128xi32, #tpu.memory_space<vmem>> -> memref<128xi32, #tpu.memory_space<vmem>>
    %dma_start3A_27 = arith.constant 0 : i32
    %dma_start3A_28 = arith.constant 0 : i32
    %dma_start3A_29 = tpu.memref_slice %arg2[%dma_start3A_27, %dma_start3A_28] : memref<10000x128xf32, #tpu.memory_space<hbm>> -> memref<10000x128xf32, #tpu.memory_space<hbm>>
    tpu.enqueue_indirect_dma source(%dma_start3A_29 : memref<10000x128xf32, #tpu.memory_space<hbm>>) target(%arg9 : memref<128x128xf32, #tpu.memory_space<vmem>>) offsets(%dma_start3A_26 : memref<128xi32, #tpu.memory_space<vmem>>) semaphore(%arg11 : memref<!tpu.dma_semaphore, #tpu.memory_space<semaphore_mem>>)
    %add3A_30 = arith.constant 1 : i32
    %add3A_31 = arith.addi %add3A, %add3A_30 : i32
    "tpu.region"() ({
      %run_scoped3A = tpu.sem_alloc : memref<!tpu.dma_semaphore, #tpu.memory_space<semaphore_mem>>
      %dma_start3A_87 = arith.constant 0 : i32
      %dma_start3A_88 = arith.constant 0 : i32
      %dma_start3A_89 = tpu.memref_slice %arg3[%add3A_31, %dma_start3A_87, %dma_start3A_88] : memref<2500x2x128xi32, #tpu.memory_space<hbm>> -> memref<1x2x128xi32, #tpu.memory_space<hbm>>
      %dma_start3A_90 = tpu.memref_squeeze %dma_start3A_89 : memref<1x2x128xi32, #tpu.memory_space<hbm>> -> memref<2x128xi32, #tpu.memory_space<hbm>>
      %dma_start3A_91 = arith.constant 0 : i32
      %dma_start3A_92 = arith.constant 0 : i32
      %dma_start3A_93 = tpu.memref_slice %arg3[%add3A_31, %dma_start3A_91, %dma_start3A_92] : memref<2500x2x128xi32, #tpu.memory_space<hbm>> -> memref<1x2x128xi32, #tpu.memory_space<hbm>>
      %dma_start3A_94 = tpu.memref_squeeze %dma_start3A_93 : memref<1x2x128xi32, #tpu.memory_space<hbm>> -> memref<2x128xi32, #tpu.memory_space<hbm>>
      tpu.enqueue_dma source(%dma_start3A_94 : memref<2x128xi32, #tpu.memory_space<hbm>>) target(%arg8 : memref<2x128xi32, #tpu.memory_space<vmem>>) target_semaphore(%run_scoped3A : memref<!tpu.dma_semaphore, #tpu.memory_space<semaphore_mem>>)
      %dma_wait3A = arith.constant 0 : i32
      %dma_wait3A_95 = arith.constant 0 : i32
      %dma_wait3A_96 = tpu.memref_slice %arg3[%add3A_31, %dma_wait3A, %dma_wait3A_95] : memref<2500x2x128xi32, #tpu.memory_space<hbm>> -> memref<1x2x128xi32, #tpu.memory_space<hbm>>
      %dma_wait3A_97 = tpu.memref_squeeze %dma_wait3A_96 : memref<1x2x128xi32, #tpu.memory_space<hbm>> -> memref<2x128xi32, #tpu.memory_space<hbm>>
      %dma_wait3A_98 = arith.constant 0 : i32
      %dma_wait3A_99 = arith.constant 0 : i32
      %dma_wait3A_100 = tpu.memref_slice %arg3[%add3A_31, %dma_wait3A_98, %dma_wait3A_99] : memref<2500x2x128xi32, #tpu.memory_space<hbm>> -> memref<1x2x128xi32, #tpu.memory_space<hbm>>
      %dma_wait3A_101 = tpu.memref_squeeze %dma_wait3A_100 : memref<1x2x128xi32, #tpu.memory_space<hbm>> -> memref<2x128xi32, #tpu.memory_space<hbm>>
      tpu.wait_dma2 semaphore(%run_scoped3A : memref<!tpu.dma_semaphore, #tpu.memory_space<semaphore_mem>>) src(%dma_wait3A_101 : memref<2x128xi32, #tpu.memory_space<hbm>>) dst(%arg8 : memref<2x128xi32, #tpu.memory_space<vmem>>)
      tpu.yield
    }) : () -> ()
    "tpu.region"() ({
      %run_scoped3A = tpu.sem_alloc : memref<!tpu.dma_semaphore, #tpu.memory_space<semaphore_mem>>
      %dma_start3A_87 = arith.constant 0 : i32
      %dma_start3A_88 = tpu.memref_slice %arg14[%dma_start3A_87] : memref<144xf32, #tpu.memory_space<vmem>> -> memref<128xf32, #tpu.memory_space<vmem>>
      %dma_start3A_89 = arith.constant 0 : i32
      %dma_start3A_90 = tpu.memref_slice %arg4[%add3A_31, %dma_start3A_89] : memref<2500x128xf32, #tpu.memory_space<hbm>> -> memref<1x128xf32, #tpu.memory_space<hbm>>
      %dma_start3A_91 = tpu.memref_squeeze %dma_start3A_90 : memref<1x128xf32, #tpu.memory_space<hbm>> -> memref<128xf32, #tpu.memory_space<hbm>>
      %dma_start3A_92 = arith.constant 0 : i32
      %dma_start3A_93 = tpu.memref_slice %arg14[%dma_start3A_92] : memref<144xf32, #tpu.memory_space<vmem>> -> memref<128xf32, #tpu.memory_space<vmem>>
      %dma_start3A_94 = arith.constant 0 : i32
      %dma_start3A_95 = tpu.memref_slice %arg4[%add3A_31, %dma_start3A_94] : memref<2500x128xf32, #tpu.memory_space<hbm>> -> memref<1x128xf32, #tpu.memory_space<hbm>>
      %dma_start3A_96 = tpu.memref_squeeze %dma_start3A_95 : memref<1x128xf32, #tpu.memory_space<hbm>> -> memref<128xf32, #tpu.memory_space<hbm>>
      tpu.enqueue_dma source(%dma_start3A_96 : memref<128xf32, #tpu.memory_space<hbm>>) target(%dma_start3A_93 : memref<128xf32, #tpu.memory_space<vmem>>) target_semaphore(%run_scoped3A : memref<!tpu.dma_semaphore, #tpu.memory_space<semaphore_mem>>)
      %dma_wait3A = arith.constant 0 : i32
      %dma_wait3A_97 = tpu.memref_slice %arg14[%dma_wait3A] : memref<144xf32, #tpu.memory_space<vmem>> -> memref<128xf32, #tpu.memory_space<vmem>>
      %dma_wait3A_98 = arith.constant 0 : i32
      %dma_wait3A_99 = tpu.memref_slice %arg4[%add3A_31, %dma_wait3A_98] : memref<2500x128xf32, #tpu.memory_space<hbm>> -> memref<1x128xf32, #tpu.memory_space<hbm>>
      %dma_wait3A_100 = tpu.memref_squeeze %dma_wait3A_99 : memref<1x128xf32, #tpu.memory_space<hbm>> -> memref<128xf32, #tpu.memory_space<hbm>>
      %dma_wait3A_101 = arith.constant 0 : i32
      %dma_wait3A_102 = tpu.memref_slice %arg14[%dma_wait3A_101] : memref<144xf32, #tpu.memory_space<vmem>> -> memref<128xf32, #tpu.memory_space<vmem>>
      %dma_wait3A_103 = arith.constant 0 : i32
      %dma_wait3A_104 = tpu.memref_slice %arg4[%add3A_31, %dma_wait3A_103] : memref<2500x128xf32, #tpu.memory_space<hbm>> -> memref<1x128xf32, #tpu.memory_space<hbm>>
      %dma_wait3A_105 = tpu.memref_squeeze %dma_wait3A_104 : memref<1x128xf32, #tpu.memory_space<hbm>> -> memref<128xf32, #tpu.memory_space<hbm>>
      tpu.wait_dma2 semaphore(%run_scoped3A : memref<!tpu.dma_semaphore, #tpu.memory_space<semaphore_mem>>) src(%dma_wait3A_105 : memref<128xf32, #tpu.memory_space<hbm>>) dst(%dma_wait3A_102 : memref<128xf32, #tpu.memory_space<vmem>>)
      tpu.yield
    }) : () -> ()
    %dma_start3A_32 = arith.constant 0 : i32
    %dma_start3A_33 = arith.constant 0 : i32
    %dma_start3A_34 = tpu.memref_slice %arg8[%dma_start3A_32, %dma_start3A_33] : memref<2x128xi32, #tpu.memory_space<vmem>> -> memref<1x128xi32, #tpu.memory_space<vmem>>
    %dma_start3A_35 = tpu.memref_squeeze %dma_start3A_34 : memref<1x128xi32, #tpu.memory_space<vmem>> -> memref<128xi32, #tpu.memory_space<vmem>>
    %dma_start3A_36 = arith.constant 0 : i32
    %dma_start3A_37 = arith.constant 0 : i32
    %dma_start3A_38 = tpu.memref_slice %arg2[%dma_start3A_36, %dma_start3A_37] : memref<10000x128xf32, #tpu.memory_space<hbm>> -> memref<10000x128xf32, #tpu.memory_space<hbm>>
    tpu.enqueue_indirect_dma source(%dma_start3A_38 : memref<10000x128xf32, #tpu.memory_space<hbm>>) target(%arg10 : memref<128x128xf32, #tpu.memory_space<vmem>>) offsets(%dma_start3A_35 : memref<128xi32, #tpu.memory_space<vmem>>) semaphore(%arg12 : memref<!tpu.dma_semaphore, #tpu.memory_space<semaphore_mem>>)
    %jit3A_39 = arith.constant 2 : i32
    %div3A = arith.divsi %select_n3A, %jit3A_39 : i32
    %sign3A = arith.constant 0 : i32
    %sign3A_40 = arith.cmpi sgt, %select_n3A, %sign3A : i32
    %sign3A_41 = arith.extui %sign3A_40 : i1 to i32
    %sign3A_42 = arith.constant 0 : i32
    %sign3A_43 = arith.cmpi slt, %select_n3A, %sign3A_42 : i32
    %sign3A_44 = arith.extui %sign3A_43 : i1 to i32
    %sign3A_45 = arith.subi %sign3A_41, %sign3A_44 : i32
    %sign3A_46 = arith.constant 0 : i32
    %sign3A_47 = arith.cmpi sgt, %jit3A_39, %sign3A_46 : i32
    %sign3A_48 = arith.extui %sign3A_47 : i1 to i32
    %sign3A_49 = arith.constant 0 : i32
    %sign3A_50 = arith.cmpi slt, %jit3A_39, %sign3A_49 : i32
    %sign3A_51 = arith.extui %sign3A_50 : i1 to i32
    %sign3A_52 = arith.subi %sign3A_48, %sign3A_51 : i32
    %ne3A = arith.cmpi ne, %sign3A_45, %sign3A_52 : i32
    %rem3A = arith.remsi %select_n3A, %jit3A_39 : i32
    %ne3A_53 = arith.constant 0 : i32
    %ne3A_54 = arith.cmpi ne, %rem3A, %ne3A_53 : i32
    %and3A = arith.andi %ne3A, %ne3A_54 : i1
    %sub3A = arith.constant 1 : i32
    %sub3A_55 = arith.subi %div3A, %sub3A : i32
    %select_n3A_56 = arith.select %and3A, %sub3A_55, %div3A : i32
    %while3A = arith.constant 0 : i32
    %while3A_57 = arith.constant 0 : i32
    %while3A_58 = arith.subi %select_n3A_56, %while3A_57 : i32
    %while3A_59 = arith.addi %while3A_57, %while3A_58 : i32
    %while3A_60 = arith.constant 1 : i32
    %while3A_61 = arith.divsi %while3A_58, %while3A_60 : i32
    %while3A_62 = arith.muli %while3A_61, %while3A_60 : i32
    %while3A_63 = arith.addi %while3A_57, %while3A_62 : i32
    %while3A_64 = arith.constant 1 : i32
    scf.for %while3A_87 = %while3A_57 to %while3A_63 step %while3A_64  : i32 {
      %dma_wait3A = arith.constant 0 : i32
      %dma_wait3A_88 = arith.constant 0 : i32
      %dma_wait3A_89 = tpu.memref_slice %arg7[%dma_wait3A, %dma_wait3A_88] : memref<2x128xi32, #tpu.memory_space<vmem>> -> memref<1x128xi32, #tpu.memory_space<vmem>>
      %dma_wait3A_90 = tpu.memref_squeeze %dma_wait3A_89 : memref<1x128xi32, #tpu.memory_space<vmem>> -> memref<128xi32, #tpu.memory_space<vmem>>
      %dma_wait3A_91 = arith.constant 0 : i32
      %dma_wait3A_92 = arith.constant 0 : i32
      %dma_wait3A_93 = tpu.memref_slice %arg2[%dma_wait3A_91, %dma_wait3A_92] : memref<10000x128xf32, #tpu.memory_space<hbm>> -> memref<10000x128xf32, #tpu.memory_space<hbm>>
      tpu.wait_indirect_dma semaphore(%arg11 : memref<!tpu.dma_semaphore, #tpu.memory_space<semaphore_mem>>) src(%dma_wait3A_93 : memref<10000x128xf32, #tpu.memory_space<hbm>>) dst(%arg9 : memref<128x128xf32, #tpu.memory_space<vmem>>)
      %run_scoped3A = arith.constant 1 : i32
      "tpu.region"() ({
        %run_scoped3A_112 = tpu.sem_alloc : memref<!tpu.dma_semaphore, #tpu.memory_space<semaphore_mem>>
        %dma_start3A_113 = arith.constant 0 : i32
        %dma_start3A_114 = tpu.memref_slice %arg7[%run_scoped3A, %dma_start3A_113] : memref<2x128xi32, #tpu.memory_space<vmem>> -> memref<1x128xi32, #tpu.memory_space<vmem>>
        %dma_start3A_115 = tpu.memref_squeeze %dma_start3A_114 : memref<1x128xi32, #tpu.memory_space<vmem>> -> memref<128xi32, #tpu.memory_space<vmem>>
        %dma_start3A_116 = arith.constant 0 : i32
        %dma_start3A_117 = arith.constant 0 : i32
        %dma_start3A_118 = tpu.memref_slice %arg6[%dma_start3A_116, %dma_start3A_117] : memref<10240x128xf32, #tpu.memory_space<vmem_shared>> -> memref<10240x128xf32, #tpu.memory_space<vmem_shared>>
        tpu.enqueue_indirect_dma source(%arg9 : memref<128x128xf32, #tpu.memory_space<vmem>>) target(%dma_start3A_118 : memref<10240x128xf32, #tpu.memory_space<vmem_shared>>) offsets(%dma_start3A_115 : memref<128xi32, #tpu.memory_space<vmem>>) semaphore(%run_scoped3A_112 : memref<!tpu.dma_semaphore, #tpu.memory_space<semaphore_mem>>) {add = true}
        %dma_wait3A_119 = arith.constant 0 : i32
        %dma_wait3A_120 = tpu.memref_slice %arg7[%run_scoped3A, %dma_wait3A_119] : memref<2x128xi32, #tpu.memory_space<vmem>> -> memref<1x128xi32, #tpu.memory_space<vmem>>
        %dma_wait3A_121 = tpu.memref_squeeze %dma_wait3A_120 : memref<1x128xi32, #tpu.memory_space<vmem>> -> memref<128xi32, #tpu.memory_space<vmem>>
        %dma_wait3A_122 = arith.constant 0 : i32
        %dma_wait3A_123 = arith.constant 0 : i32
        %dma_wait3A_124 = tpu.memref_slice %arg6[%dma_wait3A_122, %dma_wait3A_123] : memref<10240x128xf32, #tpu.memory_space<vmem_shared>> -> memref<10240x128xf32, #tpu.memory_space<vmem_shared>>
        tpu.wait_indirect_dma semaphore(%run_scoped3A_112 : memref<!tpu.dma_semaphore, #tpu.memory_space<semaphore_mem>>) src(%arg9 : memref<128x128xf32, #tpu.memory_space<vmem>>) dst(%dma_wait3A_124 : memref<10240x128xf32, #tpu.memory_space<vmem_shared>>)
        tpu.yield
      }) : () -> ()
      %sub3A_94 = arith.constant 1 : i32
      %sub3A_95 = arith.subi %select_n3A_56, %sub3A_94 : i32
      %lt3A_96 = arith.cmpi slt, %while3A_87, %sub3A_95 : i32
      %convert_element_type3A = arith.extui %lt3A_96 : i1 to i32
      %cond3A = arith.constant 0 : i32
      %cond3A_97 = arith.cmpi ne, %convert_element_type3A, %cond3A : i32
      scf.if %cond3A_97 {
        %mul3A_112 = arith.constant 2 : i32
        %mul3A_113 = arith.muli %mul3A_112, %while3A_87 : i32
        %add3A_114 = arith.addi %add3A, %mul3A_113 : i32
        %add3A_115 = arith.constant 2 : i32
        %add3A_116 = arith.addi %add3A_114, %add3A_115 : i32
        "tpu.region"() ({
          %run_scoped3A_124 = tpu.sem_alloc : memref<!tpu.dma_semaphore, #tpu.memory_space<semaphore_mem>>
          %dma_start3A_125 = arith.constant 0 : i32
          %dma_start3A_126 = arith.constant 0 : i32
          %dma_start3A_127 = tpu.memref_slice %arg3[%add3A_116, %dma_start3A_125, %dma_start3A_126] : memref<2500x2x128xi32, #tpu.memory_space<hbm>> -> memref<1x2x128xi32, #tpu.memory_space<hbm>>
          %dma_start3A_128 = tpu.memref_squeeze %dma_start3A_127 : memref<1x2x128xi32, #tpu.memory_space<hbm>> -> memref<2x128xi32, #tpu.memory_space<hbm>>
          %dma_start3A_129 = arith.constant 0 : i32
          %dma_start3A_130 = arith.constant 0 : i32
          %dma_start3A_131 = tpu.memref_slice %arg3[%add3A_116, %dma_start3A_129, %dma_start3A_130] : memref<2500x2x128xi32, #tpu.memory_space<hbm>> -> memref<1x2x128xi32, #tpu.memory_space<hbm>>
          %dma_start3A_132 = tpu.memref_squeeze %dma_start3A_131 : memref<1x2x128xi32, #tpu.memory_space<hbm>> -> memref<2x128xi32, #tpu.memory_space<hbm>>
          tpu.enqueue_dma source(%dma_start3A_132 : memref<2x128xi32, #tpu.memory_space<hbm>>) target(%arg7 : memref<2x128xi32, #tpu.memory_space<vmem>>) target_semaphore(%run_scoped3A_124 : memref<!tpu.dma_semaphore, #tpu.memory_space<semaphore_mem>>)
          %dma_wait3A_133 = arith.constant 0 : i32
          %dma_wait3A_134 = arith.constant 0 : i32
          %dma_wait3A_135 = tpu.memref_slice %arg3[%add3A_116, %dma_wait3A_133, %dma_wait3A_134] : memref<2500x2x128xi32, #tpu.memory_space<hbm>> -> memref<1x2x128xi32, #tpu.memory_space<hbm>>
          %dma_wait3A_136 = tpu.memref_squeeze %dma_wait3A_135 : memref<1x2x128xi32, #tpu.memory_space<hbm>> -> memref<2x128xi32, #tpu.memory_space<hbm>>
          %dma_wait3A_137 = arith.constant 0 : i32
          %dma_wait3A_138 = arith.constant 0 : i32
          %dma_wait3A_139 = tpu.memref_slice %arg3[%add3A_116, %dma_wait3A_137, %dma_wait3A_138] : memref<2500x2x128xi32, #tpu.memory_space<hbm>> -> memref<1x2x128xi32, #tpu.memory_space<hbm>>
          %dma_wait3A_140 = tpu.memref_squeeze %dma_wait3A_139 : memref<1x2x128xi32, #tpu.memory_space<hbm>> -> memref<2x128xi32, #tpu.memory_space<hbm>>
          tpu.wait_dma2 semaphore(%run_scoped3A_124 : memref<!tpu.dma_semaphore, #tpu.memory_space<semaphore_mem>>) src(%dma_wait3A_140 : memref<2x128xi32, #tpu.memory_space<hbm>>) dst(%arg7 : memref<2x128xi32, #tpu.memory_space<vmem>>)
          tpu.yield
        }) : () -> ()
        "tpu.region"() ({
          %run_scoped3A_124 = tpu.sem_alloc : memref<!tpu.dma_semaphore, #tpu.memory_space<semaphore_mem>>
          %dma_start3A_125 = arith.constant 0 : i32
          %dma_start3A_126 = tpu.memref_slice %arg13[%dma_start3A_125] : memref<144xf32, #tpu.memory_space<vmem>> -> memref<128xf32, #tpu.memory_space<vmem>>
          %dma_start3A_127 = arith.constant 0 : i32
          %dma_start3A_128 = tpu.memref_slice %arg4[%add3A_116, %dma_start3A_127] : memref<2500x128xf32, #tpu.memory_space<hbm>> -> memref<1x128xf32, #tpu.memory_space<hbm>>
          %dma_start3A_129 = tpu.memref_squeeze %dma_start3A_128 : memref<1x128xf32, #tpu.memory_space<hbm>> -> memref<128xf32, #tpu.memory_space<hbm>>
          %dma_start3A_130 = arith.constant 0 : i32
          %dma_start3A_131 = tpu.memref_slice %arg13[%dma_start3A_130] : memref<144xf32, #tpu.memory_space<vmem>> -> memref<128xf32, #tpu.memory_space<vmem>>
          %dma_start3A_132 = arith.constant 0 : i32
          %dma_start3A_133 = tpu.memref_slice %arg4[%add3A_116, %dma_start3A_132] : memref<2500x128xf32, #tpu.memory_space<hbm>> -> memref<1x128xf32, #tpu.memory_space<hbm>>
          %dma_start3A_134 = tpu.memref_squeeze %dma_start3A_133 : memref<1x128xf32, #tpu.memory_space<hbm>> -> memref<128xf32, #tpu.memory_space<hbm>>
          tpu.enqueue_dma source(%dma_start3A_134 : memref<128xf32, #tpu.memory_space<hbm>>) target(%dma_start3A_131 : memref<128xf32, #tpu.memory_space<vmem>>) target_semaphore(%run_scoped3A_124 : memref<!tpu.dma_semaphore, #tpu.memory_space<semaphore_mem>>)
          %dma_wait3A_135 = arith.constant 0 : i32
          %dma_wait3A_136 = tpu.memref_slice %arg13[%dma_wait3A_135] : memref<144xf32, #tpu.memory_space<vmem>> -> memref<128xf32, #tpu.memory_space<vmem>>
          %dma_wait3A_137 = arith.constant 0 : i32
          %dma_wait3A_138 = tpu.memref_slice %arg4[%add3A_116, %dma_wait3A_137] : memref<2500x128xf32, #tpu.memory_space<hbm>> -> memref<1x128xf32, #tpu.memory_space<hbm>>
          %dma_wait3A_139 = tpu.memref_squeeze %dma_wait3A_138 : memref<1x128xf32, #tpu.memory_space<hbm>> -> memref<128xf32, #tpu.memory_space<hbm>>
          %dma_wait3A_140 = arith.constant 0 : i32
          %dma_wait3A_141 = tpu.memref_slice %arg13[%dma_wait3A_140] : memref<144xf32, #tpu.memory_space<vmem>> -> memref<128xf32, #tpu.memory_space<vmem>>
          %dma_wait3A_142 = arith.constant 0 : i32
          %dma_wait3A_143 = tpu.memref_slice %arg4[%add3A_116, %dma_wait3A_142] : memref<2500x128xf32, #tpu.memory_space<hbm>> -> memref<1x128xf32, #tpu.memory_space<hbm>>
          %dma_wait3A_144 = tpu.memref_squeeze %dma_wait3A_143 : memref<1x128xf32, #tpu.memory_space<hbm>> -> memref<128xf32, #tpu.memory_space<hbm>>
          tpu.wait_dma2 semaphore(%run_scoped3A_124 : memref<!tpu.dma_semaphore, #tpu.memory_space<semaphore_mem>>) src(%dma_wait3A_144 : memref<128xf32, #tpu.memory_space<hbm>>) dst(%dma_wait3A_141 : memref<128xf32, #tpu.memory_space<vmem>>)
          tpu.yield
        }) : () -> ()
        %dma_start3A_117 = arith.constant 0 : i32
        %dma_start3A_118 = arith.constant 0 : i32
        %dma_start3A_119 = tpu.memref_slice %arg7[%dma_start3A_117, %dma_start3A_118] : memref<2x128xi32, #tpu.memory_space<vmem>> -> memref<1x128xi32, #tpu.memory_space<vmem>>
        %dma_start3A_120 = tpu.memref_squeeze %dma_start3A_119 : memref<1x128xi32, #tpu.memory_space<vmem>> -> memref<128xi32, #tpu.memory_space<vmem>>
        %dma_start3A_121 = arith.constant 0 : i32
        %dma_start3A_122 = arith.constant 0 : i32
        %dma_start3A_123 = tpu.memref_slice %arg2[%dma_start3A_121, %dma_start3A_122] : memref<10000x128xf32, #tpu.memory_space<hbm>> -> memref<10000x128xf32, #tpu.memory_space<hbm>>
        tpu.enqueue_indirect_dma source(%dma_start3A_123 : memref<10000x128xf32, #tpu.memory_space<hbm>>) target(%arg9 : memref<128x128xf32, #tpu.memory_space<vmem>>) offsets(%dma_start3A_120 : memref<128xi32, #tpu.memory_space<vmem>>) semaphore(%arg11 : memref<!tpu.dma_semaphore, #tpu.memory_space<semaphore_mem>>)
      } else {
      }
      %dma_wait3A_98 = arith.constant 0 : i32
      %dma_wait3A_99 = arith.constant 0 : i32
      %dma_wait3A_100 = tpu.memref_slice %arg8[%dma_wait3A_98, %dma_wait3A_99] : memref<2x128xi32, #tpu.memory_space<vmem>> -> memref<1x128xi32, #tpu.memory_space<vmem>>
      %dma_wait3A_101 = tpu.memref_squeeze %dma_wait3A_100 : memref<1x128xi32, #tpu.memory_space<vmem>> -> memref<128xi32, #tpu.memory_space<vmem>>
      %dma_wait3A_102 = arith.constant 0 : i32
      %dma_wait3A_103 = arith.constant 0 : i32
      %dma_wait3A_104 = tpu.memref_slice %arg2[%dma_wait3A_102, %dma_wait3A_103] : memref<10000x128xf32, #tpu.memory_space<hbm>> -> memref<10000x128xf32, #tpu.memory_space<hbm>>
      tpu.wait_indirect_dma semaphore(%arg12 : memref<!tpu.dma_semaphore, #tpu.memory_space<semaphore_mem>>) src(%dma_wait3A_104 : memref<10000x128xf32, #tpu.memory_space<hbm>>) dst(%arg10 : memref<128x128xf32, #tpu.memory_space<vmem>>)
      %run_scoped3A_105 = arith.constant 1 : i32
      "tpu.region"() ({
        %run_scoped3A_112 = tpu.sem_alloc : memref<!tpu.dma_semaphore, #tpu.memory_space<semaphore_mem>>
        %dma_start3A_113 = arith.constant 0 : i32
        %dma_start3A_114 = tpu.memref_slice %arg8[%run_scoped3A_105, %dma_start3A_113] : memref<2x128xi32, #tpu.memory_space<vmem>> -> memref<1x128xi32, #tpu.memory_space<vmem>>
        %dma_start3A_115 = tpu.memref_squeeze %dma_start3A_114 : memref<1x128xi32, #tpu.memory_space<vmem>> -> memref<128xi32, #tpu.memory_space<vmem>>
        %dma_start3A_116 = arith.constant 0 : i32
        %dma_start3A_117 = arith.constant 0 : i32
        %dma_start3A_118 = tpu.memref_slice %arg6[%dma_start3A_116, %dma_start3A_117] : memref<10240x128xf32, #tpu.memory_space<vmem_shared>> -> memref<10240x128xf32, #tpu.memory_space<vmem_shared>>
        tpu.enqueue_indirect_dma source(%arg10 : memref<128x128xf32, #tpu.memory_space<vmem>>) target(%dma_start3A_118 : memref<10240x128xf32, #tpu.memory_space<vmem_shared>>) offsets(%dma_start3A_115 : memref<128xi32, #tpu.memory_space<vmem>>) semaphore(%run_scoped3A_112 : memref<!tpu.dma_semaphore, #tpu.memory_space<semaphore_mem>>) {add = true}
        %dma_wait3A_119 = arith.constant 0 : i32
        %dma_wait3A_120 = tpu.memref_slice %arg8[%run_scoped3A_105, %dma_wait3A_119] : memref<2x128xi32, #tpu.memory_space<vmem>> -> memref<1x128xi32, #tpu.memory_space<vmem>>
        %dma_wait3A_121 = tpu.memref_squeeze %dma_wait3A_120 : memref<1x128xi32, #tpu.memory_space<vmem>> -> memref<128xi32, #tpu.memory_space<vmem>>
        %dma_wait3A_122 = arith.constant 0 : i32
        %dma_wait3A_123 = arith.constant 0 : i32
        %dma_wait3A_124 = tpu.memref_slice %arg6[%dma_wait3A_122, %dma_wait3A_123] : memref<10240x128xf32, #tpu.memory_space<vmem_shared>> -> memref<10240x128xf32, #tpu.memory_space<vmem_shared>>
        tpu.wait_indirect_dma semaphore(%run_scoped3A_112 : memref<!tpu.dma_semaphore, #tpu.memory_space<semaphore_mem>>) src(%arg10 : memref<128x128xf32, #tpu.memory_space<vmem>>) dst(%dma_wait3A_124 : memref<10240x128xf32, #tpu.memory_space<vmem_shared>>)
        tpu.yield
      }) : () -> ()
      %sub3A_106 = arith.constant 1 : i32
      %sub3A_107 = arith.subi %select_n3A_56, %sub3A_106 : i32
      %lt3A_108 = arith.cmpi slt, %while3A_87, %sub3A_107 : i32
      %convert_element_type3A_109 = arith.extui %lt3A_108 : i1 to i32
      %cond3A_110 = arith.constant 0 : i32
      %cond3A_111 = arith.cmpi ne, %convert_element_type3A_109, %cond3A_110 : i32
      scf.if %cond3A_111 {
        %mul3A_112 = arith.constant 2 : i32
        %mul3A_113 = arith.muli %mul3A_112, %while3A_87 : i32
        %add3A_114 = arith.addi %add3A, %mul3A_113 : i32
        %add3A_115 = arith.constant 3 : i32
        %add3A_116 = arith.addi %add3A_114, %add3A_115 : i32
        "tpu.region"() ({
          %run_scoped3A_124 = tpu.sem_alloc : memref<!tpu.dma_semaphore, #tpu.memory_space<semaphore_mem>>
          %dma_start3A_125 = arith.constant 0 : i32
          %dma_start3A_126 = arith.constant 0 : i32
          %dma_start3A_127 = tpu.memref_slice %arg3[%add3A_116, %dma_start3A_125, %dma_start3A_126] : memref<2500x2x128xi32, #tpu.memory_space<hbm>> -> memref<1x2x128xi32, #tpu.memory_space<hbm>>
          %dma_start3A_128 = tpu.memref_squeeze %dma_start3A_127 : memref<1x2x128xi32, #tpu.memory_space<hbm>> -> memref<2x128xi32, #tpu.memory_space<hbm>>
          %dma_start3A_129 = arith.constant 0 : i32
          %dma_start3A_130 = arith.constant 0 : i32
          %dma_start3A_131 = tpu.memref_slice %arg3[%add3A_116, %dma_start3A_129, %dma_start3A_130] : memref<2500x2x128xi32, #tpu.memory_space<hbm>> -> memref<1x2x128xi32, #tpu.memory_space<hbm>>
          %dma_start3A_132 = tpu.memref_squeeze %dma_start3A_131 : memref<1x2x128xi32, #tpu.memory_space<hbm>> -> memref<2x128xi32, #tpu.memory_space<hbm>>
          tpu.enqueue_dma source(%dma_start3A_132 : memref<2x128xi32, #tpu.memory_space<hbm>>) target(%arg8 : memref<2x128xi32, #tpu.memory_space<vmem>>) target_semaphore(%run_scoped3A_124 : memref<!tpu.dma_semaphore, #tpu.memory_space<semaphore_mem>>)
          %dma_wait3A_133 = arith.constant 0 : i32
          %dma_wait3A_134 = arith.constant 0 : i32
          %dma_wait3A_135 = tpu.memref_slice %arg3[%add3A_116, %dma_wait3A_133, %dma_wait3A_134] : memref<2500x2x128xi32, #tpu.memory_space<hbm>> -> memref<1x2x128xi32, #tpu.memory_space<hbm>>
          %dma_wait3A_136 = tpu.memref_squeeze %dma_wait3A_135 : memref<1x2x128xi32, #tpu.memory_space<hbm>> -> memref<2x128xi32, #tpu.memory_space<hbm>>
          %dma_wait3A_137 = arith.constant 0 : i32
          %dma_wait3A_138 = arith.constant 0 : i32
          %dma_wait3A_139 = tpu.memref_slice %arg3[%add3A_116, %dma_wait3A_137, %dma_wait3A_138] : memref<2500x2x128xi32, #tpu.memory_space<hbm>> -> memref<1x2x128xi32, #tpu.memory_space<hbm>>
          %dma_wait3A_140 = tpu.memref_squeeze %dma_wait3A_139 : memref<1x2x128xi32, #tpu.memory_space<hbm>> -> memref<2x128xi32, #tpu.memory_space<hbm>>
          tpu.wait_dma2 semaphore(%run_scoped3A_124 : memref<!tpu.dma_semaphore, #tpu.memory_space<semaphore_mem>>) src(%dma_wait3A_140 : memref<2x128xi32, #tpu.memory_space<hbm>>) dst(%arg8 : memref<2x128xi32, #tpu.memory_space<vmem>>)
          tpu.yield
        }) : () -> ()
        "tpu.region"() ({
          %run_scoped3A_124 = tpu.sem_alloc : memref<!tpu.dma_semaphore, #tpu.memory_space<semaphore_mem>>
          %dma_start3A_125 = arith.constant 0 : i32
          %dma_start3A_126 = tpu.memref_slice %arg14[%dma_start3A_125] : memref<144xf32, #tpu.memory_space<vmem>> -> memref<128xf32, #tpu.memory_space<vmem>>
          %dma_start3A_127 = arith.constant 0 : i32
          %dma_start3A_128 = tpu.memref_slice %arg4[%add3A_116, %dma_start3A_127] : memref<2500x128xf32, #tpu.memory_space<hbm>> -> memref<1x128xf32, #tpu.memory_space<hbm>>
          %dma_start3A_129 = tpu.memref_squeeze %dma_start3A_128 : memref<1x128xf32, #tpu.memory_space<hbm>> -> memref<128xf32, #tpu.memory_space<hbm>>
          %dma_start3A_130 = arith.constant 0 : i32
          %dma_start3A_131 = tpu.memref_slice %arg14[%dma_start3A_130] : memref<144xf32, #tpu.memory_space<vmem>> -> memref<128xf32, #tpu.memory_space<vmem>>
          %dma_start3A_132 = arith.constant 0 : i32
          %dma_start3A_133 = tpu.memref_slice %arg4[%add3A_116, %dma_start3A_132] : memref<2500x128xf32, #tpu.memory_space<hbm>> -> memref<1x128xf32, #tpu.memory_space<hbm>>
          %dma_start3A_134 = tpu.memref_squeeze %dma_start3A_133 : memref<1x128xf32, #tpu.memory_space<hbm>> -> memref<128xf32, #tpu.memory_space<hbm>>
          tpu.enqueue_dma source(%dma_start3A_134 : memref<128xf32, #tpu.memory_space<hbm>>) target(%dma_start3A_131 : memref<128xf32, #tpu.memory_space<vmem>>) target_semaphore(%run_scoped3A_124 : memref<!tpu.dma_semaphore, #tpu.memory_space<semaphore_mem>>)
          %dma_wait3A_135 = arith.constant 0 : i32
          %dma_wait3A_136 = tpu.memref_slice %arg14[%dma_wait3A_135] : memref<144xf32, #tpu.memory_space<vmem>> -> memref<128xf32, #tpu.memory_space<vmem>>
          %dma_wait3A_137 = arith.constant 0 : i32
          %dma_wait3A_138 = tpu.memref_slice %arg4[%add3A_116, %dma_wait3A_137] : memref<2500x128xf32, #tpu.memory_space<hbm>> -> memref<1x128xf32, #tpu.memory_space<hbm>>
          %dma_wait3A_139 = tpu.memref_squeeze %dma_wait3A_138 : memref<1x128xf32, #tpu.memory_space<hbm>> -> memref<128xf32, #tpu.memory_space<hbm>>
          %dma_wait3A_140 = arith.constant 0 : i32
          %dma_wait3A_141 = tpu.memref_slice %arg14[%dma_wait3A_140] : memref<144xf32, #tpu.memory_space<vmem>> -> memref<128xf32, #tpu.memory_space<vmem>>
          %dma_wait3A_142 = arith.constant 0 : i32
          %dma_wait3A_143 = tpu.memref_slice %arg4[%add3A_116, %dma_wait3A_142] : memref<2500x128xf32, #tpu.memory_space<hbm>> -> memref<1x128xf32, #tpu.memory_space<hbm>>
          %dma_wait3A_144 = tpu.memref_squeeze %dma_wait3A_143 : memref<1x128xf32, #tpu.memory_space<hbm>> -> memref<128xf32, #tpu.memory_space<hbm>>
          tpu.wait_dma2 semaphore(%run_scoped3A_124 : memref<!tpu.dma_semaphore, #tpu.memory_space<semaphore_mem>>) src(%dma_wait3A_144 : memref<128xf32, #tpu.memory_space<hbm>>) dst(%dma_wait3A_141 : memref<128xf32, #tpu.memory_space<vmem>>)
          tpu.yield
        }) : () -> ()
        %dma_start3A_117 = arith.constant 0 : i32
        %dma_start3A_118 = arith.constant 0 : i32
        %dma_start3A_119 = tpu.memref_slice %arg8[%dma_start3A_117, %dma_start3A_118] : memref<2x128xi32, #tpu.memory_space<vmem>> -> memref<1x128xi32, #tpu.memory_space<vmem>>
        %dma_start3A_120 = tpu.memref_squeeze %dma_start3A_119 : memref<1x128xi32, #tpu.memory_space<vmem>> -> memref<128xi32, #tpu.memory_space<vmem>>
        %dma_start3A_121 = arith.constant 0 : i32
        %dma_start3A_122 = arith.constant 0 : i32
        %dma_start3A_123 = tpu.memref_slice %arg2[%dma_start3A_121, %dma_start3A_122] : memref<10000x128xf32, #tpu.memory_space<hbm>> -> memref<10000x128xf32, #tpu.memory_space<hbm>>
        tpu.enqueue_indirect_dma source(%dma_start3A_123 : memref<10000x128xf32, #tpu.memory_space<hbm>>) target(%arg10 : memref<128x128xf32, #tpu.memory_space<vmem>>) offsets(%dma_start3A_120 : memref<128xi32, #tpu.memory_space<vmem>>) semaphore(%arg12 : memref<!tpu.dma_semaphore, #tpu.memory_space<semaphore_mem>>)
      } else {
      }
    }
    %while3A_65 = arith.constant 1 : i32
    scf.for %while3A_87 = %while3A_63 to %while3A_59 step %while3A_65  : i32 {
      %dma_wait3A = arith.constant 0 : i32
      %dma_wait3A_88 = arith.constant 0 : i32
      %dma_wait3A_89 = tpu.memref_slice %arg7[%dma_wait3A, %dma_wait3A_88] : memref<2x128xi32, #tpu.memory_space<vmem>> -> memref<1x128xi32, #tpu.memory_space<vmem>>
      %dma_wait3A_90 = tpu.memref_squeeze %dma_wait3A_89 : memref<1x128xi32, #tpu.memory_space<vmem>> -> memref<128xi32, #tpu.memory_space<vmem>>
      %dma_wait3A_91 = arith.constant 0 : i32
      %dma_wait3A_92 = arith.constant 0 : i32
      %dma_wait3A_93 = tpu.memref_slice %arg2[%dma_wait3A_91, %dma_wait3A_92] : memref<10000x128xf32, #tpu.memory_space<hbm>> -> memref<10000x128xf32, #tpu.memory_space<hbm>>
      tpu.wait_indirect_dma semaphore(%arg11 : memref<!tpu.dma_semaphore, #tpu.memory_space<semaphore_mem>>) src(%dma_wait3A_93 : memref<10000x128xf32, #tpu.memory_space<hbm>>) dst(%arg9 : memref<128x128xf32, #tpu.memory_space<vmem>>)
      %run_scoped3A = arith.constant 1 : i32
      "tpu.region"() ({
        %run_scoped3A_112 = tpu.sem_alloc : memref<!tpu.dma_semaphore, #tpu.memory_space<semaphore_mem>>
        %dma_start3A_113 = arith.constant 0 : i32
        %dma_start3A_114 = tpu.memref_slice %arg7[%run_scoped3A, %dma_start3A_113] : memref<2x128xi32, #tpu.memory_space<vmem>> -> memref<1x128xi32, #tpu.memory_space<vmem>>
        %dma_start3A_115 = tpu.memref_squeeze %dma_start3A_114 : memref<1x128xi32, #tpu.memory_space<vmem>> -> memref<128xi32, #tpu.memory_space<vmem>>
        %dma_start3A_116 = arith.constant 0 : i32
        %dma_start3A_117 = arith.constant 0 : i32
        %dma_start3A_118 = tpu.memref_slice %arg6[%dma_start3A_116, %dma_start3A_117] : memref<10240x128xf32, #tpu.memory_space<vmem_shared>> -> memref<10240x128xf32, #tpu.memory_space<vmem_shared>>
        tpu.enqueue_indirect_dma source(%arg9 : memref<128x128xf32, #tpu.memory_space<vmem>>) target(%dma_start3A_118 : memref<10240x128xf32, #tpu.memory_space<vmem_shared>>) offsets(%dma_start3A_115 : memref<128xi32, #tpu.memory_space<vmem>>) semaphore(%run_scoped3A_112 : memref<!tpu.dma_semaphore, #tpu.memory_space<semaphore_mem>>) {add = true}
        %dma_wait3A_119 = arith.constant 0 : i32
        %dma_wait3A_120 = tpu.memref_slice %arg7[%run_scoped3A, %dma_wait3A_119] : memref<2x128xi32, #tpu.memory_space<vmem>> -> memref<1x128xi32, #tpu.memory_space<vmem>>
        %dma_wait3A_121 = tpu.memref_squeeze %dma_wait3A_120 : memref<1x128xi32, #tpu.memory_space<vmem>> -> memref<128xi32, #tpu.memory_space<vmem>>
        %dma_wait3A_122 = arith.constant 0 : i32
        %dma_wait3A_123 = arith.constant 0 : i32
        %dma_wait3A_124 = tpu.memref_slice %arg6[%dma_wait3A_122, %dma_wait3A_123] : memref<10240x128xf32, #tpu.memory_space<vmem_shared>> -> memref<10240x128xf32, #tpu.memory_space<vmem_shared>>
        tpu.wait_indirect_dma semaphore(%run_scoped3A_112 : memref<!tpu.dma_semaphore, #tpu.memory_space<semaphore_mem>>) src(%arg9 : memref<128x128xf32, #tpu.memory_space<vmem>>) dst(%dma_wait3A_124 : memref<10240x128xf32, #tpu.memory_space<vmem_shared>>)
        tpu.yield
      }) : () -> ()
      %sub3A_94 = arith.constant 1 : i32
      %sub3A_95 = arith.subi %select_n3A_56, %sub3A_94 : i32
      %lt3A_96 = arith.cmpi slt, %while3A_87, %sub3A_95 : i32
      %convert_element_type3A = arith.extui %lt3A_96 : i1 to i32
      %cond3A = arith.constant 0 : i32
      %cond3A_97 = arith.cmpi ne, %convert_element_type3A, %cond3A : i32
      scf.if %cond3A_97 {
        %mul3A_112 = arith.constant 2 : i32
        %mul3A_113 = arith.muli %mul3A_112, %while3A_87 : i32
        %add3A_114 = arith.addi %add3A, %mul3A_113 : i32
        %add3A_115 = arith.constant 2 : i32
        %add3A_116 = arith.addi %add3A_114, %add3A_115 : i32
        "tpu.region"() ({
          %run_scoped3A_124 = tpu.sem_alloc : memref<!tpu.dma_semaphore, #tpu.memory_space<semaphore_mem>>
          %dma_start3A_125 = arith.constant 0 : i32
          %dma_start3A_126 = arith.constant 0 : i32
          %dma_start3A_127 = tpu.memref_slice %arg3[%add3A_116, %dma_start3A_125, %dma_start3A_126] : memref<2500x2x128xi32, #tpu.memory_space<hbm>> -> memref<1x2x128xi32, #tpu.memory_space<hbm>>
          %dma_start3A_128 = tpu.memref_squeeze %dma_start3A_127 : memref<1x2x128xi32, #tpu.memory_space<hbm>> -> memref<2x128xi32, #tpu.memory_space<hbm>>
          %dma_start3A_129 = arith.constant 0 : i32
          %dma_start3A_130 = arith.constant 0 : i32
          %dma_start3A_131 = tpu.memref_slice %arg3[%add3A_116, %dma_start3A_129, %dma_start3A_130] : memref<2500x2x128xi32, #tpu.memory_space<hbm>> -> memref<1x2x128xi32, #tpu.memory_space<hbm>>
          %dma_start3A_132 = tpu.memref_squeeze %dma_start3A_131 : memref<1x2x128xi32, #tpu.memory_space<hbm>> -> memref<2x128xi32, #tpu.memory_space<hbm>>
          tpu.enqueue_dma source(%dma_start3A_132 : memref<2x128xi32, #tpu.memory_space<hbm>>) target(%arg7 : memref<2x128xi32, #tpu.memory_space<vmem>>) target_semaphore(%run_scoped3A_124 : memref<!tpu.dma_semaphore, #tpu.memory_space<semaphore_mem>>)
          %dma_wait3A_133 = arith.constant 0 : i32
          %dma_wait3A_134 = arith.constant 0 : i32
          %dma_wait3A_135 = tpu.memref_slice %arg3[%add3A_116, %dma_wait3A_133, %dma_wait3A_134] : memref<2500x2x128xi32, #tpu.memory_space<hbm>> -> memref<1x2x128xi32, #tpu.memory_space<hbm>>
          %dma_wait3A_136 = tpu.memref_squeeze %dma_wait3A_135 : memref<1x2x128xi32, #tpu.memory_space<hbm>> -> memref<2x128xi32, #tpu.memory_space<hbm>>
          %dma_wait3A_137 = arith.constant 0 : i32
          %dma_wait3A_138 = arith.constant 0 : i32
          %dma_wait3A_139 = tpu.memref_slice %arg3[%add3A_116, %dma_wait3A_137, %dma_wait3A_138] : memref<2500x2x128xi32, #tpu.memory_space<hbm>> -> memref<1x2x128xi32, #tpu.memory_space<hbm>>
          %dma_wait3A_140 = tpu.memref_squeeze %dma_wait3A_139 : memref<1x2x128xi32, #tpu.memory_space<hbm>> -> memref<2x128xi32, #tpu.memory_space<hbm>>
          tpu.wait_dma2 semaphore(%run_scoped3A_124 : memref<!tpu.dma_semaphore, #tpu.memory_space<semaphore_mem>>) src(%dma_wait3A_140 : memref<2x128xi32, #tpu.memory_space<hbm>>) dst(%arg7 : memref<2x128xi32, #tpu.memory_space<vmem>>)
          tpu.yield
        }) : () -> ()
        "tpu.region"() ({
          %run_scoped3A_124 = tpu.sem_alloc : memref<!tpu.dma_semaphore, #tpu.memory_space<semaphore_mem>>
          %dma_start3A_125 = arith.constant 0 : i32
          %dma_start3A_126 = tpu.memref_slice %arg13[%dma_start3A_125] : memref<144xf32, #tpu.memory_space<vmem>> -> memref<128xf32, #tpu.memory_space<vmem>>
          %dma_start3A_127 = arith.constant 0 : i32
          %dma_start3A_128 = tpu.memref_slice %arg4[%add3A_116, %dma_start3A_127] : memref<2500x128xf32, #tpu.memory_space<hbm>> -> memref<1x128xf32, #tpu.memory_space<hbm>>
          %dma_start3A_129 = tpu.memref_squeeze %dma_start3A_128 : memref<1x128xf32, #tpu.memory_space<hbm>> -> memref<128xf32, #tpu.memory_space<hbm>>
          %dma_start3A_130 = arith.constant 0 : i32
          %dma_start3A_131 = tpu.memref_slice %arg13[%dma_start3A_130] : memref<144xf32, #tpu.memory_space<vmem>> -> memref<128xf32, #tpu.memory_space<vmem>>
          %dma_start3A_132 = arith.constant 0 : i32
          %dma_start3A_133 = tpu.memref_slice %arg4[%add3A_116, %dma_start3A_132] : memref<2500x128xf32, #tpu.memory_space<hbm>> -> memref<1x128xf32, #tpu.memory_space<hbm>>
          %dma_start3A_134 = tpu.memref_squeeze %dma_start3A_133 : memref<1x128xf32, #tpu.memory_space<hbm>> -> memref<128xf32, #tpu.memory_space<hbm>>
          tpu.enqueue_dma source(%dma_start3A_134 : memref<128xf32, #tpu.memory_space<hbm>>) target(%dma_start3A_131 : memref<128xf32, #tpu.memory_space<vmem>>) target_semaphore(%run_scoped3A_124 : memref<!tpu.dma_semaphore, #tpu.memory_space<semaphore_mem>>)
          %dma_wait3A_135 = arith.constant 0 : i32
          %dma_wait3A_136 = tpu.memref_slice %arg13[%dma_wait3A_135] : memref<144xf32, #tpu.memory_space<vmem>> -> memref<128xf32, #tpu.memory_space<vmem>>
          %dma_wait3A_137 = arith.constant 0 : i32
          %dma_wait3A_138 = tpu.memref_slice %arg4[%add3A_116, %dma_wait3A_137] : memref<2500x128xf32, #tpu.memory_space<hbm>> -> memref<1x128xf32, #tpu.memory_space<hbm>>
          %dma_wait3A_139 = tpu.memref_squeeze %dma_wait3A_138 : memref<1x128xf32, #tpu.memory_space<hbm>> -> memref<128xf32, #tpu.memory_space<hbm>>
          %dma_wait3A_140 = arith.constant 0 : i32
          %dma_wait3A_141 = tpu.memref_slice %arg13[%dma_wait3A_140] : memref<144xf32, #tpu.memory_space<vmem>> -> memref<128xf32, #tpu.memory_space<vmem>>
          %dma_wait3A_142 = arith.constant 0 : i32
          %dma_wait3A_143 = tpu.memref_slice %arg4[%add3A_116, %dma_wait3A_142] : memref<2500x128xf32, #tpu.memory_space<hbm>> -> memref<1x128xf32, #tpu.memory_space<hbm>>
          %dma_wait3A_144 = tpu.memref_squeeze %dma_wait3A_143 : memref<1x128xf32, #tpu.memory_space<hbm>> -> memref<128xf32, #tpu.memory_space<hbm>>
          tpu.wait_dma2 semaphore(%run_scoped3A_124 : memref<!tpu.dma_semaphore, #tpu.memory_space<semaphore_mem>>) src(%dma_wait3A_144 : memref<128xf32, #tpu.memory_space<hbm>>) dst(%dma_wait3A_141 : memref<128xf32, #tpu.memory_space<vmem>>)
          tpu.yield
        }) : () -> ()
        %dma_start3A_117 = arith.constant 0 : i32
        %dma_start3A_118 = arith.constant 0 : i32
        %dma_start3A_119 = tpu.memref_slice %arg7[%dma_start3A_117, %dma_start3A_118] : memref<2x128xi32, #tpu.memory_space<vmem>> -> memref<1x128xi32, #tpu.memory_space<vmem>>
        %dma_start3A_120 = tpu.memref_squeeze %dma_start3A_119 : memref<1x128xi32, #tpu.memory_space<vmem>> -> memref<128xi32, #tpu.memory_space<vmem>>
        %dma_start3A_121 = arith.constant 0 : i32
        %dma_start3A_122 = arith.constant 0 : i32
        %dma_start3A_123 = tpu.memref_slice %arg2[%dma_start3A_121, %dma_start3A_122] : memref<10000x128xf32, #tpu.memory_space<hbm>> -> memref<10000x128xf32, #tpu.memory_space<hbm>>
        tpu.enqueue_indirect_dma source(%dma_start3A_123 : memref<10000x128xf32, #tpu.memory_space<hbm>>) target(%arg9 : memref<128x128xf32, #tpu.memory_space<vmem>>) offsets(%dma_start3A_120 : memref<128xi32, #tpu.memory_space<vmem>>) semaphore(%arg11 : memref<!tpu.dma_semaphore, #tpu.memory_space<semaphore_mem>>)
      } else {
      }
      %dma_wait3A_98 = arith.constant 0 : i32
      %dma_wait3A_99 = arith.constant 0 : i32
      %dma_wait3A_100 = tpu.memref_slice %arg8[%dma_wait3A_98, %dma_wait3A_99] : memref<2x128xi32, #tpu.memory_space<vmem>> -> memref<1x128xi32, #tpu.memory_space<vmem>>
      %dma_wait3A_101 = tpu.memref_squeeze %dma_wait3A_100 : memref<1x128xi32, #tpu.memory_space<vmem>> -> memref<128xi32, #tpu.memory_space<vmem>>
      %dma_wait3A_102 = arith.constant 0 : i32
      %dma_wait3A_103 = arith.constant 0 : i32
      %dma_wait3A_104 = tpu.memref_slice %arg2[%dma_wait3A_102, %dma_wait3A_103] : memref<10000x128xf32, #tpu.memory_space<hbm>> -> memref<10000x128xf32, #tpu.memory_space<hbm>>
      tpu.wait_indirect_dma semaphore(%arg12 : memref<!tpu.dma_semaphore, #tpu.memory_space<semaphore_mem>>) src(%dma_wait3A_104 : memref<10000x128xf32, #tpu.memory_space<hbm>>) dst(%arg10 : memref<128x128xf32, #tpu.memory_space<vmem>>)
      %run_scoped3A_105 = arith.constant 1 : i32
      "tpu.region"() ({
        %run_scoped3A_112 = tpu.sem_alloc : memref<!tpu.dma_semaphore, #tpu.memory_space<semaphore_mem>>
        %dma_start3A_113 = arith.constant 0 : i32
        %dma_start3A_114 = tpu.memref_slice %arg8[%run_scoped3A_105, %dma_start3A_113] : memref<2x128xi32, #tpu.memory_space<vmem>> -> memref<1x128xi32, #tpu.memory_space<vmem>>
        %dma_start3A_115 = tpu.memref_squeeze %dma_start3A_114 : memref<1x128xi32, #tpu.memory_space<vmem>> -> memref<128xi32, #tpu.memory_space<vmem>>
        %dma_start3A_116 = arith.constant 0 : i32
        %dma_start3A_117 = arith.constant 0 : i32
        %dma_start3A_118 = tpu.memref_slice %arg6[%dma_start3A_116, %dma_start3A_117] : memref<10240x128xf32, #tpu.memory_space<vmem_shared>> -> memref<10240x128xf32, #tpu.memory_space<vmem_shared>>
        tpu.enqueue_indirect_dma source(%arg10 : memref<128x128xf32, #tpu.memory_space<vmem>>) target(%dma_start3A_118 : memref<10240x128xf32, #tpu.memory_space<vmem_shared>>) offsets(%dma_start3A_115 : memref<128xi32, #tpu.memory_space<vmem>>) semaphore(%run_scoped3A_112 : memref<!tpu.dma_semaphore, #tpu.memory_space<semaphore_mem>>) {add = true}
        %dma_wait3A_119 = arith.constant 0 : i32
        %dma_wait3A_120 = tpu.memref_slice %arg8[%run_scoped3A_105, %dma_wait3A_119] : memref<2x128xi32, #tpu.memory_space<vmem>> -> memref<1x128xi32, #tpu.memory_space<vmem>>
        %dma_wait3A_121 = tpu.memref_squeeze %dma_wait3A_120 : memref<1x128xi32, #tpu.memory_space<vmem>> -> memref<128xi32, #tpu.memory_space<vmem>>
        %dma_wait3A_122 = arith.constant 0 : i32
        %dma_wait3A_123 = arith.constant 0 : i32
        %dma_wait3A_124 = tpu.memref_slice %arg6[%dma_wait3A_122, %dma_wait3A_123] : memref<10240x128xf32, #tpu.memory_space<vmem_shared>> -> memref<10240x128xf32, #tpu.memory_space<vmem_shared>>
        tpu.wait_indirect_dma semaphore(%run_scoped3A_112 : memref<!tpu.dma_semaphore, #tpu.memory_space<semaphore_mem>>) src(%arg10 : memref<128x128xf32, #tpu.memory_space<vmem>>) dst(%dma_wait3A_124 : memref<10240x128xf32, #tpu.memory_space<vmem_shared>>)
        tpu.yield
      }) : () -> ()
      %sub3A_106 = arith.constant 1 : i32
      %sub3A_107 = arith.subi %select_n3A_56, %sub3A_106 : i32
      %lt3A_108 = arith.cmpi slt, %while3A_87, %sub3A_107 : i32
      %convert_element_type3A_109 = arith.extui %lt3A_108 : i1 to i32
      %cond3A_110 = arith.constant 0 : i32
      %cond3A_111 = arith.cmpi ne, %convert_element_type3A_109, %cond3A_110 : i32
      scf.if %cond3A_111 {
        %mul3A_112 = arith.constant 2 : i32
        %mul3A_113 = arith.muli %mul3A_112, %while3A_87 : i32
        %add3A_114 = arith.addi %add3A, %mul3A_113 : i32
        %add3A_115 = arith.constant 3 : i32
        %add3A_116 = arith.addi %add3A_114, %add3A_115 : i32
        "tpu.region"() ({
          %run_scoped3A_124 = tpu.sem_alloc : memref<!tpu.dma_semaphore, #tpu.memory_space<semaphore_mem>>
          %dma_start3A_125 = arith.constant 0 : i32
          %dma_start3A_126 = arith.constant 0 : i32
          %dma_start3A_127 = tpu.memref_slice %arg3[%add3A_116, %dma_start3A_125, %dma_start3A_126] : memref<2500x2x128xi32, #tpu.memory_space<hbm>> -> memref<1x2x128xi32, #tpu.memory_space<hbm>>
          %dma_start3A_128 = tpu.memref_squeeze %dma_start3A_127 : memref<1x2x128xi32, #tpu.memory_space<hbm>> -> memref<2x128xi32, #tpu.memory_space<hbm>>
          %dma_start3A_129 = arith.constant 0 : i32
          %dma_start3A_130 = arith.constant 0 : i32
          %dma_start3A_131 = tpu.memref_slice %arg3[%add3A_116, %dma_start3A_129, %dma_start3A_130] : memref<2500x2x128xi32, #tpu.memory_space<hbm>> -> memref<1x2x128xi32, #tpu.memory_space<hbm>>
          %dma_start3A_132 = tpu.memref_squeeze %dma_start3A_131 : memref<1x2x128xi32, #tpu.memory_space<hbm>> -> memref<2x128xi32, #tpu.memory_space<hbm>>
          tpu.enqueue_dma source(%dma_start3A_132 : memref<2x128xi32, #tpu.memory_space<hbm>>) target(%arg8 : memref<2x128xi32, #tpu.memory_space<vmem>>) target_semaphore(%run_scoped3A_124 : memref<!tpu.dma_semaphore, #tpu.memory_space<semaphore_mem>>)
          %dma_wait3A_133 = arith.constant 0 : i32
          %dma_wait3A_134 = arith.constant 0 : i32
          %dma_wait3A_135 = tpu.memref_slice %arg3[%add3A_116, %dma_wait3A_133, %dma_wait3A_134] : memref<2500x2x128xi32, #tpu.memory_space<hbm>> -> memref<1x2x128xi32, #tpu.memory_space<hbm>>
          %dma_wait3A_136 = tpu.memref_squeeze %dma_wait3A_135 : memref<1x2x128xi32, #tpu.memory_space<hbm>> -> memref<2x128xi32, #tpu.memory_space<hbm>>
          %dma_wait3A_137 = arith.constant 0 : i32
          %dma_wait3A_138 = arith.constant 0 : i32
          %dma_wait3A_139 = tpu.memref_slice %arg3[%add3A_116, %dma_wait3A_137, %dma_wait3A_138] : memref<2500x2x128xi32, #tpu.memory_space<hbm>> -> memref<1x2x128xi32, #tpu.memory_space<hbm>>
          %dma_wait3A_140 = tpu.memref_squeeze %dma_wait3A_139 : memref<1x2x128xi32, #tpu.memory_space<hbm>> -> memref<2x128xi32, #tpu.memory_space<hbm>>
          tpu.wait_dma2 semaphore(%run_scoped3A_124 : memref<!tpu.dma_semaphore, #tpu.memory_space<semaphore_mem>>) src(%dma_wait3A_140 : memref<2x128xi32, #tpu.memory_space<hbm>>) dst(%arg8 : memref<2x128xi32, #tpu.memory_space<vmem>>)
          tpu.yield
        }) : () -> ()
        "tpu.region"() ({
          %run_scoped3A_124 = tpu.sem_alloc : memref<!tpu.dma_semaphore, #tpu.memory_space<semaphore_mem>>
          %dma_start3A_125 = arith.constant 0 : i32
          %dma_start3A_126 = tpu.memref_slice %arg14[%dma_start3A_125] : memref<144xf32, #tpu.memory_space<vmem>> -> memref<128xf32, #tpu.memory_space<vmem>>
          %dma_start3A_127 = arith.constant 0 : i32
          %dma_start3A_128 = tpu.memref_slice %arg4[%add3A_116, %dma_start3A_127] : memref<2500x128xf32, #tpu.memory_space<hbm>> -> memref<1x128xf32, #tpu.memory_space<hbm>>
          %dma_start3A_129 = tpu.memref_squeeze %dma_start3A_128 : memref<1x128xf32, #tpu.memory_space<hbm>> -> memref<128xf32, #tpu.memory_space<hbm>>
          %dma_start3A_130 = arith.constant 0 : i32
          %dma_start3A_131 = tpu.memref_slice %arg14[%dma_start3A_130] : memref<144xf32, #tpu.memory_space<vmem>> -> memref<128xf32, #tpu.memory_space<vmem>>
          %dma_start3A_132 = arith.constant 0 : i32
          %dma_start3A_133 = tpu.memref_slice %arg4[%add3A_116, %dma_start3A_132] : memref<2500x128xf32, #tpu.memory_space<hbm>> -> memref<1x128xf32, #tpu.memory_space<hbm>>
          %dma_start3A_134 = tpu.memref_squeeze %dma_start3A_133 : memref<1x128xf32, #tpu.memory_space<hbm>> -> memref<128xf32, #tpu.memory_space<hbm>>
          tpu.enqueue_dma source(%dma_start3A_134 : memref<128xf32, #tpu.memory_space<hbm>>) target(%dma_start3A_131 : memref<128xf32, #tpu.memory_space<vmem>>) target_semaphore(%run_scoped3A_124 : memref<!tpu.dma_semaphore, #tpu.memory_space<semaphore_mem>>)
          %dma_wait3A_135 = arith.constant 0 : i32
          %dma_wait3A_136 = tpu.memref_slice %arg14[%dma_wait3A_135] : memref<144xf32, #tpu.memory_space<vmem>> -> memref<128xf32, #tpu.memory_space<vmem>>
          %dma_wait3A_137 = arith.constant 0 : i32
          %dma_wait3A_138 = tpu.memref_slice %arg4[%add3A_116, %dma_wait3A_137] : memref<2500x128xf32, #tpu.memory_space<hbm>> -> memref<1x128xf32, #tpu.memory_space<hbm>>
          %dma_wait3A_139 = tpu.memref_squeeze %dma_wait3A_138 : memref<1x128xf32, #tpu.memory_space<hbm>> -> memref<128xf32, #tpu.memory_space<hbm>>
          %dma_wait3A_140 = arith.constant 0 : i32
          %dma_wait3A_141 = tpu.memref_slice %arg14[%dma_wait3A_140] : memref<144xf32, #tpu.memory_space<vmem>> -> memref<128xf32, #tpu.memory_space<vmem>>
          %dma_wait3A_142 = arith.constant 0 : i32
          %dma_wait3A_143 = tpu.memref_slice %arg4[%add3A_116, %dma_wait3A_142] : memref<2500x128xf32, #tpu.memory_space<hbm>> -> memref<1x128xf32, #tpu.memory_space<hbm>>
          %dma_wait3A_144 = tpu.memref_squeeze %dma_wait3A_143 : memref<1x128xf32, #tpu.memory_space<hbm>> -> memref<128xf32, #tpu.memory_space<hbm>>
          tpu.wait_dma2 semaphore(%run_scoped3A_124 : memref<!tpu.dma_semaphore, #tpu.memory_space<semaphore_mem>>) src(%dma_wait3A_144 : memref<128xf32, #tpu.memory_space<hbm>>) dst(%dma_wait3A_141 : memref<128xf32, #tpu.memory_space<vmem>>)
          tpu.yield
        }) : () -> ()
        %dma_start3A_117 = arith.constant 0 : i32
        %dma_start3A_118 = arith.constant 0 : i32
        %dma_start3A_119 = tpu.memref_slice %arg8[%dma_start3A_117, %dma_start3A_118] : memref<2x128xi32, #tpu.memory_space<vmem>> -> memref<1x128xi32, #tpu.memory_space<vmem>>
        %dma_start3A_120 = tpu.memref_squeeze %dma_start3A_119 : memref<1x128xi32, #tpu.memory_space<vmem>> -> memref<128xi32, #tpu.memory_space<vmem>>
        %dma_start3A_121 = arith.constant 0 : i32
        %dma_start3A_122 = arith.constant 0 : i32
        %dma_start3A_123 = tpu.memref_slice %arg2[%dma_start3A_121, %dma_start3A_122] : memref<10000x128xf32, #tpu.memory_space<hbm>> -> memref<10000x128xf32, #tpu.memory_space<hbm>>
        tpu.enqueue_indirect_dma source(%dma_start3A_123 : memref<10000x128xf32, #tpu.memory_space<hbm>>) target(%arg10 : memref<128x128xf32, #tpu.memory_space<vmem>>) offsets(%dma_start3A_120 : memref<128xi32, #tpu.memory_space<vmem>>) semaphore(%arg12 : memref<!tpu.dma_semaphore, #tpu.memory_space<semaphore_mem>>)
      } else {
      }
    }
    %barrier3A_66 = arith.constant 0 : index
    tpu.barrier barrier_id(%barrier3A_66)
    %add3A_67 = arith.constant 0 : i32
    %add3A_68 = arith.addi %mul3A_13, %add3A_67 : i32
    "tpu.region"() ({
      %run_scoped3A = tpu.sem_alloc : memref<!tpu.dma_semaphore, #tpu.memory_space<semaphore_mem>>
      %dma_start3A_87 = arith.constant 0 : i32
      %dma_start3A_88 = tpu.memref_slice %arg6[%add3A_68, %dma_start3A_87] : memref<10240x128xf32, #tpu.memory_space<vmem_shared>> -> memref<128x128xf32, #tpu.memory_space<vmem_shared>>
      %dma_start3A_89 = arith.constant 0 : i32
      %dma_start3A_90 = tpu.memref_slice %arg6[%add3A_68, %dma_start3A_89] : memref<10240x128xf32, #tpu.memory_space<vmem_shared>> -> memref<128x128xf32, #tpu.memory_space<vmem_shared>>
      tpu.enqueue_dma source(%dma_start3A_90 : memref<128x128xf32, #tpu.memory_space<vmem_shared>>) target(%arg9 : memref<128x128xf32, #tpu.memory_space<vmem>>) target_semaphore(%run_scoped3A : memref<!tpu.dma_semaphore, #tpu.memory_space<semaphore_mem>>)
      %dma_wait3A = arith.constant 0 : i32
      %dma_wait3A_91 = tpu.memref_slice %arg6[%add3A_68, %dma_wait3A] : memref<10240x128xf32, #tpu.memory_space<vmem_shared>> -> memref<128x128xf32, #tpu.memory_space<vmem_shared>>
      %dma_wait3A_92 = arith.constant 0 : i32
      %dma_wait3A_93 = tpu.memref_slice %arg6[%add3A_68, %dma_wait3A_92] : memref<10240x128xf32, #tpu.memory_space<vmem_shared>> -> memref<128x128xf32, #tpu.memory_space<vmem_shared>>
      tpu.wait_dma2 semaphore(%run_scoped3A : memref<!tpu.dma_semaphore, #tpu.memory_space<semaphore_mem>>) src(%dma_wait3A_93 : memref<128x128xf32, #tpu.memory_space<vmem_shared>>) dst(%arg9 : memref<128x128xf32, #tpu.memory_space<vmem>>)
      tpu.yield
    }) : () -> ()
    %add3A_69 = arith.constant 0 : i32
    %add3A_70 = arith.addi %mul3A_13, %add3A_69 : i32
    "tpu.region"() ({
      %run_scoped3A = tpu.sem_alloc : memref<!tpu.dma_semaphore, #tpu.memory_space<semaphore_mem>>
      %dma_start3A_87 = arith.constant 0 : i32
      %dma_start3A_88 = tpu.memref_slice %arg5[%add3A_70, %dma_start3A_87] : memref<10240x128xf32, #tpu.memory_space<hbm>> -> memref<128x128xf32, #tpu.memory_space<hbm>>
      %dma_start3A_89 = arith.constant 0 : i32
      %dma_start3A_90 = tpu.memref_slice %arg5[%add3A_70, %dma_start3A_89] : memref<10240x128xf32, #tpu.memory_space<hbm>> -> memref<128x128xf32, #tpu.memory_space<hbm>>
      tpu.enqueue_dma source(%arg9 : memref<128x128xf32, #tpu.memory_space<vmem>>) target(%dma_start3A_90 : memref<128x128xf32, #tpu.memory_space<hbm>>) target_semaphore(%run_scoped3A : memref<!tpu.dma_semaphore, #tpu.memory_space<semaphore_mem>>)
      %dma_wait3A = arith.constant 0 : i32
      %dma_wait3A_91 = tpu.memref_slice %arg5[%add3A_70, %dma_wait3A] : memref<10240x128xf32, #tpu.memory_space<hbm>> -> memref<128x128xf32, #tpu.memory_space<hbm>>
      %dma_wait3A_92 = arith.constant 0 : i32
      %dma_wait3A_93 = tpu.memref_slice %arg5[%add3A_70, %dma_wait3A_92] : memref<10240x128xf32, #tpu.memory_space<hbm>> -> memref<128x128xf32, #tpu.memory_space<hbm>>
      tpu.wait_dma2 semaphore(%run_scoped3A : memref<!tpu.dma_semaphore, #tpu.memory_space<semaphore_mem>>) src(%arg9 : memref<128x128xf32, #tpu.memory_space<vmem>>) dst(%dma_wait3A_93 : memref<128x128xf32, #tpu.memory_space<hbm>>)
      tpu.yield
    }) : () -> ()
    %add3A_71 = arith.constant 128 : i32
    %add3A_72 = arith.addi %mul3A_13, %add3A_71 : i32
    "tpu.region"() ({
      %run_scoped3A = tpu.sem_alloc : memref<!tpu.dma_semaphore, #tpu.memory_space<semaphore_mem>>
      %dma_start3A_87 = arith.constant 0 : i32
      %dma_start3A_88 = tpu.memref_slice %arg6[%add3A_72, %dma_start3A_87] : memref<10240x128xf32, #tpu.memory_space<vmem_shared>> -> memref<128x128xf32, #tpu.memory_space<vmem_shared>>
      %dma_start3A_89 = arith.constant 0 : i32
      %dma_start3A_90 = tpu.memref_slice %arg6[%add3A_72, %dma_start3A_89] : memref<10240x128xf32, #tpu.memory_space<vmem_shared>> -> memref<128x128xf32, #tpu.memory_space<vmem_shared>>
      tpu.enqueue_dma source(%dma_start3A_90 : memref<128x128xf32, #tpu.memory_space<vmem_shared>>) target(%arg9 : memref<128x128xf32, #tpu.memory_space<vmem>>) target_semaphore(%run_scoped3A : memref<!tpu.dma_semaphore, #tpu.memory_space<semaphore_mem>>)
      %dma_wait3A = arith.constant 0 : i32
      %dma_wait3A_91 = tpu.memref_slice %arg6[%add3A_72, %dma_wait3A] : memref<10240x128xf32, #tpu.memory_space<vmem_shared>> -> memref<128x128xf32, #tpu.memory_space<vmem_shared>>
      %dma_wait3A_92 = arith.constant 0 : i32
      %dma_wait3A_93 = tpu.memref_slice %arg6[%add3A_72, %dma_wait3A_92] : memref<10240x128xf32, #tpu.memory_space<vmem_shared>> -> memref<128x128xf32, #tpu.memory_space<vmem_shared>>
      tpu.wait_dma2 semaphore(%run_scoped3A : memref<!tpu.dma_semaphore, #tpu.memory_space<semaphore_mem>>) src(%dma_wait3A_93 : memref<128x128xf32, #tpu.memory_space<vmem_shared>>) dst(%arg9 : memref<128x128xf32, #tpu.memory_space<vmem>>)
      tpu.yield
    }) : () -> ()
    %add3A_73 = arith.constant 128 : i32
    %add3A_74 = arith.addi %mul3A_13, %add3A_73 : i32
    "tpu.region"() ({
      %run_scoped3A = tpu.sem_alloc : memref<!tpu.dma_semaphore, #tpu.memory_space<semaphore_mem>>
      %dma_start3A_87 = arith.constant 0 : i32
      %dma_start3A_88 = tpu.memref_slice %arg5[%add3A_74, %dma_start3A_87] : memref<10240x128xf32, #tpu.memory_space<hbm>> -> memref<128x128xf32, #tpu.memory_space<hbm>>
      %dma_start3A_89 = arith.constant 0 : i32
      %dma_start3A_90 = tpu.memref_slice %arg5[%add3A_74, %dma_start3A_89] : memref<10240x128xf32, #tpu.memory_space<hbm>> -> memref<128x128xf32, #tpu.memory_space<hbm>>
      tpu.enqueue_dma source(%arg9 : memref<128x128xf32, #tpu.memory_space<vmem>>) target(%dma_start3A_90 : memref<128x128xf32, #tpu.memory_space<hbm>>) target_semaphore(%run_scoped3A : memref<!tpu.dma_semaphore, #tpu.memory_space<semaphore_mem>>)
      %dma_wait3A = arith.constant 0 : i32
      %dma_wait3A_91 = tpu.memref_slice %arg5[%add3A_74, %dma_wait3A] : memref<10240x128xf32, #tpu.memory_space<hbm>> -> memref<128x128xf32, #tpu.memory_space<hbm>>
      %dma_wait3A_92 = arith.constant 0 : i32
      %dma_wait3A_93 = tpu.memref_slice %arg5[%add3A_74, %dma_wait3A_92] : memref<10240x128xf32, #tpu.memory_space<hbm>> -> memref<128x128xf32, #tpu.memory_space<hbm>>
      tpu.wait_dma2 semaphore(%run_scoped3A : memref<!tpu.dma_semaphore, #tpu.memory_space<semaphore_mem>>) src(%arg9 : memref<128x128xf32, #tpu.memory_space<vmem>>) dst(%dma_wait3A_93 : memref<128x128xf32, #tpu.memory_space<hbm>>)
      tpu.yield
    }) : () -> ()
    %add3A_75 = arith.constant 256 : i32
    %add3A_76 = arith.addi %mul3A_13, %add3A_75 : i32
    "tpu.region"() ({
      %run_scoped3A = tpu.sem_alloc : memref<!tpu.dma_semaphore, #tpu.memory_space<semaphore_mem>>
      %dma_start3A_87 = arith.constant 0 : i32
      %dma_start3A_88 = tpu.memref_slice %arg6[%add3A_76, %dma_start3A_87] : memref<10240x128xf32, #tpu.memory_space<vmem_shared>> -> memref<128x128xf32, #tpu.memory_space<vmem_shared>>
      %dma_start3A_89 = arith.constant 0 : i32
      %dma_start3A_90 = tpu.memref_slice %arg6[%add3A_76, %dma_start3A_89] : memref<10240x128xf32, #tpu.memory_space<vmem_shared>> -> memref<128x128xf32, #tpu.memory_space<vmem_shared>>
      tpu.enqueue_dma source(%dma_start3A_90 : memref<128x128xf32, #tpu.memory_space<vmem_shared>>) target(%arg9 : memref<128x128xf32, #tpu.memory_space<vmem>>) target_semaphore(%run_scoped3A : memref<!tpu.dma_semaphore, #tpu.memory_space<semaphore_mem>>)
      %dma_wait3A = arith.constant 0 : i32
      %dma_wait3A_91 = tpu.memref_slice %arg6[%add3A_76, %dma_wait3A] : memref<10240x128xf32, #tpu.memory_space<vmem_shared>> -> memref<128x128xf32, #tpu.memory_space<vmem_shared>>
      %dma_wait3A_92 = arith.constant 0 : i32
      %dma_wait3A_93 = tpu.memref_slice %arg6[%add3A_76, %dma_wait3A_92] : memref<10240x128xf32, #tpu.memory_space<vmem_shared>> -> memref<128x128xf32, #tpu.memory_space<vmem_shared>>
      tpu.wait_dma2 semaphore(%run_scoped3A : memref<!tpu.dma_semaphore, #tpu.memory_space<semaphore_mem>>) src(%dma_wait3A_93 : memref<128x128xf32, #tpu.memory_space<vmem_shared>>) dst(%arg9 : memref<128x128xf32, #tpu.memory_space<vmem>>)
      tpu.yield
    }) : () -> ()
    %add3A_77 = arith.constant 256 : i32
    %add3A_78 = arith.addi %mul3A_13, %add3A_77 : i32
    "tpu.region"() ({
      %run_scoped3A = tpu.sem_alloc : memref<!tpu.dma_semaphore, #tpu.memory_space<semaphore_mem>>
      %dma_start3A_87 = arith.constant 0 : i32
      %dma_start3A_88 = tpu.memref_slice %arg5[%add3A_78, %dma_start3A_87] : memref<10240x128xf32, #tpu.memory_space<hbm>> -> memref<128x128xf32, #tpu.memory_space<hbm>>
      %dma_start3A_89 = arith.constant 0 : i32
      %dma_start3A_90 = tpu.memref_slice %arg5[%add3A_78, %dma_start3A_89] : memref<10240x128xf32, #tpu.memory_space<hbm>> -> memref<128x128xf32, #tpu.memory_space<hbm>>
      tpu.enqueue_dma source(%arg9 : memref<128x128xf32, #tpu.memory_space<vmem>>) target(%dma_start3A_90 : memref<128x128xf32, #tpu.memory_space<hbm>>) target_semaphore(%run_scoped3A : memref<!tpu.dma_semaphore, #tpu.memory_space<semaphore_mem>>)
      %dma_wait3A = arith.constant 0 : i32
      %dma_wait3A_91 = tpu.memref_slice %arg5[%add3A_78, %dma_wait3A] : memref<10240x128xf32, #tpu.memory_space<hbm>> -> memref<128x128xf32, #tpu.memory_space<hbm>>
      %dma_wait3A_92 = arith.constant 0 : i32
      %dma_wait3A_93 = tpu.memref_slice %arg5[%add3A_78, %dma_wait3A_92] : memref<10240x128xf32, #tpu.memory_space<hbm>> -> memref<128x128xf32, #tpu.memory_space<hbm>>
      tpu.wait_dma2 semaphore(%run_scoped3A : memref<!tpu.dma_semaphore, #tpu.memory_space<semaphore_mem>>) src(%arg9 : memref<128x128xf32, #tpu.memory_space<vmem>>) dst(%dma_wait3A_93 : memref<128x128xf32, #tpu.memory_space<hbm>>)
      tpu.yield
    }) : () -> ()
    %add3A_79 = arith.constant 384 : i32
    %add3A_80 = arith.addi %mul3A_13, %add3A_79 : i32
    "tpu.region"() ({
      %run_scoped3A = tpu.sem_alloc : memref<!tpu.dma_semaphore, #tpu.memory_space<semaphore_mem>>
      %dma_start3A_87 = arith.constant 0 : i32
      %dma_start3A_88 = tpu.memref_slice %arg6[%add3A_80, %dma_start3A_87] : memref<10240x128xf32, #tpu.memory_space<vmem_shared>> -> memref<128x128xf32, #tpu.memory_space<vmem_shared>>
      %dma_start3A_89 = arith.constant 0 : i32
      %dma_start3A_90 = tpu.memref_slice %arg6[%add3A_80, %dma_start3A_89] : memref<10240x128xf32, #tpu.memory_space<vmem_shared>> -> memref<128x128xf32, #tpu.memory_space<vmem_shared>>
      tpu.enqueue_dma source(%dma_start3A_90 : memref<128x128xf32, #tpu.memory_space<vmem_shared>>) target(%arg9 : memref<128x128xf32, #tpu.memory_space<vmem>>) target_semaphore(%run_scoped3A : memref<!tpu.dma_semaphore, #tpu.memory_space<semaphore_mem>>)
      %dma_wait3A = arith.constant 0 : i32
      %dma_wait3A_91 = tpu.memref_slice %arg6[%add3A_80, %dma_wait3A] : memref<10240x128xf32, #tpu.memory_space<vmem_shared>> -> memref<128x128xf32, #tpu.memory_space<vmem_shared>>
      %dma_wait3A_92 = arith.constant 0 : i32
      %dma_wait3A_93 = tpu.memref_slice %arg6[%add3A_80, %dma_wait3A_92] : memref<10240x128xf32, #tpu.memory_space<vmem_shared>> -> memref<128x128xf32, #tpu.memory_space<vmem_shared>>
      tpu.wait_dma2 semaphore(%run_scoped3A : memref<!tpu.dma_semaphore, #tpu.memory_space<semaphore_mem>>) src(%dma_wait3A_93 : memref<128x128xf32, #tpu.memory_space<vmem_shared>>) dst(%arg9 : memref<128x128xf32, #tpu.memory_space<vmem>>)
      tpu.yield
    }) : () -> ()
    %add3A_81 = arith.constant 384 : i32
    %add3A_82 = arith.addi %mul3A_13, %add3A_81 : i32
    "tpu.region"() ({
      %run_scoped3A = tpu.sem_alloc : memref<!tpu.dma_semaphore, #tpu.memory_space<semaphore_mem>>
      %dma_start3A_87 = arith.constant 0 : i32
      %dma_start3A_88 = tpu.memref_slice %arg5[%add3A_82, %dma_start3A_87] : memref<10240x128xf32, #tpu.memory_space<hbm>> -> memref<128x128xf32, #tpu.memory_space<hbm>>
      %dma_start3A_89 = arith.constant 0 : i32
      %dma_start3A_90 = tpu.memref_slice %arg5[%add3A_82, %dma_start3A_89] : memref<10240x128xf32, #tpu.memory_space<hbm>> -> memref<128x128xf32, #tpu.memory_space<hbm>>
      tpu.enqueue_dma source(%arg9 : memref<128x128xf32, #tpu.memory_space<vmem>>) target(%dma_start3A_90 : memref<128x128xf32, #tpu.memory_space<hbm>>) target_semaphore(%run_scoped3A : memref<!tpu.dma_semaphore, #tpu.memory_space<semaphore_mem>>)
      %dma_wait3A = arith.constant 0 : i32
      %dma_wait3A_91 = tpu.memref_slice %arg5[%add3A_82, %dma_wait3A] : memref<10240x128xf32, #tpu.memory_space<hbm>> -> memref<128x128xf32, #tpu.memory_space<hbm>>
      %dma_wait3A_92 = arith.constant 0 : i32
      %dma_wait3A_93 = tpu.memref_slice %arg5[%add3A_82, %dma_wait3A_92] : memref<10240x128xf32, #tpu.memory_space<hbm>> -> memref<128x128xf32, #tpu.memory_space<hbm>>
      tpu.wait_dma2 semaphore(%run_scoped3A : memref<!tpu.dma_semaphore, #tpu.memory_space<semaphore_mem>>) src(%arg9 : memref<128x128xf32, #tpu.memory_space<vmem>>) dst(%dma_wait3A_93 : memref<128x128xf32, #tpu.memory_space<hbm>>)
      tpu.yield
    }) : () -> ()
    %add3A_83 = arith.constant 512 : i32
    %add3A_84 = arith.addi %mul3A_13, %add3A_83 : i32
    "tpu.region"() ({
      %run_scoped3A = tpu.sem_alloc : memref<!tpu.dma_semaphore, #tpu.memory_space<semaphore_mem>>
      %dma_start3A_87 = arith.constant 0 : i32
      %dma_start3A_88 = tpu.memref_slice %arg6[%add3A_84, %dma_start3A_87] : memref<10240x128xf32, #tpu.memory_space<vmem_shared>> -> memref<128x128xf32, #tpu.memory_space<vmem_shared>>
      %dma_start3A_89 = arith.constant 0 : i32
      %dma_start3A_90 = tpu.memref_slice %arg6[%add3A_84, %dma_start3A_89] : memref<10240x128xf32, #tpu.memory_space<vmem_shared>> -> memref<128x128xf32, #tpu.memory_space<vmem_shared>>
      tpu.enqueue_dma source(%dma_start3A_90 : memref<128x128xf32, #tpu.memory_space<vmem_shared>>) target(%arg9 : memref<128x128xf32, #tpu.memory_space<vmem>>) target_semaphore(%run_scoped3A : memref<!tpu.dma_semaphore, #tpu.memory_space<semaphore_mem>>)
      %dma_wait3A = arith.constant 0 : i32
      %dma_wait3A_91 = tpu.memref_slice %arg6[%add3A_84, %dma_wait3A] : memref<10240x128xf32, #tpu.memory_space<vmem_shared>> -> memref<128x128xf32, #tpu.memory_space<vmem_shared>>
      %dma_wait3A_92 = arith.constant 0 : i32
      %dma_wait3A_93 = tpu.memref_slice %arg6[%add3A_84, %dma_wait3A_92] : memref<10240x128xf32, #tpu.memory_space<vmem_shared>> -> memref<128x128xf32, #tpu.memory_space<vmem_shared>>
      tpu.wait_dma2 semaphore(%run_scoped3A : memref<!tpu.dma_semaphore, #tpu.memory_space<semaphore_mem>>) src(%dma_wait3A_93 : memref<128x128xf32, #tpu.memory_space<vmem_shared>>) dst(%arg9 : memref<128x128xf32, #tpu.memory_space<vmem>>)
      tpu.yield
    }) : () -> ()
    %add3A_85 = arith.constant 512 : i32
    %add3A_86 = arith.addi %mul3A_13, %add3A_85 : i32
    "tpu.region"() ({
      %run_scoped3A = tpu.sem_alloc : memref<!tpu.dma_semaphore, #tpu.memory_space<semaphore_mem>>
      %dma_start3A_87 = arith.constant 0 : i32
      %dma_start3A_88 = tpu.memref_slice %arg5[%add3A_86, %dma_start3A_87] : memref<10240x128xf32, #tpu.memory_space<hbm>> -> memref<128x128xf32, #tpu.memory_space<hbm>>
      %dma_start3A_89 = arith.constant 0 : i32
      %dma_start3A_90 = tpu.memref_slice %arg5[%add3A_86, %dma_start3A_89] : memref<10240x128xf32, #tpu.memory_space<hbm>> -> memref<128x128xf32, #tpu.memory_space<hbm>>
      tpu.enqueue_dma source(%arg9 : memref<128x128xf32, #tpu.memory_space<vmem>>) target(%dma_start3A_90 : memref<128x128xf32, #tpu.memory_space<hbm>>) target_semaphore(%run_scoped3A : memref<!tpu.dma_semaphore, #tpu.memory_space<semaphore_mem>>)
      %dma_wait3A = arith.constant 0 : i32
      %dma_wait3A_91 = tpu.memref_slice %arg5[%add3A_86, %dma_wait3A] : memref<10240x128xf32, #tpu.memory_space<hbm>> -> memref<128x128xf32, #tpu.memory_space<hbm>>
      %dma_wait3A_92 = arith.constant 0 : i32
      %dma_wait3A_93 = tpu.memref_slice %arg5[%add3A_86, %dma_wait3A_92] : memref<10240x128xf32, #tpu.memory_space<hbm>> -> memref<128x128xf32, #tpu.memory_space<hbm>>
      tpu.wait_dma2 semaphore(%run_scoped3A : memref<!tpu.dma_semaphore, #tpu.memory_space<semaphore_mem>>) src(%arg9 : memref<128x128xf32, #tpu.memory_space<vmem>>) dst(%dma_wait3A_93 : memref<128x128xf32, #tpu.memory_space<hbm>>)
      tpu.yield
    }) : () -> ()
    return
  }
}

module attributes {stable_mosaic.version = 14 : i64} {
  func.func @_tc_norms_mm(%arg0: memref<10000x4x2xf32, #tpu.memory_space<vmem>>, %arg1: memref<10000x128xf32, #tpu.memory_space<vmem>>, %arg2: memref<128x128xf32, #tpu.memory_space<vmem>>, %arg3: memref<10000x128xf32, #tpu.memory_space<vmem>>, %arg4: memref<10000x4xf32, #tpu.memory_space<vmem>>) attributes {dimension_semantics = [], scalar_prefetch = 0 : i64, scratch_operands = 0 : i64, tpu.core_type = #tpu.core_type<tc>} {
    %get3A = arith.constant 0 : index
    %get3A_0 = arith.constant 0 : index
    %get3A_1 = arith.constant 0 : index
    %get3A_2 = vector.load %arg0[%get3A, %get3A_0, %get3A_1] : memref<10000x4x2xf32, #tpu.memory_space<vmem>>, vector<10000x4x2xf32>
    %reduce_sum3A = arith.constant dense<0.000000e+00> : vector<10000x4xf32>
    %reduce_sum3A_3 = vector.multi_reduction <add>, %get3A_2, %reduce_sum3A [2] : vector<10000x4x2xf32> to vector<10000x4xf32>
    %gt3A = arith.constant 0.000000e+00 : f32
    %gt3A_4 = vector.broadcast %gt3A : f32 to vector<10000x4xf32>
    %gt3A_5 = arith.cmpf ogt, %reduce_sum3A_3, %gt3A_4 : vector<10000x4xf32>
    %max3A = arith.constant 9.99999996E-13 : f32
    %max3A_6 = vector.broadcast %max3A : f32 to vector<10000x4xf32>
    %max3A_7 = arith.maximumf %reduce_sum3A_3, %max3A_6 : vector<10000x4xf32>
    %rsqrt3A = math.rsqrt %max3A_7 : vector<10000x4xf32>
    %jit3A = arith.constant 0.000000e+00 : f32
    %broadcast_in_dim3A = vector.broadcast %jit3A : f32 to vector<10000x4xf32>
    %select_n3A = arith.select %gt3A_5, %rsqrt3A, %broadcast_in_dim3A : vector<10000x4xi1>, vector<10000x4xf32>
    %swap3A = arith.constant 0 : index
    %swap3A_8 = arith.constant 0 : index
    %swap3A_9 = vector.load %arg4[%swap3A, %swap3A_8] : memref<10000x4xf32, #tpu.memory_space<vmem>>, vector<10000x4xf32>
    tpu.vector_store %arg4[%swap3A, %swap3A_8], %select_n3A {strides = array<i32>} : memref<10000x4xf32, #tpu.memory_space<vmem>>, vector<10000x4xf32>,
    %get3A_10 = arith.constant 0 : index
    %get3A_11 = arith.constant 0 : index
    %get3A_12 = vector.load %arg1[%get3A_10, %get3A_11] : memref<10000x128xf32, #tpu.memory_space<vmem>>, vector<10000x128xf32>
    %get3A_13 = arith.constant 0 : index
    %get3A_14 = arith.constant 0 : index
    %get3A_15 = vector.load %arg2[%get3A_13, %get3A_14] : memref<128x128xf32, #tpu.memory_space<vmem>>, vector<128x128xf32>
    %dot_general3A = arith.constant dense<0.000000e+00> : vector<10000x128xf32>
    %dot_general3A_16 = tpu.matmul %get3A_12, %get3A_15, %dot_general3A {dimension_numbers = #tpu.dot_dimension_numbers<[1], [0], [0], [1], [0, 0, 1, 1], [], []>, transpose_lhs_hint = false} : vector<10000x128xf32>, vector<128x128xf32>, vector<10000x128xf32> -> vector<10000x128xf32>
    %slice3A = vector.extract_strided_slice %select_n3A {offsets = [0, 0], sizes = [10000, 1], strides = [1, 1]} : vector<10000x4xf32> to vector<10000x1xf32>
    %mul3A = vector.broadcast %slice3A : vector<10000x1xf32> to vector<10000x128xf32>
    %mul3A_17 = arith.mulf %dot_general3A_16, %mul3A : vector<10000x128xf32>
    %swap3A_18 = arith.constant 0 : index
    %swap3A_19 = arith.constant 0 : index
    %swap3A_20 = vector.load %arg3[%swap3A_18, %swap3A_19] : memref<10000x128xf32, #tpu.memory_space<vmem>>, vector<10000x128xf32>
    tpu.vector_store %arg3[%swap3A_18, %swap3A_19], %mul3A_17 {strides = array<i32>} : memref<10000x128xf32, #tpu.memory_space<vmem>>, vector<10000x128xf32>,
    return
  }
}

module attributes {stable_mosaic.version = 14 : i64} {
  func.func @_tc_mid(%arg0: memref<10000x128xf32, #tpu.memory_space<vmem>>, %arg1: memref<10000x4xf32, #tpu.memory_space<vmem>>, %arg2: memref<128xf32, #tpu.memory_space<vmem>>, %arg3: memref<10000x128xf32, #tpu.memory_space<vmem>>) attributes {dimension_semantics = [], scalar_prefetch = 0 : i64, scratch_operands = 0 : i64, tpu.core_type = #tpu.core_type<tc>} {
    %get3A = arith.constant 0 : index
    %get3A_0 = arith.constant 0 : index
    %get3A_1 = vector.load %arg1[%get3A, %get3A_0] : memref<10000x4xf32, #tpu.memory_space<vmem>>, vector<10000x4xf32>
    %get3A_2 = arith.constant 0 : index
    %get3A_3 = arith.constant 0 : index
    %get3A_4 = vector.load %arg0[%get3A_2, %get3A_3] : memref<10000x128xf32, #tpu.memory_space<vmem>>, vector<10000x128xf32>
    %slice3A = vector.extract_strided_slice %get3A_1 {offsets = [0, 2], sizes = [10000, 1], strides = [1, 1]} : vector<10000x4xf32> to vector<10000x1xf32>
    %mul3A = vector.broadcast %slice3A : vector<10000x1xf32> to vector<10000x128xf32>
    %mul3A_5 = arith.mulf %get3A_4, %mul3A : vector<10000x128xf32>
    %get3A_6 = arith.constant 0 : index
    %get3A_7 = vector.load %arg2[%get3A_6] : memref<128xf32, #tpu.memory_space<vmem>>, vector<128xf32>
    %broadcast_in_dim3A = vector.shape_cast %get3A_7 : vector<128xf32> to vector<1x128xf32>
    %add3A = vector.broadcast %broadcast_in_dim3A : vector<1x128xf32> to vector<10000x128xf32>
    %add3A_8 = arith.addf %mul3A_5, %add3A : vector<10000x128xf32>
    %max3A = arith.constant 0.000000e+00 : f32
    %max3A_9 = vector.broadcast %max3A : f32 to vector<10000x128xf32>
    %max3A_10 = arith.maximumf %add3A_8, %max3A_9 : vector<10000x128xf32>
    %slice3A_11 = vector.extract_strided_slice %get3A_1 {offsets = [0, 1], sizes = [10000, 1], strides = [1, 1]} : vector<10000x4xf32> to vector<10000x1xf32>
    %mul3A_12 = vector.broadcast %slice3A_11 : vector<10000x1xf32> to vector<10000x128xf32>
    %mul3A_13 = arith.mulf %max3A_10, %mul3A_12 : vector<10000x128xf32>
    %swap3A = arith.constant 0 : index
    %swap3A_14 = arith.constant 0 : index
    %swap3A_15 = vector.load %arg3[%swap3A, %swap3A_14] : memref<10000x128xf32, #tpu.memory_space<vmem>>, vector<10000x128xf32>
    tpu.vector_store %arg3[%swap3A, %swap3A_14], %mul3A_13 {strides = array<i32>} : memref<10000x128xf32, #tpu.memory_space<vmem>>, vector<10000x128xf32>,
    return
  }
}

module attributes {stable_mosaic.version = 14 : i64} {
  func.func @_tc_final(%arg0: memref<10000x128xf32, #tpu.memory_space<vmem>>, %arg1: memref<10000x4xf32, #tpu.memory_space<vmem>>, %arg2: memref<64xf32, #tpu.memory_space<vmem>>, %arg3: memref<128x64xf32, #tpu.memory_space<vmem>>, %arg4: memref<10000x64xf32, #tpu.memory_space<vmem>>) attributes {dimension_semantics = [], scalar_prefetch = 0 : i64, scratch_operands = 0 : i64, tpu.core_type = #tpu.core_type<tc>} {
    %get3A = arith.constant 0 : index
    %get3A_0 = arith.constant 0 : index
    %get3A_1 = vector.load %arg0[%get3A, %get3A_0] : memref<10000x128xf32, #tpu.memory_space<vmem>>, vector<10000x128xf32>
    %get3A_2 = arith.constant 0 : index
    %get3A_3 = arith.constant 0 : index
    %get3A_4 = vector.load %arg3[%get3A_2, %get3A_3] : memref<128x64xf32, #tpu.memory_space<vmem>>, vector<128x64xf32>
    %dot_general3A = arith.constant dense<0.000000e+00> : vector<10000x64xf32>
    %dot_general3A_5 = tpu.matmul %get3A_1, %get3A_4, %dot_general3A {dimension_numbers = #tpu.dot_dimension_numbers<[1], [0], [0], [1], [0, 0, 1, 1], [], []>, transpose_lhs_hint = false} : vector<10000x128xf32>, vector<128x64xf32>, vector<10000x64xf32> -> vector<10000x64xf32>
    %get3A_6 = arith.constant 0 : index
    %get3A_7 = arith.constant 0 : index
    %get3A_8 = vector.load %arg1[%get3A_6, %get3A_7] : memref<10000x4xf32, #tpu.memory_space<vmem>>, vector<10000x4xf32>
    %slice3A = vector.extract_strided_slice %get3A_8 {offsets = [0, 3], sizes = [10000, 1], strides = [1, 1]} : vector<10000x4xf32> to vector<10000x1xf32>
    %mul3A = vector.broadcast %slice3A : vector<10000x1xf32> to vector<10000x64xf32>
    %mul3A_9 = arith.mulf %dot_general3A_5, %mul3A : vector<10000x64xf32>
    %get3A_10 = arith.constant 0 : index
    %get3A_11 = vector.load %arg2[%get3A_10] : memref<64xf32, #tpu.memory_space<vmem>>, vector<64xf32>
    %broadcast_in_dim3A = vector.shape_cast %get3A_11 : vector<64xf32> to vector<1x64xf32>
    %add3A = vector.broadcast %broadcast_in_dim3A : vector<1x64xf32> to vector<10000x64xf32>
    %add3A_12 = arith.addf %mul3A_9, %add3A : vector<10000x64xf32>
    %reduce_max3A = arith.constant dense<0xFF800000> : vector<10000xf32>
    %reduce_max3A_13 = vector.multi_reduction <maximumf>, %add3A_12, %reduce_max3A [1] : vector<10000x64xf32> to vector<10000xf32>
    %broadcast_in_dim3A_14 = vector.shape_cast %reduce_max3A_13 : vector<10000xf32> to vector<10000x1xf32>
    %sub3A = vector.broadcast %broadcast_in_dim3A_14 : vector<10000x1xf32> to vector<10000x64xf32>
    %sub3A_15 = arith.subf %add3A_12, %sub3A : vector<10000x64xf32>
    %exp3A = math.exp %sub3A_15 : vector<10000x64xf32>
    %reduce_sum3A = arith.constant dense<0.000000e+00> : vector<10000xf32>
    %reduce_sum3A_16 = vector.multi_reduction <add>, %exp3A, %reduce_sum3A [1] : vector<10000x64xf32> to vector<10000xf32>
    %broadcast_in_dim3A_17 = vector.shape_cast %reduce_sum3A_16 : vector<10000xf32> to vector<10000x1xf32>
    %div3A = vector.broadcast %broadcast_in_dim3A_17 : vector<10000x1xf32> to vector<10000x64xf32>
    %div3A_18 = arith.divf %exp3A, %div3A : vector<10000x64xf32>
    %swap3A = arith.constant 0 : index
    %swap3A_19 = arith.constant 0 : index
    %swap3A_20 = vector.load %arg4[%swap3A, %swap3A_19] : memref<10000x64xf32, #tpu.memory_space<vmem>>, vector<10000x64xf32>
    tpu.vector_store %arg4[%swap3A, %swap3A_19], %div3A_18 {strides = array<i32>} : memref<10000x64xf32, #tpu.memory_space<vmem>>, vector<10000x64xf32>,
    return
  }
}

</mosaic_0001>

<sc_bundles>
// kernel: kernel.11.cloned.1.call-start
scs
__scs_entry_jumppad:
0x0: {  	(pc) =	sbr.rel $0x88, $3  }
0x1: {  	(tag) =	ssettag $0x0;
	lr =	simm.s32 $0x1  }
0x2: {  	[smem:$0x3F9A] =	sst lr;
	_ =	strace $0xD0000000  }
0x3: {  	_ = 	snop  }
0x4: {  	_ = 	snop  }
0x5: {  	_ = 	snop  }
0x6: {  	_ = 	snop  }
0x7: {  	_ = 	snop  }
__scs_overlays_trampoline_lowered:
0x8: {  	[smem:$0x3FA9] =	sst s0  }
0x9: {  	[smem:$0x3FAA] =	sst s1  }
0xa: {  	[smem:$0x3FAB] =	sst s2  }
0xb: {  	[smem:$0x3FAC] =	sst s3  }
0xc: {  	[smem:$0x3FAD] =	sst s4  }
0xd: {  	[smem:$0x3FAE] =	sst s5  }
0xe: {  	[smem:$0x3FAF] =	sst s6  }
0xf: {  	[smem:$0x3FB0] =	sst s7  }
0x10: {  	[smem:$0x3FB1] =	sst s8  }
0x11: {  	[smem:$0x3FB2] =	sst s9;
	s0 =	simm.s32 @!p0 $0x0  }
0x12: {  	s1 =	sld [smem:$0x3F98];
	s0 =	simm.s32 @p0 $0x1  }
0x13: {  	[smem:$0x3FB3] =	sst s0;
	s0 =	simm.s32 @!p1 $0x0  }
0x14: {  	s2 =	sld [smem:$0x3F97];
	s0 =	simm.s32 @p1 $0x1  }
0x15: {  	[smem:$0x3FB4] =	sst s0;
	s0 =	simm.s32 @!p2 $0x0  }
0x16: {  	s3 =	sld [smem:$0x3FDB];
	s0 =	simm.s32 @p2 $0x1  }
0x17: {  	s4 =	simm.s32 $0x1BF5;
	[smem:$0x3FB6] =	sst s0  }
0x18: {  	s0 =	sld [smem:$0x3F99];
	_ =	swait.ge [sflag:s4], $0x0  }
0x19: {  	s7 =	sld [smem:$0x3F9A]  }
0x1a: {  	s8 =	sadd.s32 $0xFFFFE003, lr  }
0x1b: {  	s9 =	sadd.s32 $0xFFFFFEF7, lr;
	s5 =	simm.s32 $0xFFFFFFFF;
	p2 =	slt.u32 s8, $0xFFFFF086  }
0x1c: {  	p1 =	slt.u32 s9, $0xF7A;
	s5 =	simm.s32 @!p2 $0x0  }
0x1d: {  	s5 =	simm.s32 @p1 $0x1;
	p0 =	seq.s32 s7, s2  }
0x1e: {  	s7 =	smul.u32 @!p0 $0xF7A, s2;
	p2 =	seq.s32 @!p0 s5, $0x0  }
0x1f: {  	s9 =	smul.u32 $0xF7A, s1;
	s8 =	simm.s32 @!p0 $0x1BF5;
	p2 =	por !p2, p0  }
0x20: {  	[sflag:s8] =	ssyncset.s32 @!p0 $0xFFFFF086;
	s6 =	sadd.s32 @!p0 s3, s7;
	s7 =	simm.s32 @!p0 $0x108  }
0x21: {  	s3 =	sadd.s32 s3, s9;
	s6 =	sadd.s32 @!p0 $0x88, s6;
	s7 =	simm.s32 @p2 $0x1082  }
0x22: {  	[simem:s7], [sflag:s8] =	dma.local @!p0 [hbm:s6], $0xF7A  }
0x23: {  	s9 =	sor.u32 $0xD0000000, s2;
	s6 =	simm.s32 $0x108;
	_ =	swait.ge @!p0 [sflag:s8], $0x0  }
0x24: {  	s3 =	sadd.s32 $0x88, s3;
	s6 =	simm.s32 @!p1 $0x1082;
	[sflag:s4] =	ssyncset.s32 $0xFFFFF086  }
0x25: {  	[simem:s6], [sflag:s4] =	dma.local [hbm:s3], $0xF7A  }
0x26: {  	[smem:$0x3F9A] =	sst s1;
	(tag) =	ssettag s2;
	_ =	strace s9  }
0x27: {  	s1 =	sld [smem:$0x3FAA]  }
0x28: {  	s2 =	sld [smem:$0x3FAB]  }
0x29: {  	s4 =	sld [smem:$0x3FAD]  }
0x2a: {  	p0 =	seq.s32 s5, $0x0;
	s5 =	sld [smem:$0x3FAE]  }
0x2b: {  	s6 =	sld [smem:$0x3FAF]  }
0x2c: {  	s7 =	sld [smem:$0x3FB0]  }
0x2d: {  	s3 =	simm.s32 $0x108;
	s8 =	sld [smem:$0x3FB1]  }
0x2e: {  	s3 =	simm.s32 @!p0 $0x1082;
	s9 =	sld [smem:$0x3FB2]  }
0x2f: {  	lr =	sadd.s32 s0, s3;
	s0 =	sld [smem:$0x3FA9]  }
0x30: {  	s3 =	sld [smem:$0x3FAC]  }
0x31: {  	[smem:$0x3FB5] =	sst s10  }
0x32: {  	s10 =	sld [smem:$0x3FB3];
	_ =	sdelay $0x3  }
0x33: {  	p0 =	seq.s32 s10, $0x1;
	s10 =	sld [smem:$0x3FB5];
	_ =	sdelay $0x3  }
0x34: {  	[smem:$0x3FB5] =	sst s10  }
0x35: {  	s10 =	sld [smem:$0x3FB4];
	_ =	sdelay $0x3  }
0x36: {  	p1 =	seq.s32 s10, $0x1;
	s10 =	sld [smem:$0x3FB5];
	_ =	sdelay $0x3  }
0x37: {  	[smem:$0x3FB5] =	sst s10  }
0x38: {  	s10 =	sld [smem:$0x3FB6]  }
0x39: {  	_ = 	snop;
	(pc) =	sbr.ind lr, $3  }
0x3a: {  	_ = 	snop  }
0x3b: {  	_ = 	snop  }
0x3c: {  	p2 =	seq.s32 s10, $0x1;
	s10 =	sld [smem:$0x3FB5]  }
0x3d: {  	_ =	shalt  }
0x3e: {  	_ =	shalt  }
0x3f: {  	_ =	shalt  }
0x40: {  	_ =	shalt  }
0x41: {  	_ =	shalt  }
0x42: {  	_ =	shalt  }
0x43: {  	_ =	shalt  }
0x44: {  	_ =	shalt  }
0x45: {  	_ =	shalt  }
0x46: {  	_ =	shalt  }
0x47: {  	_ =	shalt  }
0x48: {  	_ =	shalt  }
0x49: {  	_ =	shalt  }
0x4a: {  	_ =	shalt  }
0x4b: {  	_ =	shalt  }
0x4c: {  	_ =	shalt  }
0x4d: {  	_ =	shalt  }
0x4e: {  	_ =	shalt  }
0x4f: {  	_ =	shalt  }
0x50: {  	_ =	shalt  }
0x51: {  	_ =	shalt  }
0x52: {  	_ =	shalt  }
0x53: {  	_ =	shalt  }
0x54: {  	_ =	shalt  }
0x55: {  	_ =	shalt  }
0x56: {  	_ =	shalt  }
0x57: {  	_ =	shalt  }
0x58: {  	_ =	shalt  }
0x59: {  	_ =	shalt  }
0x5a: {  	_ =	shalt  }
0x5b: {  	_ =	shalt  }
0x5c: {  	_ =	shalt  }
0x5d: {  	_ =	shalt  }
0x5e: {  	_ =	shalt  }
0x5f: {  	_ =	shalt  }
0x60: {  	_ =	shalt  }
0x61: {  	_ =	shalt  }
0x62: {  	_ =	shalt  }
0x63: {  	_ =	shalt  }
0x64: {  	_ =	shalt  }
0x65: {  	_ =	shalt  }
0x66: {  	_ =	shalt  }
0x67: {  	_ =	shalt  }
0x68: {  	_ =	shalt  }
0x69: {  	_ =	shalt  }
0x6a: {  	_ =	shalt  }
0x6b: {  	_ =	shalt  }
0x6c: {  	_ =	shalt  }
0x6d: {  	_ =	shalt  }
0x6e: {  	_ =	shalt  }
0x6f: {  	_ =	shalt  }
0x70: {  	_ =	shalt  }
0x71: {  	_ =	shalt  }
0x72: {  	_ =	shalt  }
0x73: {  	_ =	shalt  }
0x74: {  	_ =	shalt  }
0x75: {  	_ =	shalt  }
0x76: {  	_ =	shalt  }
0x77: {  	_ =	shalt  }
0x78: {  	_ =	shalt  }
0x79: {  	_ =	shalt  }
0x7a: {  	_ =	shalt  }
0x7b: {  	_ =	shalt  }
0x7c: {  	_ =	shalt  }
0x7d: {  	_ =	shalt  }
0x7e: {  	_ =	shalt  }
0x7f: {  	_ =	shalt  }
0x80: {  	_ =	shalt  }
0x81: {  	_ =	shalt  }
0x82: {  	_ =	shalt  }
0x83: {  	_ =	shalt  }
0x84: {  	_ =	shalt  }
0x85: {  	_ =	shalt  }
0x86: {  	_ =	shalt  }
0x87: {  	_ =	shalt  }
.Lfunc_end0:
.L_simem_size_0:
called_computation.1_lowered:
.L_overlay_start_0:
0x88: {  	s0 =	sld [smem:$0x3FD9]  }
0x89: {  	s1 =	sld [smem:$0x3FFE];
	_ =	sdelay $0x3  }
0x8a: {  	s0 =	sadd.s32 s1, s0  }
0x8b: {  	[smem:$0x3FC1] =	sst s0  }
0x8c: {  	_ = 	snop  }
0x8d: {  	s0 =	sld [smem:$0x3FC7]  }
0x8e: {  	s16 =	sld [smem:$0x3FD0];
	(tm) =	ssettm $0x1  }
0x8f: {  	s2 =	sld [smem:$0x3FFB];
	_ =	sdelay $0x3  }
0x90: {  	_ =	strace s2  }
0x91: {  	s2 =	sld [smem:$0x3FFC];
	_ =	sdelay $0x3  }
0x92: {  	_ =	strace s2  }
0x93: {  	s2 =	sld [smem:$0x3FFD];
	_ =	sdelay $0x3  }
0x94: {  	_ =	strace s2  }
0x95: {  	_ =	strace $0x8FFFFFFF  }
0x96: {  	s17 =	sld [smem:$0x3FDB];
	_ =	sdelay $0x1  }
0x97: {  	s3 =	simm.s32 $_scs_section_size  }
0x98: {  	s4 =	simm.s32 $_size__tile_overlayer_lowered;
	s5 =	simm.s32 $_tile_overlayer_lowered  }
0x99: {  	s20 =	simm.s32 $0x1BFF;
	s19 =	sshll.u32 s5, $0x1;
	s2 =	sadd.s32 s3, s17  }
0x9a: {  	s6 =	simm.s32 $0x0;
	s18 =	sshll.u32 s4, $0x1;
	s4 =	sadd.s32 s19, s2  }
0x9b: {  	[timem:s6], [sflag:s20] =	dma.local [hbm:s4], s18  }
0x9c: {  	_ =	swait.ge [sflag:s20], s18  }
0x9d: {  	s3 =	ssub.s32 $0x0, s18;
	[sflag:s20] =	ssyncset.done $0x0  }
0x9e: {  	[sflag:s20] =	ssyncadd.s32 s3;
	_ =	sdelay $0x1  }
0x9f: {  	s21 =	simm.s32 $0x1B8B  }
0xa0: {  	_ =	swait.ge [sflag:s21], $0x1  }
0xa1: {  	[sflag:s21] =	ssyncset.done $0x0  }
0xa2: {  	s23 =	simm.s32 $0x1B8E;
	s22 =	sld [smem:$0x3FFE];
	[sflag:s21] =	ssyncadd.s32 $0xFFFFFFFF  }
0xa3: {  	s24 =	simm.s32 $execute0_lowered;
	[smem:$0x3FD2] =	sst s23  }
0xa4: {  	s4 =	sshll.u32 s24, $0x1;
	_ =	strace $0x80000049;
	[dreg:$0x1] =	wrdreg $0xFFFFFFFF  }
0xa5: {  	s25 =	simm.s32 $_size_execute0_lowered;
	s2 =	sadd.s32 s2, s4;
	[dreg:$0x0] =	wrdreg $0x0  }
0xa6: {  	s4 =	sshll.u32 s25, $0x1;
	[dreg:$0x2] =	wrdreg s2  }
0xa7: {  	[dreg:$0x3] =	wrdreg s4  }
0xa8: {  	[dreg:$0x4] =	wrdreg $0xC0  }
0xa9: {  	_ =	task [dreg:s6], $0x5FFFF  }
0xaa: {  	[dreg:$0x1] =	wrdreg $0xFFFFFFFF  }
0xab: {  	[dreg:$0x0] =	wrdreg $0x60  }
0xac: {  	[dreg:$0x2] =	wrdreg s22  }
0xad: {  	[dreg:$0x3] =	wrdreg s16  }
0xae: {  	[dreg:$0x4] =	wrdreg s0  }
0xaf: {  	[dreg:$0x5] =	wrdreg $0x0  }
0xb0: {  	[dreg:$0x6] =	wrdreg $0x9  }
0xb1: {  	_ =	task.clear_ibuf [dreg:s6], $0x7FFFF;
	_ =	strace $0x90000049  }
0xb2: {  	s26 =	simm.s32 $0x9;
	_ =	strace $0x8000004B  }
0xb3: {  	_ =	swait.ge [sflag:s26], $0x1  }
0xb4: {  	[sflag:s26] =	ssyncadd.s32 $0xFFFFFFFF  }
0xb5: {  	_ =	strace $0x9000004B  }
0xb6: {  	_ =	sfence  }
0xb7: {  	s28 =	sld [smem:$0x0];
	_ =	sdelay $0x1  }
0xb8: {  	s29 =	srdreg.scid  }
0xb9: {  	s30 =	sshll.u32 s29, $0xD;
	s31 =	sshrl.u32 s29, $0x2  }
0xba: {  	s1 =	sand.u32 $0x1, s29;
	s2 =	sand.u32 $0x4000, s30;
	s0 =	sadd.s32 s31, s28  }
0xbb: {  	s1 =	sor.u32 s2, s1;
	s0 =	sshll.u32 s0, $0x11  }
0xbc: {  	s0 =	sor.u32 s0, s1  }
0xbd: {  	s0 =	sadd.s32 $0x8F2B, s0  }
0xbe: {  	[sflag:s0] =	ssyncadd.remote.s32 $0x1  }
0xbf: {  	_ =	sfence.sel $0xFFFF  }
0xc0: {  	[dreg:$0x0] =	wrdreg $0xFFFFFFFF;
	(pc) =	sbr.abs _section_cstart, $3  }
0xc1: {  	[dreg:$0x1] =	wrdreg $0xFFFFFFFF  }
0xc2: {  	_ =	task.clear_ibuf [dreg:s6], $0x2FFFF;
	_ =	strace $0x9FFFFFFF  }
0xc3: {  	(tm) =	ssettm $0x7FFFFFFF  }
tec
execute0_lowered:
.L_overlay_start_1:
0x0: {  	(tag) =	ssettag $0x1  }
0x1: {  	s0 =	rddreg [dreg:$0x0]  }
0x2: {  	s30 =	rddreg [dreg:$0x1]  }
0x3: {  	s10 =	rddreg [dreg:$0x2]  }
0x4: {  	s5 =	rddreg [dreg:$0x3];
	s1 =	simm.s32 $0x0;
	s9 =	stileid.u32  }
0x5: {  	[smem:$0x7FF] =	sst s1;
	s6 =	sadd.s32 $0x2600, s0;
	s2 =	sadd.s32 $0x29800, s0  }
0x6: {  	v0 =	vimm.f32 $0.0e+00;
	s0 =	simm.s32 $0x0;
	s1 =	simm.s32 $0x200;
	_ =	strace $0x8000004A  }
.LBB2_1:
0x7: {  	p0 =	sne.s32 s1, $0xFE00;
	[tilespmem:s0+$0x14270] =	vst v0  }
0x8: {  	[tilespmem:s0+$0x14200] =	vst v0  }
0x9: {  	[tilespmem:s0+$0x14210] =	vst v0  }
.Ltmp0:
0xa: {  	[tilespmem:s0+$0x14220] =	vst v0;
	(pc) =	sbr.rel @p0 .LBB2_1-.Ltmp0, $4  }
0xb: {  	[tilespmem:s0+$0x14230] =	vst v0  }
0xc: {  	[tilespmem:s0+$0x14240] =	vst v0  }
0xd: {  	[tilespmem:s0+$0x14250] =	vst v0  }
0xe: {  	[tilespmem:s0+$0x14260] =	vst v0;
	s0 =	sshra.s32 s1, $0x2;
	s1 =	sadd.s32 $0x200, s1  }
0xf: {  	[tilespmem:s0+$0x14270] =	vst v0  }
0x10: {  	[tilespmem:s0+$0x14200] =	vst v0  }
0x11: {  	[tilespmem:s0+$0x14210] =	vst v0  }
0x12: {  	[tilespmem:s0+$0x14220] =	vst v0  }
0x13: {  	[tilespmem:s0+$0x14230] =	vst v0  }
0x14: {  	[tilespmem:s0+$0x14240] =	vst v0;
	s17 =	smul.u32 $0x14000, s9  }
0x15: {  	[tilespmem:s0+$0x14250] =	vst v0  }
0x16: {  	[tilespmem:s0+$0x14260] =	vst v0;
	s4 =	simm.s32 $0x14200;
	s3 =	simm.s32 $0x3;
	s19 =	sadd.s32 s17, s5  }
0x17: {  	[spmem:s19] =	stream.linear.scatter [tilespmem:s4], [sflag:$0x3], $0x4000, $0x38;
	[tilespmem:$0x1C320] =	vst v63  }
0x18: {  	_ =	swait.ge [sflag:s3], $0x4000  }
0x19: {  	s15 =	sadd.s32 $0x4000, s17;
	[sflag:s3] =	ssyncset.done $0x0  }
0x1a: {  	s18 =	sadd.s32 s15, s5;
	[sflag:s3] =	ssyncadd.s32 $0xFFFFC000  }
0x1b: {  	[spmem:s18] =	stream.linear.scatter [tilespmem:s4], [sflag:$0x3], $0x4000, $0x38;
	[tilespmem:$0x1C320] =	vst v63  }
0x1c: {  	_ =	swait.ge [sflag:s3], $0x4000  }
0x1d: {  	s12 =	sadd.s32 $0x8000, s17;
	[sflag:s3] =	ssyncset.done $0x0  }
0x1e: {  	s16 =	sadd.s32 s12, s5;
	[sflag:s3] =	ssyncadd.s32 $0xFFFFC000  }
0x1f: {  	[spmem:s16] =	stream.linear.scatter [tilespmem:s4], [sflag:$0x3], $0x4000, $0x38;
	[tilespmem:$0x1C320] =	vst v63  }
0x20: {  	_ =	swait.ge [sflag:s3], $0x4000  }
0x21: {  	s24 =	sadd.s32 $0xC000, s17;
	[sflag:s3] =	ssyncset.done $0x0  }
0x22: {  	s13 =	sadd.s32 s24, s5;
	[dreg:$0x6] =	wrdreg s24;
	[sflag:s3] =	ssyncadd.s32 $0xFFFFC000  }
0x23: {  	[spmem:s13] =	stream.linear.scatter [tilespmem:s4], [sflag:$0x3], $0x4000, $0x38;
	[tilespmem:$0x1C320] =	vst v63  }
0x24: {  	s25 =	smul.u32 $0x9C, s9;
	_ =	swait.ge [sflag:s3], $0x4000  }
0x25: {  	s1 =	smin.u32 s9, $0x2;
	s7 =	sadd.s32 $0x10000, s17;
	[sflag:s3] =	ssyncset.done $0x0  }
0x26: {  	s11 =	sadd.s32 s7, s5;
	[dreg:$0x5] =	wrdreg s7;
	[sflag:s3] =	ssyncadd.s32 $0xFFFFC000  }
0x27: {  	[spmem:s11] =	stream.linear.scatter [tilespmem:s4], [sflag:$0x3], $0x4000, $0x38;
	[tilespmem:$0x1C320] =	vst v63  }
0x28: {  	s1 =	sshll.u32 s1, $0x1;
	_ =	swait.ge [sflag:s3], $0x4000  }
0x29: {  	s20 =	sadd.s32 s25, s1;
	[sflag:s3] =	ssyncset.done $0x0  }
0x2a: {  	s14 =	simm.s32 $0x0;
	s0 =	sshll.u32 s20, $0x5;
	[sflag:s3] =	ssyncadd.s32 $0xFFFFC000  }
0x2b: {  	s21 =	simm.s32 $0x14000;
	s0 =	sadd.s32 s30, s0;
	[bflag:$0x0] =	sbarrier.arrive $0xFFFF  }
0x2c: {  	[tilespmem:s21], [sflag:$0x3] =	stream.linear.gather [hbm4b:s0+s14], $0x100, $0x38;
	[tilespmem:$0x1C320] =	vst v63  }
0x2d: {  	_ =	swait.ge [sflag:s3], $0x100  }
0x2e: {  	s1 =	sshll.u32 s20, $0x4;
	[sflag:s3] =	ssyncset.done $0x0  }
0x2f: {  	s22 =	simm.s32 $0x1C200;
	s1 =	sadd.s32 s10, s1;
	[sflag:s3] =	ssyncadd.s32 $0xFFFFFF00  }
0x30: {  	[tilespmem:s22], [sflag:$0x3] =	stream.linear.gather [hbm4b:s1+s14], $0x80, $0x38;
	[tilespmem:$0x1C320] =	vst v63  }
0x31: {  	_ =	swait.ge [sflag:s3], $0x80  }
0x32: {  	s26 =	sor.u32 $0x1, s20;
	[sflag:s3] =	ssyncset.done $0x0  }
0x33: {  	s23 =	simm.s32 $0x80;
	s8 =	sshll.u32 s26, $0x5;
	[sflag:s3] =	ssyncadd.s32 $0xFFFFFF80  }
0x34: {  	[tilespmem:s4], [sflag:$0x1] =	stream.indirect.gather [hbm4b:s6+s23], $0x80, s21, s23, $0xb8;
	[tilespmem:$0x1C320] =	vst v63  }
0x35: {  	s8 =	sadd.s32 s30, s8;
	s24 =	simm.s32 $0x14100  }
0x36: {  	[tilespmem:s24], [sflag:$0x3] =	stream.linear.gather [hbm4b:s8+s14], $0x100, $0x38;
	[tilespmem:$0x1C320] =	vst v63  }
0x37: {  	_ =	swait.ge [sflag:s3], $0x100  }
0x38: {  	s7 =	sshll.u32 s26, $0x4;
	[sflag:s3] =	ssyncset.done $0x0  }
0x39: {  	s25 =	simm.s32 $0x1C290;
	s7 =	sadd.s32 s10, s7;
	[sflag:s3] =	ssyncadd.s32 $0xFFFFFF00  }
0x3a: {  	[tilespmem:s25], [sflag:$0x3] =	stream.linear.gather [hbm4b:s7+s14], $0x80, $0x38;
	[tilespmem:$0x1C320] =	vst v63  }
0x3b: {  	_ =	swait.ge [sflag:s3], $0x80  }
0x3c: {  	[sflag:s3] =	ssyncset.done $0x0  }
0x3d: {  	s28 =	simm.s32 $0x18200;
	s26 =	simm.s32 $0x1;
	[sflag:s3] =	ssyncadd.s32 $0xFFFFFF80  }
0x3e: {  	[tilespmem:s28], [sflag:$0x2] =	stream.indirect.gather [hbm4b:s6+s23], $0x80, s24, s23, $0xb8;
	[tilespmem:$0x1C320] =	vst v63  }
0x3f: {  	_ =	swait.ge [sflag:s26], $0x4000  }
0x40: {  	[sflag:s26] =	ssyncset.done $0x0  }
0x41: {  	s29 =	simm.s32 $0x14080;
	s8 =	sadd.s32 $0x2, s20;
	[sflag:s26] =	ssyncadd.s32 $0xFFFFC000  }
0x42: {  	[spmem:s5] =	stream.indirect.scatter.add.f32 [tilespmem:s4], [sflag:$0x3], $0x80, s29, s23, $0xb8;
	[tilespmem:$0x1C320] =	vst v63  }
0x43: {  	s7 =	sshrl.u32 s8, $0x1;
	_ =	swait.ge [sflag:s3], $0x4000  }
0x44: {  	s8 =	sshll.u32 s7, $0x6;
	[sflag:s3] =	ssyncset.done $0x0  }
0x45: {  	s8 =	sadd.s32 s8, s30;
	[sflag:s3] =	ssyncadd.s32 $0xFFFFC000  }
0x46: {  	[tilespmem:s21], [sflag:$0x3] =	stream.linear.gather [hbm4b:s8+s14], $0x100, $0x38;
	[tilespmem:$0x1C320] =	vst v63  }
0x47: {  	_ =	swait.ge [sflag:s3], $0x100  }
0x48: {  	s7 =	sshll.u32 s7, $0x5;
	[sflag:s3] =	ssyncset.done $0x0  }
0x49: {  	s7 =	sadd.s32 s7, s10;
	[sflag:s3] =	ssyncadd.s32 $0xFFFFFF00  }
0x4a: {  	[tilespmem:s22], [sflag:$0x3] =	stream.linear.gather [hbm4b:s7+s14], $0x80, $0x38;
	[tilespmem:$0x1C320] =	vst v63  }
0x4b: {  	_ =	swait.ge [sflag:s3], $0x80  }
0x4c: {  	[sflag:s3] =	ssyncset.done $0x0  }
0x4d: {  	s30 =	simm.s32 $0x2;
	[sflag:s3] =	ssyncadd.s32 $0xFFFFFF80  }
0x4e: {  	[tilespmem:s4], [sflag:$0x1] =	stream.indirect.gather [hbm4b:s6+s23], $0x80, s21, s23, $0xb8;
	[tilespmem:$0x1C320] =	vst v63  }
0x4f: {  	_ =	swait.ge [sflag:s30], $0x4000  }
0x50: {  	[sflag:s30] =	ssyncset.done $0x0  }
0x51: {  	s31 =	simm.s32 $0x14180;
	[sflag:s30] =	ssyncadd.s32 $0xFFFFC000  }
0x52: {  	[spmem:s5] =	stream.indirect.scatter.add.f32 [tilespmem:s28], [sflag:$0x3], $0x80, s31, s23, $0xb8;
	[tilespmem:$0x1C320] =	vst v63  }
0x53: {  	_ =	swait.ge [sflag:s3], $0x4000  }
0x54: {  	p0 =	slt.u32 s9, $0x2;
	[sflag:s3] =	ssyncset.done $0x0  }
0x55: {  	s10 =	sadd.s32 $0x60, s0;
	s0 =	simm.s32 $0x4E;
	[sflag:s3] =	ssyncadd.s32 $0xFFFFC000  }
0x56: {  	[tilespmem:s24], [sflag:$0x3] =	stream.linear.gather [hbm4b:s10+s14], $0x100, $0x38;
	[tilespmem:$0x1C320] =	vst v63  }
0x57: {  	s0 =	simm.s32 @!p0 $0x4D;
	_ =	swait.ge [sflag:s3], $0x100  }
0x58: {  	p0 =	sne.s32 s0, $0x1;
	[sflag:s3] =	ssyncset.done $0x0  }
.Ltmp1:
0x59: {  	s1 =	sadd.s32 $0x30, s1;
	[sflag:s3] =	ssyncadd.s32 $0xFFFFFF00;
	(pc) =	sbr.rel @!p0 .LBB2_4-.Ltmp1, $4  }
0x5a: {  	[tilespmem:s25], [sflag:$0x3] =	stream.linear.gather [hbm4b:s1+s14], $0x80, $0x38;
	[tilespmem:$0x1C320] =	vst v63  }
0x5b: {  	s9 =	sadd.s32 $0x20, s1;
	_ =	swait.ge [sflag:s3], $0x80  }
0x5c: {  	s8 =	sadd.s32 $0x40, s8;
	s7 =	sadd.s32 $0x20, s7;
	[sflag:s3] =	ssyncset.done $0x0  }
0x5d: {  	s10 =	sadd.s32 $0x40, s10;
	s1 =	simm.s32 $0x1;
	[sflag:s3] =	ssyncadd.s32 $0xFFFFFF80  }
.LBB2_3:
0x5e: {  	[tilespmem:s28], [sflag:$0x2] =	stream.indirect.gather [hbm4b:s6+s23], $0x80, s24, s23, $0xb8;
	[tilespmem:$0x1C320] =	vst v63  }
0x5f: {  	s1 =	sadd.s32 $0x1, s1;
	_ =	swait.ge [sflag:s26], $0x4000  }
0x60: {  	p0 =	sne.s32 s0, s1;
	[sflag:s26] =	ssyncset.done $0x0  }
0x61: {  	[sflag:s26] =	ssyncadd.s32 $0xFFFFC000  }
0x62: {  	[spmem:s5] =	stream.indirect.scatter.add.f32 [tilespmem:s4], [sflag:$0x3], $0x80, s29, s23, $0xb8;
	[tilespmem:$0x1C320] =	vst v63  }
0x63: {  	_ =	swait.ge [sflag:s3], $0x4000  }
0x64: {  	[sflag:s3] =	ssyncset.done $0x0  }
0x65: {  	[sflag:s3] =	ssyncadd.s32 $0xFFFFC000  }
0x66: {  	[tilespmem:s21], [sflag:$0x3] =	stream.linear.gather [hbm4b:s8+s14], $0x100, $0x38;
	[tilespmem:$0x1C320] =	vst v63  }
0x67: {  	_ =	swait.ge [sflag:s3], $0x100  }
0x68: {  	[sflag:s3] =	ssyncset.done $0x0  }
0x69: {  	[sflag:s3] =	ssyncadd.s32 $0xFFFFFF00  }
0x6a: {  	[tilespmem:s22], [sflag:$0x3] =	stream.linear.gather [hbm4b:s7+s14], $0x80, $0x38;
	[tilespmem:$0x1C320] =	vst v63  }
0x6b: {  	_ =	swait.ge [sflag:s3], $0x80  }
0x6c: {  	[sflag:s3] =	ssyncset.done $0x0  }
0x6d: {  	[sflag:s3] =	ssyncadd.s32 $0xFFFFFF80  }
0x6e: {  	[tilespmem:s4], [sflag:$0x1] =	stream.indirect.gather [hbm4b:s6+s23], $0x80, s21, s23, $0xb8;
	[tilespmem:$0x1C320] =	vst v63  }
0x6f: {  	_ =	swait.ge [sflag:s30], $0x4000  }
0x70: {  	[sflag:s30] =	ssyncset.done $0x0  }
0x71: {  	[sflag:s30] =	ssyncadd.s32 $0xFFFFC000  }
0x72: {  	[spmem:s5] =	stream.indirect.scatter.add.f32 [tilespmem:s28], [sflag:$0x3], $0x80, s31, s23, $0xb8;
	[tilespmem:$0x1C320] =	vst v63  }
0x73: {  	_ =	swait.ge [sflag:s3], $0x4000  }
0x74: {  	[sflag:s3] =	ssyncset.done $0x0  }
0x75: {  	[sflag:s3] =	ssyncadd.s32 $0xFFFFC000  }
0x76: {  	[tilespmem:s24], [sflag:$0x3] =	stream.linear.gather [hbm4b:s10+s14], $0x100, $0x38;
	[tilespmem:$0x1C320] =	vst v63  }
0x77: {  	_ =	swait.ge [sflag:s3], $0x100  }
0x78: {  	[sflag:s3] =	ssyncset.done $0x0  }
.Ltmp2:
0x79: {  	[sflag:s3] =	ssyncadd.s32 $0xFFFFFF00;
	(pc) =	sbr.rel @p0 .LBB2_3-.Ltmp2, $4  }
0x7a: {  	[tilespmem:s25], [sflag:$0x3] =	stream.linear.gather [hbm4b:s9+s14], $0x80, $0x38;
	[tilespmem:$0x1C320] =	vst v63  }
0x7b: {  	_ =	swait.ge [sflag:s3], $0x80  }
0x7c: {  	s8 =	sadd.s32 $0x40, s8;
	s7 =	sadd.s32 $0x20, s7;
	[sflag:s3] =	ssyncset.done $0x0  }
0x7d: {  	s10 =	sadd.s32 $0x40, s10;
	s9 =	sadd.s32 $0x20, s9;
	[sflag:s3] =	ssyncadd.s32 $0xFFFFFF80  }
.LBB2_4:
0x7e: {  	[tilespmem:s28], [sflag:$0x2] =	stream.indirect.gather [hbm4b:s6+s23], $0x80, s24, s23, $0xb8;
	[tilespmem:$0x1C320] =	vst v63  }
0x7f: {  	_ =	swait.ge [sflag:s26], $0x4000  }
0x80: {  	[sflag:s26] =	ssyncset.done $0x0  }
0x81: {  	[sflag:s26] =	ssyncadd.s32 $0xFFFFC000  }
0x82: {  	[spmem:s5] =	stream.indirect.scatter.add.f32 [tilespmem:s4], [sflag:$0x3], $0x80, s29, s23, $0xb8;
	[tilespmem:$0x1C320] =	vst v63  }
0x83: {  	_ =	swait.ge [sflag:s3], $0x4000  }
0x84: {  	p0 =	slt.u32 s1, s0;
	[sflag:s3] =	ssyncset.done $0x0  }
0x85: {  	s0 =	sadd.s32 @p0 $0x9C, s20;
	[sflag:s3] =	ssyncadd.s32 $0xFFFFC000  }
0x86: {  	s1 =	sshll.u32 @p0 s0, $0x5;
	s22 =	rddreg [dreg:$0x1]  }
0x87: {  	s7 =	simm.s32 @p0 $0x0;
	s8 =	simm.s32 @p0 $0x14000;
	s1 =	sadd.s32 @p0 s22, s1  }
0x88: {  	[tilespmem:s8], [sflag:$0x3] =	stream.linear.gather @p0 [hbm4b:s1+s7], $0x100, $0x38;
	[tilespmem:$0x1C320] =	vst v63  }
0x89: {  	s1 =	simm.s32 @p0 $0x3  }
0x8a: {  	_ =	swait.ge @p0 [sflag:s1], $0x100  }
0x8b: {  	[sflag:s1] =	ssyncset.done @p0 $0x0  }
0x8c: {  	[sflag:s1] =	ssyncadd.s32 @p0 $0xFFFFFF00  }
0x8d: {  	s0 =	sshll.u32 @p0 s0, $0x4;
	s21 =	rddreg [dreg:$0x2]  }
0x8e: {  	s9 =	simm.s32 @p0 $0x1C200;
	s0 =	sadd.s32 @p0 s21, s0  }
0x8f: {  	[tilespmem:s9], [sflag:$0x3] =	stream.linear.gather @p0 [hbm4b:s0+s7], $0x80, $0x38;
	[tilespmem:$0x1C320] =	vst v63  }
0x90: {  	_ =	swait.ge @p0 [sflag:s1], $0x80  }
0x91: {  	[sflag:s1] =	ssyncset.done @p0 $0x0  }
0x92: {  	s0 =	simm.s32 @p0 $0x80;
	s9 =	simm.s32 @p0 $0x14200;
	[sflag:s1] =	ssyncadd.s32 @p0 $0xFFFFFF80  }
0x93: {  	[tilespmem:s9], [sflag:$0x1] =	stream.indirect.gather @p0 [hbm4b:s6+s0], $0x80, s8, s0, $0xb8;
	[tilespmem:$0x1C320] =	vst v63  }
0x94: {  	s8 =	simm.s32 @p0 $0x2  }
0x95: {  	_ =	swait.ge @p0 [sflag:s8], $0x4000  }
0x96: {  	[sflag:s8] =	ssyncset.done @p0 $0x0  }
0x97: {  	s9 =	simm.s32 @p0 $0x18200;
	[sflag:s8] =	ssyncadd.s32 @p0 $0xFFFFC000;
	s8 =	simm.s32 @p0 $0x14180  }
0x98: {  	[spmem:s5] =	stream.indirect.scatter.add.f32 @p0 [tilespmem:s9], [sflag:$0x3], $0x80, s8, s0, $0xb8;
	[tilespmem:$0x1C320] =	vst v63  }
0x99: {  	s8 =	sadd.s32 @p0 $0x9D, s20;
	_ =	swait.ge @p0 [sflag:s1], $0x4000  }
0x9a: {  	s10 =	sshll.u32 @p0 s8, $0x5;
	[sflag:s1] =	ssyncset.done @p0 $0x0  }
0x9b: {  	s20 =	simm.s32 @p0 $0x14100;
	s10 =	sadd.s32 @p0 s22, s10;
	[sflag:s1] =	ssyncadd.s32 @p0 $0xFFFFC000  }
0x9c: {  	[tilespmem:s20], [sflag:$0x3] =	stream.linear.gather @p0 [hbm4b:s10+s7], $0x100, $0x38;
	[tilespmem:$0x1C320] =	vst v63  }
0x9d: {  	_ =	swait.ge @p0 [sflag:s1], $0x100  }
0x9e: {  	s8 =	sshll.u32 @p0 s8, $0x4;
	[sflag:s1] =	ssyncset.done @p0 $0x0  }
0x9f: {  	s8 =	sadd.s32 @p0 s21, s8;
	s10 =	simm.s32 @p0 $0x1C290;
	[sflag:s1] =	ssyncadd.s32 @p0 $0xFFFFFF00  }
0xa0: {  	[tilespmem:s10], [sflag:$0x3] =	stream.linear.gather @p0 [hbm4b:s8+s7], $0x80, $0x38;
	[tilespmem:$0x1C320] =	vst v63  }
0xa1: {  	_ =	swait.ge @p0 [sflag:s1], $0x80  }
0xa2: {  	[sflag:s1] =	ssyncset.done @p0 $0x0  }
0xa3: {  	[sflag:s1] =	ssyncadd.s32 @p0 $0xFFFFFF80  }
0xa4: {  	[tilespmem:s9], [sflag:$0x2] =	stream.indirect.gather @p0 [hbm4b:s6+s0], $0x80, s20, s0, $0xb8;
	[tilespmem:$0x1C320] =	vst v63  }
0xa5: {  	s0 =	simm.s32 @!p0 $0x2  }
0xa6: {  	_ =	swait.ge @!p0 [sflag:s0], $0x4000  }
0xa7: {  	s1 =	simm.s32 @!p0 $0x14180;
	[sflag:s0] =	ssyncset.done @!p0 $0x0  }
0xa8: {  	s6 =	simm.s32 @!p0 $0x18200;
	[sflag:s0] =	ssyncadd.s32 @!p0 $0xFFFFC000;
	s0 =	simm.s32 @!p0 $0x80  }
0xa9: {  	[spmem:s5] =	stream.indirect.scatter.add.f32 @!p0 [tilespmem:s6], [sflag:$0x3], $0x80, s1, s0, $0xb8;
	[tilespmem:$0x1C320] =	vst v63  }
0xaa: {  	s0 =	simm.s32 @!p0 $0x3  }
0xab: {  	_ =	swait.ge @!p0 [sflag:s0], $0x4000  }
0xac: {  	[sflag:s0] =	ssyncset.done @!p0 $0x0  }
0xad: {  	[sflag:s0] =	ssyncadd.s32 @!p0 $0xFFFFC000  }
0xae: {  	[bflag:$0x0] =	sbarrier.arrive $0xFFFF  }
0xaf: {  	[tilespmem:s4], [sflag:$0x3] =	stream.linear.gather [spmem:s19], $0x4000, $0x38;
	[tilespmem:$0x1C320] =	vst v63  }
0xb0: {  	_ =	swait.ge [sflag:s3], $0x4000  }
0xb1: {  	s25 =	sshrl.u32 s17, $0x3;
	[sflag:s3] =	ssyncset.done $0x0  }
0xb2: {  	s0 =	sadd.s32 s2, s25;
	[sflag:s3] =	ssyncadd.s32 $0xFFFFC000  }
0xb3: {  	[hbm4b:s0+s14] =	stream.linear.scatter [tilespmem:s4], [sflag:$0x3], $0x4000, $0x38;
	[tilespmem:$0x1C320] =	vst v63  }
0xb4: {  	_ =	swait.ge [sflag:s3], $0x4000  }
0xb5: {  	[sflag:s3] =	ssyncset.done $0x0  }
0xb6: {  	[sflag:s3] =	ssyncadd.s32 $0xFFFFC000  }
0xb7: {  	[tilespmem:s4], [sflag:$0x3] =	stream.linear.gather [spmem:s18], $0x4000, $0x38;
	[tilespmem:$0x1C320] =	vst v63  }
0xb8: {  	_ =	swait.ge [sflag:s3], $0x4000  }
0xb9: {  	s26 =	sshrl.u32 s15, $0x3;
	[sflag:s3] =	ssyncset.done $0x0  }
0xba: {  	s0 =	sadd.s32 s2, s26;
	[sflag:s3] =	ssyncadd.s32 $0xFFFFC000  }
0xbb: {  	[hbm4b:s0+s14] =	stream.linear.scatter [tilespmem:s4], [sflag:$0x3], $0x4000, $0x38;
	[tilespmem:$0x1C320] =	vst v63  }
0xbc: {  	_ =	swait.ge [sflag:s3], $0x4000  }
0xbd: {  	[sflag:s3] =	ssyncset.done $0x0  }
0xbe: {  	[sflag:s3] =	ssyncadd.s32 $0xFFFFC000  }
0xbf: {  	[tilespmem:s4], [sflag:$0x3] =	stream.linear.gather [spmem:s16], $0x4000, $0x38;
	[tilespmem:$0x1C320] =	vst v63  }
0xc0: {  	_ =	swait.ge [sflag:s3], $0x4000  }
0xc1: {  	s28 =	sshrl.u32 s12, $0x3;
	[sflag:s3] =	ssyncset.done $0x0  }
0xc2: {  	s0 =	sadd.s32 s2, s28;
	[sflag:s3] =	ssyncadd.s32 $0xFFFFC000  }
0xc3: {  	[hbm4b:s0+s14] =	stream.linear.scatter [tilespmem:s4], [sflag:$0x3], $0x4000, $0x38;
	[tilespmem:$0x1C320] =	vst v63  }
0xc4: {  	_ =	swait.ge [sflag:s3], $0x4000  }
0xc5: {  	[sflag:s3] =	ssyncset.done $0x0  }
0xc6: {  	[sflag:s3] =	ssyncadd.s32 $0xFFFFC000  }
0xc7: {  	[tilespmem:s4], [sflag:$0x3] =	stream.linear.gather [spmem:s13], $0x4000, $0x38;
	[tilespmem:$0x1C320] =	vst v63  }
0xc8: {  	_ =	swait.ge [sflag:s3], $0x4000  }
0xc9: {  	s29 =	rddreg [dreg:$0x6]  }
0xca: {  	[sflag:s3] =	ssyncset.done $0x0;
	s0 =	sshrl.u32 s29, $0x3  }
0xcb: {  	[sflag:s3] =	ssyncadd.s32 $0xFFFFC000;
	s0 =	sadd.s32 s2, s0  }
0xcc: {  	[hbm4b:s0+s14] =	stream.linear.scatter [tilespmem:s4], [sflag:$0x3], $0x4000, $0x38;
	[tilespmem:$0x1C320] =	vst v63  }
0xcd: {  	_ =	swait.ge [sflag:s3], $0x4000  }
0xce: {  	[sflag:s3] =	ssyncset.done $0x0  }
0xcf: {  	[sflag:s3] =	ssyncadd.s32 $0xFFFFC000  }
0xd0: {  	[tilespmem:s4], [sflag:$0x3] =	stream.linear.gather [spmem:s11], $0x4000, $0x38;
	[tilespmem:$0x1C320] =	vst v63  }
0xd1: {  	_ =	swait.ge [sflag:s3], $0x4000  }
0xd2: {  	s30 =	rddreg [dreg:$0x5]  }
0xd3: {  	[sflag:s3] =	ssyncset.done $0x0;
	s0 =	sshrl.u32 s30, $0x3  }
0xd4: {  	[sflag:s3] =	ssyncadd.s32 $0xFFFFC000;
	s0 =	sadd.s32 s2, s0  }
0xd5: {  	[hbm4b:s0+s14] =	stream.linear.scatter [tilespmem:s4], [sflag:$0x3], $0x4000, $0x38;
	[tilespmem:$0x1C320] =	vst v63  }
0xd6: {  	_ =	swait.ge [sflag:s3], $0x4000  }
0xd7: {  	[sflag:s3] =	ssyncset.done $0x0  }
0xd8: {  	[sflag:s3] =	ssyncadd.s32 $0xFFFFC000  }
0xd9: {  	_ =	sfence.sel $0x180000  }
0xda: {  	[bflag:$0x0] =	sbarrier.arrive $0xFFFF  }
0xdb: {  	_ =	strace $0x9000004A  }
0xdc: {  	s31 =	stileid.u32;
	[bflag:$0x2] =	sbarrier.arrive $0xFFFF  }
0xdd: {  	p0 =	sne.s32 s31, $0x0;
	s0 =	rddreg [dreg:$0x4]  }
0xde: {  	s0 =	sadd.s32 @!p0 $0x100000, s0  }
0xdf: {  	[sflag:s0] =	ssyncadd.tile.s32 @!p0 $0x1;
	_ =	shalt  }
.Lfunc_end2:
_tile_overlayer_lowered:
.L_overlay_start_2:
0xe0: {  	(tag) =	ssettag $0x2  }
0xe1: {  	s0 =	rddreg [dreg:$0x0];
	s2 =	stileid.u32  }
0xe2: {  	s1 =	rddreg [dreg:$0x1];
	p0 =	sne.s32 s2, $0x0  }
0xe3: {  	s3 =	rddreg [dreg:$0x2];
	[bflag:$0x3] =	sbarrier.arrive $0xFFFF;
	s2 =	simm.s32 @!p0 $0x1C03  }
0xe4: {  	[timem:s3], [sflag:s2] =	dma.local @!p0 [hbm:s0], s1  }
0xe5: {  	s0 =	simm.s32 @!p0 $0x3  }
0xe6: {  	_ =	swait.ge @!p0 [sflag:s0], s1  }
0xe7: {  	s1 =	ssub.s32 @!p0 $0x0, s1;
	[sflag:s0] =	ssyncset.done @!p0 $0x0  }
0xe8: {  	[sflag:s0] =	ssyncadd.s32 @!p0 s1  }
0xe9: {  	[bflag:$0x3] =	sbarrier.arrive $0xFFFF  }
0xea: {  	_ =	shalt  }

// kernel: kernel.14.cloned.1.call-start
scs
__scs_entry_jumppad:
0x0: {  	(pc) =	sbr.rel $0x88, $3  }
0x1: {  	(tag) =	ssettag $0x0;
	lr =	simm.s32 $0x1  }
0x2: {  	[smem:$0x3F9A] =	sst lr;
	_ =	strace $0xD0000000  }
0x3: {  	_ = 	snop  }
0x4: {  	_ = 	snop  }
0x5: {  	_ = 	snop  }
0x6: {  	_ = 	snop  }
0x7: {  	_ = 	snop  }
__scs_overlays_trampoline_lowered:
0x8: {  	[smem:$0x3FA9] =	sst s0  }
0x9: {  	[smem:$0x3FAA] =	sst s1  }
0xa: {  	[smem:$0x3FAB] =	sst s2  }
0xb: {  	[smem:$0x3FAC] =	sst s3  }
0xc: {  	[smem:$0x3FAD] =	sst s4  }
0xd: {  	[smem:$0x3FAE] =	sst s5  }
0xe: {  	[smem:$0x3FAF] =	sst s6  }
0xf: {  	[smem:$0x3FB0] =	sst s7  }
0x10: {  	[smem:$0x3FB1] =	sst s8  }
0x11: {  	[smem:$0x3FB2] =	sst s9;
	s0 =	simm.s32 @!p0 $0x0  }
0x12: {  	s1 =	sld [smem:$0x3F98];
	s0 =	simm.s32 @p0 $0x1  }
0x13: {  	[smem:$0x3FB3] =	sst s0;
	s0 =	simm.s32 @!p1 $0x0  }
0x14: {  	s2 =	sld [smem:$0x3F97];
	s0 =	simm.s32 @p1 $0x1  }
0x15: {  	[smem:$0x3FB4] =	sst s0;
	s0 =	simm.s32 @!p2 $0x0  }
0x16: {  	s3 =	sld [smem:$0x3FDB];
	s0 =	simm.s32 @p2 $0x1  }
0x17: {  	s4 =	simm.s32 $0x1BF5;
	[smem:$0x3FB6] =	sst s0  }
0x18: {  	s0 =	sld [smem:$0x3F99];
	_ =	swait.ge [sflag:s4], $0x0  }
0x19: {  	s7 =	sld [smem:$0x3F9A]  }
0x1a: {  	s8 =	sadd.s32 $0xFFFFE003, lr  }
0x1b: {  	s9 =	sadd.s32 $0xFFFFFEF7, lr;
	s5 =	simm.s32 $0xFFFFFFFF;
	p2 =	slt.u32 s8, $0xFFFFF086  }
0x1c: {  	p1 =	slt.u32 s9, $0xF7A;
	s5 =	simm.s32 @!p2 $0x0  }
0x1d: {  	s5 =	simm.s32 @p1 $0x1;
	p0 =	seq.s32 s7, s2  }
0x1e: {  	s7 =	smul.u32 @!p0 $0xF7A, s2;
	p2 =	seq.s32 @!p0 s5, $0x0  }
0x1f: {  	s9 =	smul.u32 $0xF7A, s1;
	s8 =	simm.s32 @!p0 $0x1BF5;
	p2 =	por !p2, p0  }
0x20: {  	[sflag:s8] =	ssyncset.s32 @!p0 $0xFFFFF086;
	s6 =	sadd.s32 @!p0 s3, s7;
	s7 =	simm.s32 @!p0 $0x108  }
0x21: {  	s3 =	sadd.s32 s3, s9;
	s6 =	sadd.s32 @!p0 $0x88, s6;
	s7 =	simm.s32 @p2 $0x1082  }
0x22: {  	[simem:s7], [sflag:s8] =	dma.local @!p0 [hbm:s6], $0xF7A  }
0x23: {  	s9 =	sor.u32 $0xD0000000, s2;
	s6 =	simm.s32 $0x108;
	_ =	swait.ge @!p0 [sflag:s8], $0x0  }
0x24: {  	s3 =	sadd.s32 $0x88, s3;
	s6 =	simm.s32 @!p1 $0x1082;
	[sflag:s4] =	ssyncset.s32 $0xFFFFF086  }
0x25: {  	[simem:s6], [sflag:s4] =	dma.local [hbm:s3], $0xF7A  }
0x26: {  	[smem:$0x3F9A] =	sst s1;
	(tag) =	ssettag s2;
	_ =	strace s9  }
0x27: {  	s1 =	sld [smem:$0x3FAA]  }
0x28: {  	s2 =	sld [smem:$0x3FAB]  }
0x29: {  	s4 =	sld [smem:$0x3FAD]  }
0x2a: {  	p0 =	seq.s32 s5, $0x0;
	s5 =	sld [smem:$0x3FAE]  }
0x2b: {  	s6 =	sld [smem:$0x3FAF]  }
0x2c: {  	s7 =	sld [smem:$0x3FB0]  }
0x2d: {  	s3 =	simm.s32 $0x108;
	s8 =	sld [smem:$0x3FB1]  }
0x2e: {  	s3 =	simm.s32 @!p0 $0x1082;
	s9 =	sld [smem:$0x3FB2]  }
0x2f: {  	lr =	sadd.s32 s0, s3;
	s0 =	sld [smem:$0x3FA9]  }
0x30: {  	s3 =	sld [smem:$0x3FAC]  }
0x31: {  	[smem:$0x3FB5] =	sst s10  }
0x32: {  	s10 =	sld [smem:$0x3FB3];
	_ =	sdelay $0x3  }
0x33: {  	p0 =	seq.s32 s10, $0x1;
	s10 =	sld [smem:$0x3FB5];
	_ =	sdelay $0x3  }
0x34: {  	[smem:$0x3FB5] =	sst s10  }
0x35: {  	s10 =	sld [smem:$0x3FB4];
	_ =	sdelay $0x3  }
0x36: {  	p1 =	seq.s32 s10, $0x1;
	s10 =	sld [smem:$0x3FB5];
	_ =	sdelay $0x3  }
0x37: {  	[smem:$0x3FB5] =	sst s10  }
0x38: {  	s10 =	sld [smem:$0x3FB6]  }
0x39: {  	_ = 	snop;
	(pc) =	sbr.ind lr, $3  }
0x3a: {  	_ = 	snop  }
0x3b: {  	_ = 	snop  }
0x3c: {  	p2 =	seq.s32 s10, $0x1;
	s10 =	sld [smem:$0x3FB5]  }
0x3d: {  	_ =	shalt  }
0x3e: {  	_ =	shalt  }
0x3f: {  	_ =	shalt  }
0x40: {  	_ =	shalt  }
0x41: {  	_ =	shalt  }
0x42: {  	_ =	shalt  }
0x43: {  	_ =	shalt  }
0x44: {  	_ =	shalt  }
0x45: {  	_ =	shalt  }
0x46: {  	_ =	shalt  }
0x47: {  	_ =	shalt  }
0x48: {  	_ =	shalt  }
0x49: {  	_ =	shalt  }
0x4a: {  	_ =	shalt  }
0x4b: {  	_ =	shalt  }
0x4c: {  	_ =	shalt  }
0x4d: {  	_ =	shalt  }
0x4e: {  	_ =	shalt  }
0x4f: {  	_ =	shalt  }
0x50: {  	_ =	shalt  }
0x51: {  	_ =	shalt  }
0x52: {  	_ =	shalt  }
0x53: {  	_ =	shalt  }
0x54: {  	_ =	shalt  }
0x55: {  	_ =	shalt  }
0x56: {  	_ =	shalt  }
0x57: {  	_ =	shalt  }
0x58: {  	_ =	shalt  }
0x59: {  	_ =	shalt  }
0x5a: {  	_ =	shalt  }
0x5b: {  	_ =	shalt  }
0x5c: {  	_ =	shalt  }
0x5d: {  	_ =	shalt  }
0x5e: {  	_ =	shalt  }
0x5f: {  	_ =	shalt  }
0x60: {  	_ =	shalt  }
0x61: {  	_ =	shalt  }
0x62: {  	_ =	shalt  }
0x63: {  	_ =	shalt  }
0x64: {  	_ =	shalt  }
0x65: {  	_ =	shalt  }
0x66: {  	_ =	shalt  }
0x67: {  	_ =	shalt  }
0x68: {  	_ =	shalt  }
0x69: {  	_ =	shalt  }
0x6a: {  	_ =	shalt  }
0x6b: {  	_ =	shalt  }
0x6c: {  	_ =	shalt  }
0x6d: {  	_ =	shalt  }
0x6e: {  	_ =	shalt  }
0x6f: {  	_ =	shalt  }
0x70: {  	_ =	shalt  }
0x71: {  	_ =	shalt  }
0x72: {  	_ =	shalt  }
0x73: {  	_ =	shalt  }
0x74: {  	_ =	shalt  }
0x75: {  	_ =	shalt  }
0x76: {  	_ =	shalt  }
0x77: {  	_ =	shalt  }
0x78: {  	_ =	shalt  }
0x79: {  	_ =	shalt  }
0x7a: {  	_ =	shalt  }
0x7b: {  	_ =	shalt  }
0x7c: {  	_ =	shalt  }
0x7d: {  	_ =	shalt  }
0x7e: {  	_ =	shalt  }
0x7f: {  	_ =	shalt  }
0x80: {  	_ =	shalt  }
0x81: {  	_ =	shalt  }
0x82: {  	_ =	shalt  }
0x83: {  	_ =	shalt  }
0x84: {  	_ =	shalt  }
0x85: {  	_ =	shalt  }
0x86: {  	_ =	shalt  }
0x87: {  	_ =	shalt  }
.Lfunc_end0:
.L_simem_size_0:
called_computation.2_lowered:
.L_overlay_start_0:
0x88: {  	s0 =	sld [smem:$0x3FD9]  }
0x89: {  	s1 =	sld [smem:$0x3FFE];
	_ =	sdelay $0x3  }
0x8a: {  	s0 =	sadd.s32 s1, s0  }
0x8b: {  	[smem:$0x3FC1] =	sst s0  }
0x8c: {  	_ = 	snop  }
0x8d: {  	s0 =	sld [smem:$0x3FD0];
	(tm) =	ssettm $0x1  }
0x8e: {  	s16 =	sld [smem:$0x3FFB];
	_ =	sdelay $0x3  }
0x8f: {  	_ =	strace s16  }
0x90: {  	s1 =	sld [smem:$0x3FFC];
	_ =	sdelay $0x3  }
0x91: {  	_ =	strace s1  }
0x92: {  	s1 =	sld [smem:$0x3FFD];
	_ =	sdelay $0x3  }
0x93: {  	_ =	strace s1  }
0x94: {  	_ =	strace $0x8FFFFFFF  }
0x95: {  	s17 =	sld [smem:$0x3FDB];
	_ =	sdelay $0x1  }
0x96: {  	s2 =	simm.s32 $_scs_section_size  }
0x97: {  	s3 =	simm.s32 $_size__tile_overlayer_lowered;
	s4 =	simm.s32 $_tile_overlayer_lowered  }
0x98: {  	s20 =	simm.s32 $0x1BFF;
	s19 =	sshll.u32 s4, $0x1;
	s1 =	sadd.s32 s2, s17  }
0x99: {  	s5 =	simm.s32 $0x0;
	s18 =	sshll.u32 s3, $0x1;
	s3 =	sadd.s32 s19, s1  }
0x9a: {  	[timem:s5], [sflag:s20] =	dma.local [hbm:s3], s18  }
0x9b: {  	_ =	swait.ge [sflag:s20], s18  }
0x9c: {  	s2 =	ssub.s32 $0x0, s18;
	[sflag:s20] =	ssyncset.done $0x0  }
0x9d: {  	[sflag:s20] =	ssyncadd.s32 s2;
	_ =	sdelay $0x1  }
0x9e: {  	s21 =	simm.s32 $0x1B8B  }
0x9f: {  	_ =	swait.ge [sflag:s21], $0x1  }
0xa0: {  	[sflag:s21] =	ssyncset.done $0x0  }
0xa1: {  	s23 =	simm.s32 $0x1B8E;
	s22 =	sld [smem:$0x3FFE];
	[sflag:s21] =	ssyncadd.s32 $0xFFFFFFFF  }
0xa2: {  	s24 =	simm.s32 $execute0_lowered;
	[smem:$0x3FD2] =	sst s23  }
0xa3: {  	s3 =	sshll.u32 s24, $0x1;
	_ =	strace $0x8000004C;
	[dreg:$0x1] =	wrdreg $0xFFFFFFFF  }
0xa4: {  	s25 =	simm.s32 $_size_execute0_lowered;
	s1 =	sadd.s32 s1, s3;
	[dreg:$0x0] =	wrdreg $0x0  }
0xa5: {  	s3 =	sshll.u32 s25, $0x1;
	[dreg:$0x2] =	wrdreg s1  }
0xa6: {  	[dreg:$0x3] =	wrdreg s3  }
0xa7: {  	[dreg:$0x4] =	wrdreg $0xC0  }
0xa8: {  	_ =	task [dreg:s5], $0x5FFFF  }
0xa9: {  	[dreg:$0x1] =	wrdreg $0xFFFFFFFF  }
0xaa: {  	[dreg:$0x0] =	wrdreg $0x60  }
0xab: {  	[dreg:$0x2] =	wrdreg s22  }
0xac: {  	[dreg:$0x3] =	wrdreg s0  }
0xad: {  	[dreg:$0x4] =	wrdreg $0x0  }
0xae: {  	[dreg:$0x5] =	wrdreg $0x9  }
0xaf: {  	_ =	task.clear_ibuf [dreg:s5], $0x6FFFF;
	_ =	strace $0x9000004C  }
0xb0: {  	s26 =	simm.s32 $0x9;
	_ =	strace $0x8000004E  }
0xb1: {  	_ =	swait.ge [sflag:s26], $0x1  }
0xb2: {  	[sflag:s26] =	ssyncadd.s32 $0xFFFFFFFF  }
0xb3: {  	_ =	strace $0x9000004E  }
0xb4: {  	_ =	sfence  }
0xb5: {  	s28 =	sld [smem:$0x0];
	_ =	sdelay $0x1  }
0xb6: {  	s29 =	srdreg.scid  }
0xb7: {  	s30 =	sshll.u32 s29, $0xD;
	s31 =	sshrl.u32 s29, $0x2  }
0xb8: {  	s2 =	sand.u32 $0x4000, s30;
	s1 =	sand.u32 $0x1, s29;
	s0 =	sadd.s32 s31, s28  }
0xb9: {  	s1 =	sor.u32 s2, s1;
	s0 =	sshll.u32 s0, $0x11  }
0xba: {  	s0 =	sor.u32 s0, s1  }
0xbb: {  	s0 =	sadd.s32 $0x8F2B, s0  }
0xbc: {  	[sflag:s0] =	ssyncadd.remote.s32 $0x1  }
0xbd: {  	_ =	sfence.sel $0xFFFF  }
0xbe: {  	[dreg:$0x0] =	wrdreg $0xFFFFFFFF;
	(pc) =	sbr.abs _section_cstart, $3  }
0xbf: {  	[dreg:$0x1] =	wrdreg $0xFFFFFFFF  }
0xc0: {  	_ =	task.clear_ibuf [dreg:s5], $0x2FFFF;
	_ =	strace $0x9FFFFFFF  }
0xc1: {  	(tm) =	ssettm $0x7FFFFFFF  }
tec
execute0_lowered:
.L_overlay_start_1:
0x0: {  	(tag) =	ssettag $0x1  }
0x1: {  	s0 =	rddreg [dreg:$0x0]  }
0x2: {  	s17 =	rddreg [dreg:$0x1]  }
0x3: {  	s5 =	rddreg [dreg:$0x2];
	s1 =	simm.s32 $0x0;
	s29 =	stileid.u32  }
0x4: {  	s3 =	simm.s32 $0x200;
	[smem:$0x7FF] =	sst s1;
	s6 =	sadd.s32 $0x2600, s0  }
0x5: {  	v0 =	vimm.f32 $0.0e+00;
	s2 =	sadd.s32 $0x29800, s0;
	s0 =	simm.s32 $0x0;
	_ =	strace $0x8000004D  }
.LBB2_1:
0x6: {  	p0 =	sne.s32 s3, $0xFE00;
	[tilespmem:s0+$0x14270] =	vst v0  }
0x7: {  	[tilespmem:s0+$0x14200] =	vst v0  }
0x8: {  	[tilespmem:s0+$0x14210] =	vst v0  }
.Ltmp0:
0x9: {  	[tilespmem:s0+$0x14220] =	vst v0;
	(pc) =	sbr.rel @p0 .LBB2_1-.Ltmp0, $4  }
0xa: {  	[tilespmem:s0+$0x14230] =	vst v0  }
0xb: {  	[tilespmem:s0+$0x14240] =	vst v0  }
0xc: {  	[tilespmem:s0+$0x14250] =	vst v0  }
0xd: {  	[tilespmem:s0+$0x14260] =	vst v0;
	s0 =	sshra.s32 s3, $0x2;
	s3 =	sadd.s32 $0x200, s3  }
0xe: {  	[tilespmem:s0+$0x14270] =	vst v0  }
0xf: {  	[tilespmem:s0+$0x14200] =	vst v0  }
0x10: {  	[tilespmem:s0+$0x14210] =	vst v0  }
0x11: {  	[tilespmem:s0+$0x14220] =	vst v0  }
0x12: {  	[tilespmem:s0+$0x14230] =	vst v0  }
0x13: {  	[tilespmem:s0+$0x14240] =	vst v0;
	s15 =	smul.u32 $0x14000, s29  }
0x14: {  	[tilespmem:s0+$0x14250] =	vst v0  }
0x15: {  	[tilespmem:s0+$0x14260] =	vst v0;
	s4 =	simm.s32 $0x14200;
	s3 =	simm.s32 $0x3;
	s18 =	sadd.s32 s15, s5  }
0x16: {  	[spmem:s18] =	stream.linear.scatter [tilespmem:s4], [sflag:$0x3], $0x4000, $0x38;
	[tilespmem:$0x1C200] =	vst v63  }
0x17: {  	_ =	swait.ge [sflag:s3], $0x4000  }
0x18: {  	s13 =	sadd.s32 $0x4000, s15;
	[sflag:s3] =	ssyncset.done $0x0  }
0x19: {  	s16 =	sadd.s32 s13, s5;
	[sflag:s3] =	ssyncadd.s32 $0xFFFFC000  }
0x1a: {  	[spmem:s16] =	stream.linear.scatter [tilespmem:s4], [sflag:$0x3], $0x4000, $0x38;
	[tilespmem:$0x1C200] =	vst v63  }
0x1b: {  	_ =	swait.ge [sflag:s3], $0x4000  }
0x1c: {  	s10 =	sadd.s32 $0x8000, s15;
	[sflag:s3] =	ssyncset.done $0x0  }
0x1d: {  	s14 =	sadd.s32 s10, s5;
	[sflag:s3] =	ssyncadd.s32 $0xFFFFC000  }
0x1e: {  	[spmem:s14] =	stream.linear.scatter [tilespmem:s4], [sflag:$0x3], $0x4000, $0x38;
	[tilespmem:$0x1C200] =	vst v63  }
0x1f: {  	_ =	swait.ge [sflag:s3], $0x4000  }
0x20: {  	s8 =	sadd.s32 $0xC000, s15;
	[sflag:s3] =	ssyncset.done $0x0  }
0x21: {  	s11 =	sadd.s32 s8, s5;
	[sflag:s3] =	ssyncadd.s32 $0xFFFFC000  }
0x22: {  	[spmem:s11] =	stream.linear.scatter [tilespmem:s4], [sflag:$0x3], $0x4000, $0x38;
	[tilespmem:$0x1C200] =	vst v63  }
0x23: {  	_ =	swait.ge [sflag:s3], $0x4000  }
0x24: {  	s25 =	smul.u32 $0x9C, s29;
	s7 =	sadd.s32 $0x10000, s15;
	[sflag:s3] =	ssyncset.done $0x0  }
0x25: {  	s24 =	smin.u32 s29, $0x2;
	s9 =	sadd.s32 s7, s5;
	[sflag:s3] =	ssyncadd.s32 $0xFFFFC000  }
0x26: {  	[spmem:s9] =	stream.linear.scatter [tilespmem:s4], [sflag:$0x3], $0x4000, $0x38;
	[tilespmem:$0x1C200] =	vst v63  }
0x27: {  	s12 =	sshll.u32 s24, $0x1;
	_ =	swait.ge [sflag:s3], $0x4000  }
0x28: {  	s0 =	sadd.s32 s25, s12;
	[sflag:s3] =	ssyncset.done $0x0  }
0x29: {  	s20 =	simm.s32 $0x14000;
	s12 =	sshll.u32 s0, $0x5;
	[sflag:s3] =	ssyncadd.s32 $0xFFFFC000  }
0x2a: {  	s21 =	sadd.s32 s17, s12;
	s12 =	simm.s32 $0x0;
	[bflag:$0x0] =	sbarrier.arrive $0xFFFF  }
0x2b: {  	[tilespmem:s20], [sflag:$0x3] =	stream.linear.gather [hbm4b:s21+s12], $0x100, $0x38;
	[tilespmem:$0x1C200] =	vst v63  }
0x2c: {  	_ =	swait.ge [sflag:s3], $0x100  }
0x2d: {  	[sflag:s3] =	ssyncset.done $0x0  }
0x2e: {  	s19 =	simm.s32 $0x80;
	[sflag:s3] =	ssyncadd.s32 $0xFFFFFF00  }
0x2f: {  	[tilespmem:s4], [sflag:$0x1] =	stream.indirect.gather [hbm4b:s6+s19], $0x80, s20, s19, $0xb8;
	[tilespmem:$0x1C200] =	vst v63  }
0x30: {  	s22 =	sadd.s32 $0x20, s21;
	s21 =	simm.s32 $0x14100  }
0x31: {  	[tilespmem:s21], [sflag:$0x3] =	stream.linear.gather [hbm4b:s22+s12], $0x100, $0x38;
	[tilespmem:$0x1C200] =	vst v63  }
0x32: {  	_ =	swait.ge [sflag:s3], $0x100  }
0x33: {  	[sflag:s3] =	ssyncset.done $0x0  }
0x34: {  	s23 =	simm.s32 $0x18200;
	s22 =	simm.s32 $0x1;
	[sflag:s3] =	ssyncadd.s32 $0xFFFFFF00  }
0x35: {  	[tilespmem:s23], [sflag:$0x2] =	stream.indirect.gather [hbm4b:s6+s19], $0x80, s21, s19, $0xb8;
	[tilespmem:$0x1C200] =	vst v63  }
0x36: {  	s25 =	smul.u32 $0x9C00, s29;
	_ =	swait.ge [sflag:s22], $0x4000  }
0x37: {  	s24 =	sshll.u32 s24, $0x9;
	[sflag:s22] =	ssyncset.done $0x0  }
0x38: {  	s28 =	sadd.s32 s24, s25;
	s24 =	simm.s32 $0x14080;
	[sflag:s22] =	ssyncadd.s32 $0xFFFFC000  }
0x39: {  	[spmem:s5] =	stream.indirect.scatter.add.f32 [tilespmem:s4], [sflag:$0x3], $0x80, s24, s19, $0xb8;
	[tilespmem:$0x1C200] =	vst v63  }
0x3a: {  	s1 =	sadd.s32 $0x200, s28;
	_ =	swait.ge [sflag:s3], $0x4000  }
0x3b: {  	s26 =	sshrl.u32 s1, $0x3;
	[sflag:s3] =	ssyncset.done $0x0  }
0x3c: {  	s25 =	sadd.s32 s17, s26;
	[sflag:s3] =	ssyncadd.s32 $0xFFFFC000  }
0x3d: {  	[tilespmem:s20], [sflag:$0x3] =	stream.linear.gather [hbm4b:s25+s12], $0x100, $0x38;
	[tilespmem:$0x1C200] =	vst v63  }
0x3e: {  	_ =	swait.ge [sflag:s3], $0x100  }
0x3f: {  	[sflag:s3] =	ssyncset.done $0x0  }
0x40: {  	s25 =	simm.s32 $0x2;
	[sflag:s3] =	ssyncadd.s32 $0xFFFFFF00  }
0x41: {  	[tilespmem:s4], [sflag:$0x1] =	stream.indirect.gather [hbm4b:s6+s19], $0x80, s20, s19, $0xb8;
	[tilespmem:$0x1C200] =	vst v63  }
0x42: {  	s28 =	sadd.s32 $0x300, s28;
	_ =	swait.ge [sflag:s25], $0x4000  }
0x43: {  	p0 =	slt.u32 s29, $0x2;
	s29 =	sshrl.u32 s28, $0x3;
	[sflag:s25] =	ssyncset.done $0x0  }
0x44: {  	s28 =	simm.s32 $0x4E;
	s26 =	simm.s32 $0x14180;
	[sflag:s25] =	ssyncadd.s32 $0xFFFFC000  }
0x45: {  	[spmem:s5] =	stream.indirect.scatter.add.f32 [tilespmem:s23], [sflag:$0x3], $0x80, s26, s19, $0xb8;
	[tilespmem:$0x1C200] =	vst v63  }
0x46: {  	s28 =	simm.s32 @!p0 $0x4D;
	_ =	swait.ge [sflag:s3], $0x4000  }
0x47: {  	p0 =	sne.s32 s28, $0x1;
	[sflag:s3] =	ssyncset.done $0x0  }
.Ltmp1:
0x48: {  	s31 =	sadd.s32 s29, s17;
	[sflag:s3] =	ssyncadd.s32 $0xFFFFC000;
	(pc) =	sbr.rel @!p0 .LBB2_4-.Ltmp1, $4  }
0x49: {  	[tilespmem:s21], [sflag:$0x3] =	stream.linear.gather [hbm4b:s31+s12], $0x100, $0x38;
	[tilespmem:$0x1C200] =	vst v63  }
0x4a: {  	_ =	swait.ge [sflag:s3], $0x100  }
0x4b: {  	s30 =	simm.s32 $0x1;
	s29 =	sshll.u32 s0, $0x8;
	[sflag:s3] =	ssyncset.done $0x0  }
0x4c: {  	s0 =	sadd.s32 $0x200, s1;
	s31 =	sadd.s32 $0x40, s31;
	[sflag:s3] =	ssyncadd.s32 $0xFFFFFF00  }
.LBB2_3:
0x4d: {  	[tilespmem:s23], [sflag:$0x2] =	stream.indirect.gather [hbm4b:s6+s19], $0x80, s21, s19, $0xb8;
	[tilespmem:$0x1C200] =	vst v63  }
0x4e: {  	s30 =	sadd.s32 $0x1, s30;
	_ =	swait.ge [sflag:s22], $0x4000  }
0x4f: {  	p0 =	sne.s32 s28, s30;
	[sflag:s22] =	ssyncset.done $0x0  }
0x50: {  	[sflag:s22] =	ssyncadd.s32 $0xFFFFC000  }
0x51: {  	[spmem:s5] =	stream.indirect.scatter.add.f32 [tilespmem:s4], [sflag:$0x3], $0x80, s24, s19, $0xb8;
	[tilespmem:$0x1C200] =	vst v63  }
0x52: {  	_ =	swait.ge [sflag:s3], $0x4000  }
0x53: {  	s1 =	sshrl.u32 s0, $0x3;
	[sflag:s3] =	ssyncset.done $0x0  }
0x54: {  	s1 =	sadd.s32 s17, s1;
	[sflag:s3] =	ssyncadd.s32 $0xFFFFC000  }
0x55: {  	[tilespmem:s20], [sflag:$0x3] =	stream.linear.gather [hbm4b:s1+s12], $0x100, $0x38;
	[tilespmem:$0x1C200] =	vst v63  }
0x56: {  	_ =	swait.ge [sflag:s3], $0x100  }
0x57: {  	[sflag:s3] =	ssyncset.done $0x0  }
0x58: {  	[sflag:s3] =	ssyncadd.s32 $0xFFFFFF00  }
0x59: {  	[tilespmem:s4], [sflag:$0x1] =	stream.indirect.gather [hbm4b:s6+s19], $0x80, s20, s19, $0xb8;
	[tilespmem:$0x1C200] =	vst v63  }
0x5a: {  	_ =	swait.ge [sflag:s25], $0x4000  }
0x5b: {  	[sflag:s25] =	ssyncset.done $0x0  }
0x5c: {  	[sflag:s25] =	ssyncadd.s32 $0xFFFFC000  }
0x5d: {  	[spmem:s5] =	stream.indirect.scatter.add.f32 [tilespmem:s23], [sflag:$0x3], $0x80, s26, s19, $0xb8;
	[tilespmem:$0x1C200] =	vst v63  }
0x5e: {  	_ =	swait.ge [sflag:s3], $0x4000  }
0x5f: {  	[sflag:s3] =	ssyncset.done $0x0  }
.Ltmp2:
0x60: {  	[sflag:s3] =	ssyncadd.s32 $0xFFFFC000;
	(pc) =	sbr.rel @p0 .LBB2_3-.Ltmp2, $4  }
0x61: {  	[tilespmem:s21], [sflag:$0x3] =	stream.linear.gather [hbm4b:s31+s12], $0x100, $0x38;
	[tilespmem:$0x1C200] =	vst v63  }
0x62: {  	_ =	swait.ge [sflag:s3], $0x100  }
0x63: {  	[sflag:s3] =	ssyncset.done $0x0  }
0x64: {  	s0 =	sadd.s32 $0x200, s0;
	s31 =	sadd.s32 $0x40, s31;
	[sflag:s3] =	ssyncadd.s32 $0xFFFFFF00  }
.LBB2_4:
0x65: {  	[tilespmem:s23], [sflag:$0x2] =	stream.indirect.gather [hbm4b:s6+s19], $0x80, s21, s19, $0xb8;
	[tilespmem:$0x1C200] =	vst v63  }
0x66: {  	_ =	swait.ge [sflag:s22], $0x4000  }
0x67: {  	[sflag:s22] =	ssyncset.done $0x0  }
0x68: {  	p0 =	slt.u32 s30, s28;
	[sflag:s22] =	ssyncadd.s32 $0xFFFFC000  }
0x69: {  	[spmem:s5] =	stream.indirect.scatter.add.f32 [tilespmem:s4], [sflag:$0x3], $0x80, s24, s19, $0xb8;
	[tilespmem:$0x1C200] =	vst v63  }
0x6a: {  	s0 =	sshrl.u32 @p0 s29, $0x3;
	_ =	swait.ge [sflag:s3], $0x4000  }
0x6b: {  	s0 =	sadd.s32 @p0 s17, s0;
	s17 =	simm.s32 @p0 $0x0;
	[sflag:s3] =	ssyncset.done $0x0  }
0x6c: {  	s1 =	sadd.s32 @p0 $0x1380, s0;
	s19 =	simm.s32 @p0 $0x14000;
	[sflag:s3] =	ssyncadd.s32 $0xFFFFC000  }
0x6d: {  	[tilespmem:s19], [sflag:$0x3] =	stream.linear.gather @p0 [hbm4b:s1+s17], $0x100, $0x38;
	[tilespmem:$0x1C200] =	vst v63  }
0x6e: {  	s1 =	simm.s32 @p0 $0x3  }
0x6f: {  	_ =	swait.ge @p0 [sflag:s1], $0x100  }
0x70: {  	[sflag:s1] =	ssyncset.done @p0 $0x0  }
0x71: {  	s20 =	simm.s32 @p0 $0x80;
	s21 =	simm.s32 @p0 $0x14200;
	[sflag:s1] =	ssyncadd.s32 @p0 $0xFFFFFF00  }
0x72: {  	[tilespmem:s21], [sflag:$0x1] =	stream.indirect.gather @p0 [hbm4b:s6+s20], $0x80, s19, s20, $0xb8;
	[tilespmem:$0x1C200] =	vst v63  }
0x73: {  	s19 =	simm.s32 @p0 $0x2  }
0x74: {  	_ =	swait.ge @p0 [sflag:s19], $0x4000  }
0x75: {  	[sflag:s19] =	ssyncset.done @p0 $0x0  }
0x76: {  	s21 =	simm.s32 @p0 $0x18200;
	[sflag:s19] =	ssyncadd.s32 @p0 $0xFFFFC000;
	s19 =	simm.s32 @p0 $0x14180  }
0x77: {  	[spmem:s5] =	stream.indirect.scatter.add.f32 @p0 [tilespmem:s21], [sflag:$0x3], $0x80, s19, s20, $0xb8;
	[tilespmem:$0x1C200] =	vst v63  }
0x78: {  	_ =	swait.ge @p0 [sflag:s1], $0x4000  }
0x79: {  	[sflag:s1] =	ssyncset.done @p0 $0x0  }
0x7a: {  	s0 =	sadd.s32 @p0 $0x13A0, s0;
	s19 =	simm.s32 @p0 $0x14100;
	[sflag:s1] =	ssyncadd.s32 @p0 $0xFFFFC000  }
0x7b: {  	[tilespmem:s19], [sflag:$0x3] =	stream.linear.gather @p0 [hbm4b:s0+s17], $0x100, $0x38;
	[tilespmem:$0x1C200] =	vst v63  }
0x7c: {  	_ =	swait.ge @p0 [sflag:s1], $0x100  }
0x7d: {  	[sflag:s1] =	ssyncset.done @p0 $0x0  }
0x7e: {  	s0 =	simm.s32 @!p0 $0x2;
	[sflag:s1] =	ssyncadd.s32 @p0 $0xFFFFFF00  }
0x7f: {  	[tilespmem:s21], [sflag:$0x2] =	stream.indirect.gather @p0 [hbm4b:s6+s20], $0x80, s19, s20, $0xb8;
	[tilespmem:$0x1C200] =	vst v63  }
0x80: {  	_ =	swait.ge @!p0 [sflag:s0], $0x4000  }
0x81: {  	s1 =	simm.s32 @!p0 $0x14180;
	[sflag:s0] =	ssyncset.done @!p0 $0x0  }
0x82: {  	s6 =	simm.s32 @!p0 $0x18200;
	[sflag:s0] =	ssyncadd.s32 @!p0 $0xFFFFC000;
	s0 =	simm.s32 @!p0 $0x80  }
0x83: {  	[spmem:s5] =	stream.indirect.scatter.add.f32 @!p0 [tilespmem:s6], [sflag:$0x3], $0x80, s1, s0, $0xb8;
	[tilespmem:$0x1C200] =	vst v63  }
0x84: {  	s0 =	simm.s32 @!p0 $0x3  }
0x85: {  	_ =	swait.ge @!p0 [sflag:s0], $0x4000  }
0x86: {  	[sflag:s0] =	ssyncset.done @!p0 $0x0  }
0x87: {  	[sflag:s0] =	ssyncadd.s32 @!p0 $0xFFFFC000  }
0x88: {  	[bflag:$0x0] =	sbarrier.arrive $0xFFFF  }
0x89: {  	[tilespmem:s4], [sflag:$0x3] =	stream.linear.gather [spmem:s18], $0x4000, $0x38;
	[tilespmem:$0x1C200] =	vst v63  }
0x8a: {  	_ =	swait.ge [sflag:s3], $0x4000  }
0x8b: {  	s25 =	sshrl.u32 s15, $0x3;
	[sflag:s3] =	ssyncset.done $0x0  }
0x8c: {  	s0 =	sadd.s32 s2, s25;
	[sflag:s3] =	ssyncadd.s32 $0xFFFFC000  }
0x8d: {  	[hbm4b:s0+s12] =	stream.linear.scatter [tilespmem:s4], [sflag:$0x3], $0x4000, $0x38;
	[tilespmem:$0x1C200] =	vst v63  }
0x8e: {  	_ =	swait.ge [sflag:s3], $0x4000  }
0x8f: {  	[sflag:s3] =	ssyncset.done $0x0  }
0x90: {  	[sflag:s3] =	ssyncadd.s32 $0xFFFFC000  }
0x91: {  	[tilespmem:s4], [sflag:$0x3] =	stream.linear.gather [spmem:s16], $0x4000, $0x38;
	[tilespmem:$0x1C200] =	vst v63  }
0x92: {  	_ =	swait.ge [sflag:s3], $0x4000  }
0x93: {  	s26 =	sshrl.u32 s13, $0x3;
	[sflag:s3] =	ssyncset.done $0x0  }
0x94: {  	s0 =	sadd.s32 s2, s26;
	[sflag:s3] =	ssyncadd.s32 $0xFFFFC000  }
0x95: {  	[hbm4b:s0+s12] =	stream.linear.scatter [tilespmem:s4], [sflag:$0x3], $0x4000, $0x38;
	[tilespmem:$0x1C200] =	vst v63  }
0x96: {  	_ =	swait.ge [sflag:s3], $0x4000  }
0x97: {  	[sflag:s3] =	ssyncset.done $0x0  }
0x98: {  	[sflag:s3] =	ssyncadd.s32 $0xFFFFC000  }
0x99: {  	[tilespmem:s4], [sflag:$0x3] =	stream.linear.gather [spmem:s14], $0x4000, $0x38;
	[tilespmem:$0x1C200] =	vst v63  }
0x9a: {  	_ =	swait.ge [sflag:s3], $0x4000  }
0x9b: {  	s28 =	sshrl.u32 s10, $0x3;
	[sflag:s3] =	ssyncset.done $0x0  }
0x9c: {  	s0 =	sadd.s32 s2, s28;
	[sflag:s3] =	ssyncadd.s32 $0xFFFFC000  }
0x9d: {  	[hbm4b:s0+s12] =	stream.linear.scatter [tilespmem:s4], [sflag:$0x3], $0x4000, $0x38;
	[tilespmem:$0x1C200] =	vst v63  }
0x9e: {  	_ =	swait.ge [sflag:s3], $0x4000  }
0x9f: {  	[sflag:s3] =	ssyncset.done $0x0  }
0xa0: {  	[sflag:s3] =	ssyncadd.s32 $0xFFFFC000  }
0xa1: {  	[tilespmem:s4], [sflag:$0x3] =	stream.linear.gather [spmem:s11], $0x4000, $0x38;
	[tilespmem:$0x1C200] =	vst v63  }
0xa2: {  	_ =	swait.ge [sflag:s3], $0x4000  }
0xa3: {  	s29 =	sshrl.u32 s8, $0x3;
	[sflag:s3] =	ssyncset.done $0x0  }
0xa4: {  	s0 =	sadd.s32 s2, s29;
	[sflag:s3] =	ssyncadd.s32 $0xFFFFC000  }
0xa5: {  	[hbm4b:s0+s12] =	stream.linear.scatter [tilespmem:s4], [sflag:$0x3], $0x4000, $0x38;
	[tilespmem:$0x1C200] =	vst v63  }
0xa6: {  	_ =	swait.ge [sflag:s3], $0x4000  }
0xa7: {  	[sflag:s3] =	ssyncset.done $0x0  }
0xa8: {  	[sflag:s3] =	ssyncadd.s32 $0xFFFFC000  }
0xa9: {  	[tilespmem:s4], [sflag:$0x3] =	stream.linear.gather [spmem:s9], $0x4000, $0x38;
	[tilespmem:$0x1C200] =	vst v63  }
0xaa: {  	_ =	swait.ge [sflag:s3], $0x4000  }
0xab: {  	s30 =	sshrl.u32 s7, $0x3;
	[sflag:s3] =	ssyncset.done $0x0  }
0xac: {  	s0 =	sadd.s32 s2, s30;
	[sflag:s3] =	ssyncadd.s32 $0xFFFFC000  }
0xad: {  	[hbm4b:s0+s12] =	stream.linear.scatter [tilespmem:s4], [sflag:$0x3], $0x4000, $0x38;
	[tilespmem:$0x1C200] =	vst v63  }
0xae: {  	_ =	swait.ge [sflag:s3], $0x4000  }
0xaf: {  	[sflag:s3] =	ssyncset.done $0x0  }
0xb0: {  	[sflag:s3] =	ssyncadd.s32 $0xFFFFC000  }
0xb1: {  	_ =	sfence.sel $0x180000  }
0xb2: {  	[bflag:$0x0] =	sbarrier.arrive $0xFFFF  }
0xb3: {  	_ =	strace $0x9000004D  }
0xb4: {  	s31 =	stileid.u32;
	[bflag:$0x2] =	sbarrier.arrive $0xFFFF  }
0xb5: {  	p0 =	sne.s32 s31, $0x0;
	s0 =	rddreg [dreg:$0x3]  }
0xb6: {  	s0 =	sadd.s32 @!p0 $0x100000, s0  }
0xb7: {  	[sflag:s0] =	ssyncadd.tile.s32 @!p0 $0x1;
	_ =	shalt  }
.Lfunc_end2:
_tile_overlayer_lowered:
.L_overlay_start_2:
0xb8: {  	(tag) =	ssettag $0x2  }
0xb9: {  	s0 =	rddreg [dreg:$0x0];
	s2 =	stileid.u32  }
0xba: {  	s1 =	rddreg [dreg:$0x1];
	p0 =	sne.s32 s2, $0x0  }
0xbb: {  	s3 =	rddreg [dreg:$0x2];
	[bflag:$0x3] =	sbarrier.arrive $0xFFFF;
	s2 =	simm.s32 @!p0 $0x1C03  }
0xbc: {  	[timem:s3], [sflag:s2] =	dma.local @!p0 [hbm:s0], s1  }
0xbd: {  	s0 =	simm.s32 @!p0 $0x3  }
0xbe: {  	_ =	swait.ge @!p0 [sflag:s0], s1  }
0xbf: {  	s1 =	ssub.s32 @!p0 $0x0, s1;
	[sflag:s0] =	ssyncset.done @!p0 $0x0  }
0xc0: {  	[sflag:s0] =	ssyncadd.s32 @!p0 s1  }
0xc1: {  	[bflag:$0x3] =	sbarrier.arrive $0xFFFF  }
0xc2: {  	_ =	shalt  }

// kernel: kernel.8.cloned.1.call-start
scs
__scs_entry_jumppad:
0x0: {  	(pc) =	sbr.rel $0x88, $3  }
0x1: {  	(tag) =	ssettag $0x0;
	lr =	simm.s32 $0x1  }
0x2: {  	[smem:$0x3F9A] =	sst lr;
	_ =	strace $0xD0000000  }
0x3: {  	_ = 	snop  }
0x4: {  	_ = 	snop  }
0x5: {  	_ = 	snop  }
0x6: {  	_ = 	snop  }
0x7: {  	_ = 	snop  }
__scs_overlays_trampoline_lowered:
0x8: {  	[smem:$0x3FA9] =	sst s0  }
0x9: {  	[smem:$0x3FAA] =	sst s1  }
0xa: {  	[smem:$0x3FAB] =	sst s2  }
0xb: {  	[smem:$0x3FAC] =	sst s3  }
0xc: {  	[smem:$0x3FAD] =	sst s4  }
0xd: {  	[smem:$0x3FAE] =	sst s5  }
0xe: {  	[smem:$0x3FAF] =	sst s6  }
0xf: {  	[smem:$0x3FB0] =	sst s7  }
0x10: {  	[smem:$0x3FB1] =	sst s8  }
0x11: {  	[smem:$0x3FB2] =	sst s9;
	s0 =	simm.s32 @!p0 $0x0  }
0x12: {  	s1 =	sld [smem:$0x3F98];
	s0 =	simm.s32 @p0 $0x1  }
0x13: {  	[smem:$0x3FB3] =	sst s0;
	s0 =	simm.s32 @!p1 $0x0  }
0x14: {  	s2 =	sld [smem:$0x3F97];
	s0 =	simm.s32 @p1 $0x1  }
0x15: {  	[smem:$0x3FB4] =	sst s0;
	s0 =	simm.s32 @!p2 $0x0  }
0x16: {  	s3 =	sld [smem:$0x3FDB];
	s0 =	simm.s32 @p2 $0x1  }
0x17: {  	s4 =	simm.s32 $0x1BF5;
	[smem:$0x3FB6] =	sst s0  }
0x18: {  	s0 =	sld [smem:$0x3F99];
	_ =	swait.ge [sflag:s4], $0x0  }
0x19: {  	s7 =	sld [smem:$0x3F9A]  }
0x1a: {  	s8 =	sadd.s32 $0xFFFFE003, lr  }
0x1b: {  	s9 =	sadd.s32 $0xFFFFFEF7, lr;
	s5 =	simm.s32 $0xFFFFFFFF;
	p2 =	slt.u32 s8, $0xFFFFF086  }
0x1c: {  	p1 =	slt.u32 s9, $0xF7A;
	s5 =	simm.s32 @!p2 $0x0  }
0x1d: {  	s5 =	simm.s32 @p1 $0x1;
	p0 =	seq.s32 s7, s2  }
0x1e: {  	s7 =	smul.u32 @!p0 $0xF7A, s2;
	p2 =	seq.s32 @!p0 s5, $0x0  }
0x1f: {  	s9 =	smul.u32 $0xF7A, s1;
	s8 =	simm.s32 @!p0 $0x1BF5;
	p2 =	por !p2, p0  }
0x20: {  	[sflag:s8] =	ssyncset.s32 @!p0 $0xFFFFF086;
	s6 =	sadd.s32 @!p0 s3, s7;
	s7 =	simm.s32 @!p0 $0x108  }
0x21: {  	s3 =	sadd.s32 s3, s9;
	s6 =	sadd.s32 @!p0 $0x88, s6;
	s7 =	simm.s32 @p2 $0x1082  }
0x22: {  	[simem:s7], [sflag:s8] =	dma.local @!p0 [hbm:s6], $0xF7A  }
0x23: {  	s9 =	sor.u32 $0xD0000000, s2;
	s6 =	simm.s32 $0x108;
	_ =	swait.ge @!p0 [sflag:s8], $0x0  }
0x24: {  	s3 =	sadd.s32 $0x88, s3;
	s6 =	simm.s32 @!p1 $0x1082;
	[sflag:s4] =	ssyncset.s32 $0xFFFFF086  }
0x25: {  	[simem:s6], [sflag:s4] =	dma.local [hbm:s3], $0xF7A  }
0x26: {  	[smem:$0x3F9A] =	sst s1;
	(tag) =	ssettag s2;
	_ =	strace s9  }
0x27: {  	s1 =	sld [smem:$0x3FAA]  }
0x28: {  	s2 =	sld [smem:$0x3FAB]  }
0x29: {  	s4 =	sld [smem:$0x3FAD]  }
0x2a: {  	p0 =	seq.s32 s5, $0x0;
	s5 =	sld [smem:$0x3FAE]  }
0x2b: {  	s6 =	sld [smem:$0x3FAF]  }
0x2c: {  	s7 =	sld [smem:$0x3FB0]  }
0x2d: {  	s3 =	simm.s32 $0x108;
	s8 =	sld [smem:$0x3FB1]  }
0x2e: {  	s3 =	simm.s32 @!p0 $0x1082;
	s9 =	sld [smem:$0x3FB2]  }
0x2f: {  	lr =	sadd.s32 s0, s3;
	s0 =	sld [smem:$0x3FA9]  }
0x30: {  	s3 =	sld [smem:$0x3FAC]  }
0x31: {  	[smem:$0x3FB5] =	sst s10  }
0x32: {  	s10 =	sld [smem:$0x3FB3];
	_ =	sdelay $0x3  }
0x33: {  	p0 =	seq.s32 s10, $0x1;
	s10 =	sld [smem:$0x3FB5];
	_ =	sdelay $0x3  }
0x34: {  	[smem:$0x3FB5] =	sst s10  }
0x35: {  	s10 =	sld [smem:$0x3FB4];
	_ =	sdelay $0x3  }
0x36: {  	p1 =	seq.s32 s10, $0x1;
	s10 =	sld [smem:$0x3FB5];
	_ =	sdelay $0x3  }
0x37: {  	[smem:$0x3FB5] =	sst s10  }
0x38: {  	s10 =	sld [smem:$0x3FB6]  }
0x39: {  	_ = 	snop;
	(pc) =	sbr.ind lr, $3  }
0x3a: {  	_ = 	snop  }
0x3b: {  	_ = 	snop  }
0x3c: {  	p2 =	seq.s32 s10, $0x1;
	s10 =	sld [smem:$0x3FB5]  }
0x3d: {  	_ =	shalt  }
0x3e: {  	_ =	shalt  }
0x3f: {  	_ =	shalt  }
0x40: {  	_ =	shalt  }
0x41: {  	_ =	shalt  }
0x42: {  	_ =	shalt  }
0x43: {  	_ =	shalt  }
0x44: {  	_ =	shalt  }
0x45: {  	_ =	shalt  }
0x46: {  	_ =	shalt  }
0x47: {  	_ =	shalt  }
0x48: {  	_ =	shalt  }
0x49: {  	_ =	shalt  }
0x4a: {  	_ =	shalt  }
0x4b: {  	_ =	shalt  }
0x4c: {  	_ =	shalt  }
0x4d: {  	_ =	shalt  }
0x4e: {  	_ =	shalt  }
0x4f: {  	_ =	shalt  }
0x50: {  	_ =	shalt  }
0x51: {  	_ =	shalt  }
0x52: {  	_ =	shalt  }
0x53: {  	_ =	shalt  }
0x54: {  	_ =	shalt  }
0x55: {  	_ =	shalt  }
0x56: {  	_ =	shalt  }
0x57: {  	_ =	shalt  }
0x58: {  	_ =	shalt  }
0x59: {  	_ =	shalt  }
0x5a: {  	_ =	shalt  }
0x5b: {  	_ =	shalt  }
0x5c: {  	_ =	shalt  }
0x5d: {  	_ =	shalt  }
0x5e: {  	_ =	shalt  }
0x5f: {  	_ =	shalt  }
0x60: {  	_ =	shalt  }
0x61: {  	_ =	shalt  }
0x62: {  	_ =	shalt  }
0x63: {  	_ =	shalt  }
0x64: {  	_ =	shalt  }
0x65: {  	_ =	shalt  }
0x66: {  	_ =	shalt  }
0x67: {  	_ =	shalt  }
0x68: {  	_ =	shalt  }
0x69: {  	_ =	shalt  }
0x6a: {  	_ =	shalt  }
0x6b: {  	_ =	shalt  }
0x6c: {  	_ =	shalt  }
0x6d: {  	_ =	shalt  }
0x6e: {  	_ =	shalt  }
0x6f: {  	_ =	shalt  }
0x70: {  	_ =	shalt  }
0x71: {  	_ =	shalt  }
0x72: {  	_ =	shalt  }
0x73: {  	_ =	shalt  }
0x74: {  	_ =	shalt  }
0x75: {  	_ =	shalt  }
0x76: {  	_ =	shalt  }
0x77: {  	_ =	shalt  }
0x78: {  	_ =	shalt  }
0x79: {  	_ =	shalt  }
0x7a: {  	_ =	shalt  }
0x7b: {  	_ =	shalt  }
0x7c: {  	_ =	shalt  }
0x7d: {  	_ =	shalt  }
0x7e: {  	_ =	shalt  }
0x7f: {  	_ =	shalt  }
0x80: {  	_ =	shalt  }
0x81: {  	_ =	shalt  }
0x82: {  	_ =	shalt  }
0x83: {  	_ =	shalt  }
0x84: {  	_ =	shalt  }
0x85: {  	_ =	shalt  }
0x86: {  	_ =	shalt  }
0x87: {  	_ =	shalt  }
.Lfunc_end0:
.L_simem_size_0:
called_computation_lowered:
.L_overlay_start_0:
0x88: {  	s2 =	sld [smem:$0x3FD9]  }
0x89: {  	s3 =	sld [smem:$0x3FFE];
	_ =	sdelay $0x1  }
0x8a: {  	s1 =	srdreg.scid  }
0x8b: {  	s0 =	sand.u32 $0x1, s1  }
0x8c: {  	s16 =	sshll.u32 s0, $0xA;
	s2 =	sadd.s32 s3, s2  }
0x8d: {  	s2 =	sadd.s32 s2, s16  }
0x8e: {  	[smem:$0x3FC1] =	sst s2  }
0x8f: {  	_ = 	snop  }
0x90: {  	(tm) =	ssettm $0x1  }
0x91: {  	s17 =	sld [smem:$0x3FFB];
	_ =	sdelay $0x3  }
0x92: {  	_ =	strace s17  }
0x93: {  	s2 =	sld [smem:$0x3FFC];
	_ =	sdelay $0x3  }
0x94: {  	_ =	strace s2  }
0x95: {  	s2 =	sld [smem:$0x3FFD];
	_ =	sdelay $0x3  }
0x96: {  	_ =	strace s2  }
0x97: {  	_ =	strace $0x8FFFFFFF  }
0x98: {  	s18 =	sld [smem:$0x3FDB];
	_ =	sdelay $0x1  }
0x99: {  	s19 =	simm.s32 $_scs_section_size  }
0x9a: {  	s4 =	simm.s32 $_size__tile_overlayer_lowered;
	s5 =	simm.s32 $_tile_overlayer_lowered  }
0x9b: {  	s22 =	simm.s32 $0x1BFF;
	s21 =	sshll.u32 s5, $0x1;
	s2 =	sadd.s32 s19, s18  }
0x9c: {  	s6 =	simm.s32 $0x0;
	s20 =	sshll.u32 s4, $0x1;
	s4 =	sadd.s32 s21, s2  }
0x9d: {  	[timem:s6], [sflag:s22] =	dma.local [hbm:s4], s20  }
0x9e: {  	_ =	swait.ge [sflag:s22], s20  }
0x9f: {  	s3 =	ssub.s32 $0x0, s20;
	[sflag:s22] =	ssyncset.done $0x0  }
0xa0: {  	[sflag:s22] =	ssyncadd.s32 s3;
	_ =	sdelay $0x1  }
0xa1: {  	s23 =	simm.s32 $0x1B8B  }
0xa2: {  	_ =	swait.ge [sflag:s23], $0x1  }
0xa3: {  	[sflag:s23] =	ssyncset.done $0x0  }
0xa4: {  	s25 =	simm.s32 $0x1B8E;
	s24 =	sld [smem:$0x3FFE];
	[sflag:s23] =	ssyncadd.s32 $0xFFFFFFFF  }
0xa5: {  	s26 =	simm.s32 $execute0_lowered;
	[smem:$0x3FD2] =	sst s25  }
0xa6: {  	s4 =	sshll.u32 s26, $0x1;
	_ =	strace $0x80000046;
	[dreg:$0x1] =	wrdreg $0xFFFFFFFF  }
0xa7: {  	s28 =	simm.s32 $_size_execute0_lowered;
	s2 =	sadd.s32 s2, s4;
	[dreg:$0x0] =	wrdreg $0x0  }
0xa8: {  	s4 =	sshll.u32 s28, $0x1;
	[dreg:$0x2] =	wrdreg s2  }
0xa9: {  	[dreg:$0x3] =	wrdreg s4  }
0xaa: {  	[dreg:$0x4] =	wrdreg $0xC0  }
0xab: {  	_ =	task [dreg:s6], $0x5FFFF  }
0xac: {  	[dreg:$0x1] =	wrdreg $0xFFFFFFFF  }
0xad: {  	[dreg:$0x0] =	wrdreg $0x60  }
0xae: {  	[dreg:$0x2] =	wrdreg s24  }
0xaf: {  	[dreg:$0x3] =	wrdreg $0x0  }
0xb0: {  	[dreg:$0x4] =	wrdreg $0x2800  }
0xb1: {  	[dreg:$0x5] =	wrdreg $0x5000  }
0xb2: {  	[dreg:$0x6] =	wrdreg $0x7800  }
0xb3: {  	[dreg:$0x7] =	wrdreg $0x9  }
0xb4: {  	_ =	task.clear_ibuf [dreg:s6], $0x8FFFF;
	_ =	strace $0x90000046  }
0xb5: {  	s29 =	simm.s32 $0x9;
	_ =	strace $0x80000048  }
0xb6: {  	_ =	swait.ge [sflag:s29], $0x1  }
0xb7: {  	[sflag:s29] =	ssyncadd.s32 $0xFFFFFFFF  }
0xb8: {  	_ =	strace $0x90000048  }
0xb9: {  	_ =	sfence  }
0xba: {  	s30 =	sld [smem:$0x0];
	_ =	sdelay $0x2  }
0xbb: {  	s31 =	sshll.u32 s1, $0xD;
	s1 =	sshrl.u32 s1, $0x2  }
0xbc: {  	s3 =	sand.u32 $0x4000, s31;
	s1 =	sadd.s32 s1, s30  }
0xbd: {  	s0 =	sor.u32 s3, s0;
	s1 =	sshll.u32 s1, $0x11  }
0xbe: {  	s0 =	sor.u32 s1, s0  }
0xbf: {  	s0 =	sadd.s32 $0x8F2B, s0  }
0xc0: {  	[sflag:s0] =	ssyncadd.remote.s32 $0x1  }
0xc1: {  	_ =	sfence.sel $0xFFFF  }
0xc2: {  	[dreg:$0x0] =	wrdreg $0xFFFFFFFF;
	(pc) =	sbr.abs _section_cstart, $3  }
0xc3: {  	[dreg:$0x1] =	wrdreg $0xFFFFFFFF  }
0xc4: {  	_ =	task.clear_ibuf [dreg:s6], $0x2FFFF;
	_ =	strace $0x9FFFFFFF  }
0xc5: {  	(tm) =	ssettm $0x7FFFFFFF  }
tec
execute0_lowered:
.L_overlay_start_1:
0x0: {  	(tag) =	ssettag $0x1  }
0x1: {  	s0 =	rddreg [dreg:$0x0]  }
0x2: {  	s1 =	rddreg [dreg:$0x1]  }
0x3: {  	s2 =	rddreg [dreg:$0x2]  }
0x4: {  	s3 =	rddreg [dreg:$0x3]  }
0x5: {  	s5 =	rddreg [dreg:$0x4];
	s6 =	simm.s32 $0x0  }
0x6: {  	s4 =	srdreg.scid;
	s17 =	stileid.u32;
	s28 =	simm.s32 $0xC00  }
0x7: {  	s29 =	simm.s32 $0xB00;
	s30 =	simm.s32 $0xC80;
	s10 =	smul.u32 $0x280, s17  }
0x8: {  	s4 =	sand.u32 $0x1, s4;
	s8 =	sshll.u32 s17, $0x1;
	s17 =	smul.u32 $0xA0, s17  }
0x9: {  	s31 =	simm.s32 $0x1;
	[smem:$0x7FF] =	sst s6;
	s7 =	smul.u32 $0xA000, s4  }
0xa: {  	s9 =	ssub.s32 $0x2, s4;
	s13 =	sor.u32 s4, s8;
	s4 =	smul.u32 $0x50, s4  }
0xb: {  	s11 =	sadd.s32 $0xC600, s0;
	s12 =	sadd.s32 $0x2600, s0;
	s14 =	smul.u32 $0x50, s13  }
0xc: {  	_ =	strace $0x80000047;
	s15 =	sshrl.u32 s9, $0x1;
	s16 =	smul.u32 $0xA00, s13  }
0xd: {  	s8 =	sadd.s32 s10, s2;
	s13 =	smul.u32 $0x500, s13;
	s7 =	sadd.s32 s10, s7  }
0xe: {  	s15 =	ssub.s32 s9, s15;
	s9 =	sadd.s32 s10, s3;
	s4 =	sadd.s32 s4, s17  }
0xf: {  	s7 =	sshrl.u32 s7, $0x3;
	s16 =	sadd.s32 s11, s16;
	s13 =	sadd.s32 s12, s13  }
0x10: {  	s22 =	smax.u32 s15, $0x1;
	s23 =	sshll.u32 s4, $0x4;
	s24 =	sshll.u32 s4, $0x5  }
0x11: {  	s4 =	sor.u32 $0x2, s4;
	s0 =	sadd.s32 s7, s0;
	[dreg:$0x6] =	wrdreg s16  }
0x12: {  	s7 =	sadd.s32 s10, s1;
	s10 =	sadd.s32 s10, s5;
	[dreg:$0x7] =	wrdreg s13  }
0x13: {  	s16 =	sor.u32 $0x1, s14;
	[dreg:$0xe] =	wrdreg s22;
	s25 =	sadd.s32 s24, s11  }
0x14: {  	s4 =	sshrl.u32 s4, $0x1;
	s24 =	simm.s32 $0xD80;
	s14 =	simm.s32 $0x0  }
0x15: {  	s18 =	sshll.u32 s16, $0x5;
	s13 =	sshll.u32 s16, $0x4;
	s19 =	sadd.s32 $0x20600, s0  }
0x16: {  	s20 =	sadd.s32 $0x20B00, s0;
	s21 =	sadd.s32 $0x21000, s0;
	[dreg:$0xa] =	wrdreg s19  }
0x17: {  	s0 =	sadd.s32 $0x21500, s0;
	s26 =	sshll.u32 s4, $0x5;
	[dreg:$0xb] =	wrdreg s20  }
0x18: {  	s4 =	sshll.u32 s4, $0x6;
	s16 =	sadd.s32 s11, s18;
	[dreg:$0xc] =	wrdreg s21  }
0x19: {  	s13 =	sadd.s32 s12, s13;
	[dreg:$0xd] =	wrdreg s0;
	s0 =	sadd.s32 s23, s12  }
.Ltmp0:
0x1a: {  	s22 =	sadd.s32 s26, s12;
	s15 =	sadd.s32 s4, s11;
	(pc) =	sbr.rel .LBB2_1-.Ltmp0, $4  }
0x1b: {  	s26 =	simm.s32 $0xA00;
	s4 =	simm.s32 $0xD00;
	[dreg:$0x8] =	wrdreg s16  }
0x1c: {  	s11 =	simm.s32 $0xA80;
	s12 =	simm.s32 $0x2;
	[dreg:$0x9] =	wrdreg s13  }
0x1d: {  	s20 =	sadd.s32 $0x30, s0;
	s0 =	sadd.s32 $0x60, s25;
	s25 =	simm.s32 $0x3  }
0x1e: {  	v0 =	vimm.f32 $0.0e+00;
	v1 =	vimm.f32 $1.000000000e+00;
	s13 =	simm.s32 $0xB80;
	[dreg:$0xf] =	wrdreg s0;
	s0 =	simm.s32 $0x80  }
.LBB2_4:
0x1f: {  	[bflag:$0x0] =	sbarrier.arrive $0xFFFF  }
0x20: {  	[tilespmem:s24], [sflag:$0x3] =	stream.linear.gather [spmem:s7], $0x280, $0x38;
	[tilespmem:$0x1000] =	vst v63  }
0x21: {  	_ =	swait.ge [sflag:s25], $0x280  }
0x22: {  	[sflag:s25] =	ssyncset.done $0x0  }
0x23: {  	s16 =	rddreg [dreg:$0xa];
	[sflag:s25] =	ssyncadd.s32 $0xFFFFFD80  }
0x24: {  	[hbm4b:s16+s6] =	stream.linear.scatter [tilespmem:s24], [sflag:$0x3], $0x280, $0x38;
	[tilespmem:$0x1000] =	vst v63  }
0x25: {  	_ =	swait.ge [sflag:s25], $0x280  }
0x26: {  	[sflag:s25] =	ssyncset.done $0x0  }
0x27: {  	[sflag:s25] =	ssyncadd.s32 $0xFFFFFD80  }
0x28: {  	[tilespmem:s24], [sflag:$0x3] =	stream.linear.gather [spmem:s8], $0x280, $0x38;
	[tilespmem:$0x1000] =	vst v63  }
0x29: {  	_ =	swait.ge [sflag:s25], $0x280  }
0x2a: {  	[sflag:s25] =	ssyncset.done $0x0  }
0x2b: {  	s18 =	rddreg [dreg:$0xb];
	[sflag:s25] =	ssyncadd.s32 $0xFFFFFD80  }
0x2c: {  	[hbm4b:s18+s6] =	stream.linear.scatter [tilespmem:s24], [sflag:$0x3], $0x280, $0x38;
	[tilespmem:$0x1000] =	vst v63  }
0x2d: {  	_ =	swait.ge [sflag:s25], $0x280  }
0x2e: {  	[sflag:s25] =	ssyncset.done $0x0  }
0x2f: {  	[sflag:s25] =	ssyncadd.s32 $0xFFFFFD80  }
0x30: {  	[tilespmem:s24], [sflag:$0x3] =	stream.linear.gather [spmem:s9], $0x280, $0x38;
	[tilespmem:$0x1000] =	vst v63  }
0x31: {  	_ =	swait.ge [sflag:s25], $0x280  }
0x32: {  	[sflag:s25] =	ssyncset.done $0x0  }
0x33: {  	s19 =	rddreg [dreg:$0xc];
	[sflag:s25] =	ssyncadd.s32 $0xFFFFFD80  }
0x34: {  	[hbm4b:s19+s6] =	stream.linear.scatter [tilespmem:s24], [sflag:$0x3], $0x280, $0x38;
	[tilespmem:$0x1000] =	vst v63  }
0x35: {  	_ =	swait.ge [sflag:s25], $0x280  }
0x36: {  	[sflag:s25] =	ssyncset.done $0x0  }
0x37: {  	[sflag:s25] =	ssyncadd.s32 $0xFFFFFD80  }
0x38: {  	[tilespmem:s24], [sflag:$0x3] =	stream.linear.gather [spmem:s10], $0x280, $0x38;
	[tilespmem:$0x1000] =	vst v63  }
0x39: {  	_ =	swait.ge [sflag:s25], $0x280  }
0x3a: {  	[sflag:s25] =	ssyncset.done $0x0  }
0x3b: {  	s21 =	rddreg [dreg:$0xd];
	[sflag:s25] =	ssyncadd.s32 $0xFFFFFD80  }
0x3c: {  	[hbm4b:s21+s6] =	stream.linear.scatter [tilespmem:s24], [sflag:$0x3], $0x280, $0x38;
	[tilespmem:$0x1000] =	vst v63  }
0x3d: {  	_ =	swait.ge [sflag:s25], $0x280  }
0x3e: {  	s14 =	sadd.s32 $0x1, s14;
	s23 =	rddreg [dreg:$0xe]  }
0x3f: {  	p0 =	sne.s32 s14, s23  }
.Ltmp1:
0x40: {  	_ = 	snop;
	(pc) =	sbr.rel @!p0 .LBB2_5-.Ltmp1, $3  }
0x41: {  	_ =	sdelay $0x1  }
0x42: {  	[sflag:s25] =	ssyncset.done $0x0  }
0x43: {  	[sflag:s25] =	ssyncadd.s32 $0xFFFFFD80  }
.LBB2_1:
0x44: {  	[tilespmem:$0xD80] =	vst v0  }
0x45: {  	[tilespmem:$0xD90] =	vst v0  }
0x46: {  	[tilespmem:$0xDA0] =	vst v0  }
0x47: {  	[tilespmem:$0xDB0] =	vst v0  }
0x48: {  	[tilespmem:$0xDC0] =	vst v0  }
0x49: {  	[tilespmem:$0xDD0] =	vst v0  }
0x4a: {  	[tilespmem:$0xDE0] =	vst v0  }
0x4b: {  	[tilespmem:$0xDF0] =	vst v0  }
0x4c: {  	[tilespmem:$0xE00] =	vst v0  }
0x4d: {  	[tilespmem:$0xE10] =	vst v0  }
0x4e: {  	[tilespmem:$0xE20] =	vst v0  }
0x4f: {  	[tilespmem:$0xE30] =	vst v0  }
0x50: {  	[tilespmem:$0xE40] =	vst v0  }
0x51: {  	[tilespmem:$0xE50] =	vst v0  }
0x52: {  	[tilespmem:$0xE60] =	vst v0  }
0x53: {  	[tilespmem:$0xE70] =	vst v0  }
0x54: {  	[tilespmem:$0xE80] =	vst v0  }
0x55: {  	[tilespmem:$0xE90] =	vst v0  }
0x56: {  	[tilespmem:$0xEA0] =	vst v0  }
0x57: {  	[tilespmem:$0xEB0] =	vst v0  }
0x58: {  	[tilespmem:$0xEC0] =	vst v0  }
0x59: {  	[tilespmem:$0xED0] =	vst v0  }
0x5a: {  	[tilespmem:$0xEE0] =	vst v0  }
0x5b: {  	[tilespmem:$0xEF0] =	vst v0  }
0x5c: {  	[tilespmem:$0xF00] =	vst v0  }
0x5d: {  	[tilespmem:$0xF10] =	vst v0  }
0x5e: {  	[tilespmem:$0xF20] =	vst v0  }
0x5f: {  	[tilespmem:$0xF30] =	vst v0  }
0x60: {  	[tilespmem:$0xF40] =	vst v0  }
0x61: {  	[tilespmem:$0xF50] =	vst v0  }
0x62: {  	[tilespmem:$0xF60] =	vst v0  }
0x63: {  	[tilespmem:$0xF70] =	vst v0  }
0x64: {  	[tilespmem:$0xF80] =	vst v0  }
0x65: {  	[tilespmem:$0xF90] =	vst v0  }
0x66: {  	[tilespmem:$0xFA0] =	vst v0  }
0x67: {  	[tilespmem:$0xFB0] =	vst v0  }
0x68: {  	[tilespmem:$0xFC0] =	vst v0  }
0x69: {  	[tilespmem:$0xFD0] =	vst v0  }
0x6a: {  	[tilespmem:$0xFE0] =	vst v0  }
0x6b: {  	[tilespmem:$0xFF0] =	vst v0  }
0x6c: {  	[tilespmem:$0xD00] =	vst v1  }
0x6d: {  	[tilespmem:$0xD10] =	vst v1  }
0x6e: {  	[tilespmem:$0xD20] =	vst v1  }
0x6f: {  	[tilespmem:$0xD30] =	vst v1  }
0x70: {  	[tilespmem:$0xD40] =	vst v1  }
0x71: {  	[tilespmem:$0xD50] =	vst v1  }
0x72: {  	[tilespmem:$0xD60] =	vst v1  }
0x73: {  	[tilespmem:$0xD70] =	vst v1  }
0x74: {  	[spmem:s7] =	stream.linear.scatter [tilespmem:s24], [sflag:$0x3], $0x280, $0x38;
	[tilespmem:$0x1000] =	vst v63  }
0x75: {  	_ =	swait.ge [sflag:s25], $0x280  }
0x76: {  	[sflag:s25] =	ssyncset.done $0x0  }
0x77: {  	[sflag:s25] =	ssyncadd.s32 $0xFFFFFD80  }
0x78: {  	[spmem:s8] =	stream.linear.scatter [tilespmem:s24], [sflag:$0x3], $0x280, $0x38;
	[tilespmem:$0x1000] =	vst v63  }
0x79: {  	_ =	swait.ge [sflag:s25], $0x280  }
0x7a: {  	[sflag:s25] =	ssyncset.done $0x0  }
0x7b: {  	[sflag:s25] =	ssyncadd.s32 $0xFFFFFD80  }
0x7c: {  	[spmem:s9] =	stream.linear.scatter [tilespmem:s24], [sflag:$0x3], $0x280, $0x38;
	[tilespmem:$0x1000] =	vst v63  }
0x7d: {  	_ =	swait.ge [sflag:s25], $0x280  }
0x7e: {  	[sflag:s25] =	ssyncset.done $0x0  }
0x7f: {  	[sflag:s25] =	ssyncadd.s32 $0xFFFFFD80  }
0x80: {  	[spmem:s10] =	stream.linear.scatter [tilespmem:s24], [sflag:$0x3], $0x280, $0x38;
	[tilespmem:$0x1000] =	vst v63  }
0x81: {  	_ =	swait.ge [sflag:s25], $0x280  }
0x82: {  	[sflag:s25] =	ssyncset.done $0x0  }
0x83: {  	[sflag:s25] =	ssyncadd.s32 $0xFFFFFD80  }
0x84: {  	[bflag:$0x0] =	sbarrier.arrive $0xFFFF  }
0x85: {  	s16 =	rddreg [dreg:$0x6]  }
0x86: {  	[tilespmem:s26], [sflag:$0x1] =	stream.linear.gather [hbm4b:s16+s6], $0x100, $0x38;
	[tilespmem:$0x1000] =	vst v63  }
0x87: {  	s19 =	rddreg [dreg:$0x7]  }
0x88: {  	[tilespmem:s28], [sflag:$0x1] =	stream.linear.gather [hbm4b:s19+s6], $0x80, $0x38;
	[tilespmem:$0x1000] =	vst v63  }
0x89: {  	s21 =	rddreg [dreg:$0x8]  }
0x8a: {  	[tilespmem:s29], [sflag:$0x2] =	stream.linear.gather [hbm4b:s21+s6], $0x100, $0x38;
	[tilespmem:$0x1000] =	vst v63  }
0x8b: {  	s23 =	rddreg [dreg:$0x9]  }
0x8c: {  	[tilespmem:s30], [sflag:$0x2] =	stream.linear.gather [hbm4b:s23+s6], $0x80, $0x38;
	[tilespmem:$0x1000] =	vst v63  }
0x8d: {  	s17 =	simm.s32 $0x0;
	s21 =	rddreg [dreg:$0xf];
	s23 =	smov.u32 s15  }
.LBB2_2:
0x8e: {  	_ =	swait.ge [sflag:s31], $0x100  }
0x8f: {  	[sflag:s31] =	ssyncset.done $0x0  }
0x90: {  	[sflag:s31] =	ssyncadd.s32 $0xFFFFFF00  }
0x91: {  	_ =	swait.ge [sflag:s31], $0x80  }
0x92: {  	[sflag:s31] =	ssyncset.done $0x0  }
0x93: {  	[sflag:s31] =	ssyncadd.s32 $0xFFFFFF80  }
0x94: {  	[spmem:s1] =	stream.indirect.scatter.add.f32 [tilespmem:s28], [sflag:$0x3], $0x1, s26, s0, $0xb8;
	[tilespmem:$0x1000] =	vst v63  }
0x95: {  	_ =	swait.ge [sflag:s25], $0x80  }
0x96: {  	[sflag:s25] =	ssyncset.done $0x0  }
0x97: {  	[sflag:s25] =	ssyncadd.s32 $0xFFFFFF80  }
0x98: {  	[spmem:s2] =	stream.indirect.scatter.add.f32 [tilespmem:s4], [sflag:$0x3], $0x1, s26, s0, $0xb8;
	[tilespmem:$0x1000] =	vst v63  }
0x99: {  	_ =	swait.ge [sflag:s25], $0x80  }
0x9a: {  	[sflag:s25] =	ssyncset.done $0x0  }
0x9b: {  	[sflag:s25] =	ssyncadd.s32 $0xFFFFFF80  }
0x9c: {  	[spmem:s3] =	stream.indirect.scatter.add.f32 [tilespmem:s28], [sflag:$0x3], $0x1, s11, s0, $0xb8;
	[tilespmem:$0x1000] =	vst v63  }
0x9d: {  	_ =	swait.ge [sflag:s25], $0x80  }
0x9e: {  	[sflag:s25] =	ssyncset.done $0x0  }
0x9f: {  	[sflag:s25] =	ssyncadd.s32 $0xFFFFFF80  }
0xa0: {  	[spmem:s5] =	stream.indirect.scatter.add.f32 [tilespmem:s4], [sflag:$0x3], $0x1, s11, s0, $0xb8;
	[tilespmem:$0x1000] =	vst v63  }
0xa1: {  	_ =	swait.ge [sflag:s25], $0x80  }
0xa2: {  	p0 =	seq.s32 s17, $0x4E0;
	[sflag:s25] =	ssyncset.done $0x0  }
0xa3: {  	s18 =	simm.s32 @!p0 $0x0;
	s19 =	simm.s32 @!p0 $0xA00;
	[sflag:s25] =	ssyncadd.s32 $0xFFFFFF80  }
0xa4: {  	[tilespmem:s19], [sflag:$0x1] =	stream.linear.gather @!p0 [hbm4b:s23+s18], $0x100, $0x38;
	[tilespmem:$0x1000] =	vst v63  }
0xa5: {  	s16 =	simm.s32 @!p0 $0xC00;
	s19 =	sadd.s32 @!p0 s17, s22  }
0xa6: {  	[tilespmem:s16], [sflag:$0x1] =	stream.linear.gather @!p0 [hbm4b:s19+s18], $0x80, $0x38;
	[tilespmem:$0x1000] =	vst v63  }
0xa7: {  	_ =	swait.ge [sflag:s12], $0x100  }
0xa8: {  	[sflag:s12] =	ssyncset.done $0x0  }
0xa9: {  	[sflag:s12] =	ssyncadd.s32 $0xFFFFFF00  }
0xaa: {  	_ =	swait.ge [sflag:s12], $0x80  }
0xab: {  	[sflag:s12] =	ssyncset.done $0x0  }
0xac: {  	[sflag:s12] =	ssyncadd.s32 $0xFFFFFF80  }
0xad: {  	[spmem:s1] =	stream.indirect.scatter.add.f32 [tilespmem:s30], [sflag:$0x3], $0x1, s29, s0, $0xb8;
	[tilespmem:$0x1000] =	vst v63  }
0xae: {  	_ =	swait.ge [sflag:s25], $0x80  }
0xaf: {  	[sflag:s25] =	ssyncset.done $0x0  }
0xb0: {  	[sflag:s25] =	ssyncadd.s32 $0xFFFFFF80  }
0xb1: {  	[spmem:s2] =	stream.indirect.scatter.add.f32 [tilespmem:s4], [sflag:$0x3], $0x1, s29, s0, $0xb8;
	[tilespmem:$0x1000] =	vst v63  }
0xb2: {  	_ =	swait.ge [sflag:s25], $0x80  }
0xb3: {  	[sflag:s25] =	ssyncset.done $0x0  }
0xb4: {  	[sflag:s25] =	ssyncadd.s32 $0xFFFFFF80  }
0xb5: {  	[spmem:s3] =	stream.indirect.scatter.add.f32 [tilespmem:s30], [sflag:$0x3], $0x1, s13, s0, $0xb8;
	[tilespmem:$0x1000] =	vst v63  }
0xb6: {  	_ =	swait.ge [sflag:s25], $0x80  }
0xb7: {  	[sflag:s25] =	ssyncset.done $0x0  }
.Ltmp2:
0xb8: {  	[sflag:s25] =	ssyncadd.s32 $0xFFFFFF80;
	(pc) =	sbr.rel @p0 .LBB2_4-.Ltmp2, $4  }
0xb9: {  	[spmem:s5] =	stream.indirect.scatter.add.f32 [tilespmem:s4], [sflag:$0x3], $0x1, s13, s0, $0xb8;
	[tilespmem:$0x1000] =	vst v63  }
0xba: {  	_ =	swait.ge [sflag:s25], $0x80  }
0xbb: {  	[sflag:s25] =	ssyncset.done $0x0  }
0xbc: {  	[sflag:s25] =	ssyncadd.s32 $0xFFFFFF80  }
.Ltmp3:
0xbd: {  	(pc) =	sbr.rel .LBB2_2-.Ltmp3, $4  }
0xbe: {  	[tilespmem:s29], [sflag:$0x2] =	stream.linear.gather [hbm4b:s21+s6], $0x100, $0x38;
	[tilespmem:$0x1000] =	vst v63  }
0xbf: {  	s16 =	sadd.s32 s17, s20  }
0xc0: {  	s17 =	sadd.s32 $0x20, s17;
	s21 =	sadd.s32 $0x40, s21;
	s23 =	sadd.s32 $0x40, s23  }
0xc1: {  	[tilespmem:s30], [sflag:$0x2] =	stream.linear.gather [hbm4b:s16+s6], $0x80, $0x38;
	[tilespmem:$0x1000] =	vst v63  }
.LBB2_5:
0xc2: {  	_ =	sfence.sel $0x180000  }
0xc3: {  	[bflag:$0x0] =	sbarrier.arrive $0xFFFF  }
0xc4: {  	_ =	strace $0x90000047  }
0xc5: {  	s0 =	stileid.u32;
	[bflag:$0x2] =	sbarrier.arrive $0xFFFF  }
0xc6: {  	p0 =	sne.s32 s0, $0x0;
	s0 =	rddreg [dreg:$0x5]  }
0xc7: {  	s0 =	sadd.s32 @!p0 $0x100000, s0  }
0xc8: {  	[sflag:s0] =	ssyncadd.tile.s32 @!p0 $0x1;
	_ =	shalt  }
.Lfunc_end2:
_tile_overlayer_lowered:
.L_overlay_start_2:
0xc9: {  	(tag) =	ssettag $0x2  }
0xca: {  	s0 =	rddreg [dreg:$0x0];
	s2 =	stileid.u32  }
0xcb: {  	s1 =	rddreg [dreg:$0x1];
	p0 =	sne.s32 s2, $0x0  }
0xcc: {  	s3 =	rddreg [dreg:$0x2];
	[bflag:$0x3] =	sbarrier.arrive $0xFFFF;
	s2 =	simm.s32 @!p0 $0x1C03  }
0xcd: {  	[timem:s3], [sflag:s2] =	dma.local @!p0 [hbm:s0], s1  }
0xce: {  	s0 =	simm.s32 @!p0 $0x3  }
0xcf: {  	_ =	swait.ge @!p0 [sflag:s0], s1  }
0xd0: {  	s1 =	ssub.s32 @!p0 $0x0, s1;
	[sflag:s0] =	ssyncset.done @!p0 $0x0  }
0xd1: {  	[sflag:s0] =	ssyncadd.s32 @!p0 s1  }
0xd2: {  	[bflag:$0x3] =	sbarrier.arrive $0xFFFF  }
0xd3: {  	_ =	shalt  }

</sc_bundles>
